<compile_context>
chip_gen: v7x
topology: tpu7x:2x2x1
jax: 0.10.2.dev20260603
libtpu: 0.0.44.dev20260713+nightly
codegen_flags: <defaults>
</compile_context>

<pallas_src>
import functools

import jax
import jax.numpy as jnp
from jax import lax
from jax.experimental import pallas as pl
from jax.experimental.pallas import tpu as pltpu
from jax.experimental.pallas import tpu_sc as plsc

K = 8192
D = 256
N = 8192
BETA = 0.25
BN = 256
NSTEPS = N // BN

NW = 32
B_PER_W = N // NW


CHUNK = 2048
NCHUNK = K // CHUNK


SUBB = 64


def _dist_argmin_body(z_ref, zn_ref, wn_ref, wtb_ref, idx_ref, loss_ref):
    i = pl.program_id(0)

    zb = (z_ref[...] * -2.0).astype(jnp.bfloat16)
    mm2 = jnp.dot(zb, wtb_ref[...],
                  preferred_element_type=jnp.float32)
    t1 = zn_ref[...] + wn_ref[...]
    d = t1 + mm2

    lane = lax.broadcasted_iota(jnp.int32, (SUBB, 128), 1)

    parts = []
    for rb in range(BN // SUBB):
        dsub = d[rb * SUBB:(rb + 1) * SUBB, :]
        idx = None
        for c in range(NCHUNK):
            c_hi = (c + 1) * (CHUNK // 128) - 1
            best_l = dsub[:, c_hi * 128:(c_hi + 1) * 128]
            bcol = jnp.full((SUBB, 128), c_hi, jnp.int32)
            for cc in range(c_hi - 1, c * (CHUNK // 128) - 1, -1):
                v = dsub[:, cc * 128:(cc + 1) * 128]
                upd = v <= best_l
                best_l = jnp.where(upd, v, best_l)
                bcol = jnp.where(upd, cc, bcol)
            m = jnp.min(best_l, axis=1)
            kk = bcol * 128 + lane
            cand = jnp.where(best_l == m[:, None], kk, K)
            ic = jnp.min(cand, axis=1).astype(jnp.int32)
            if idx is None:
                best = m.astype(jnp.bfloat16).astype(jnp.float32)
                idx = ic
                dpick = m
            else:
                upd = m < best
                best = jnp.where(upd,
                                 m.astype(jnp.bfloat16).astype(jnp.float32),
                                 best)
                idx = jnp.where(upd, ic, idx)
                dpick = jnp.where(upd, m, dpick)
        idx_ref[0, 0, rb * SUBB:(rb + 1) * SUBB] = idx
        parts.append(jnp.sum(dpick))

    s = sum(parts)

    @pl.when(i == 0)
    def _():
        loss_ref[0, 0] = s

    @pl.when(i > 0)
    def _():
        loss_ref[0, 0] += s

    @pl.when(i == NSTEPS - 1)
    def _():
        loss_ref[0, 0] *= BETA / (N * D)


def _dist_argmin(zb, z_norm, w_norm, wtb):
    return pl.pallas_call(
        _dist_argmin_body,
        grid=(NSTEPS,),
        in_specs=[
            pl.BlockSpec((BN, D), lambda i: (i, 0)),
            pl.BlockSpec((BN, 1), lambda i: (i, 0)),
            pl.BlockSpec((1, K), lambda i: (0, 0)),
            pl.BlockSpec((D, K), lambda i: (0, 0)),
        ],
        out_specs=[
            pl.BlockSpec((1, 1, BN), lambda i: (i, 0, 0)),
            pl.BlockSpec((1, 1), lambda i: (0, 0), memory_space=pltpu.SMEM),
        ],
        out_shape=[
            jax.ShapeDtypeStruct((NSTEPS, 1, BN), jnp.int32),
            jax.ShapeDtypeStruct((1, 1), jnp.float32),
        ],
    )(zb, z_norm, w_norm, wtb)


@functools.cache
def _make_sc_gather():
    mesh = plsc.VectorSubcoreMesh(core_axis_name="c", subcore_axis_name="s")

    @functools.partial(
        pl.kernel,
        mesh=mesh,
        out_type=jax.ShapeDtypeStruct((N, D), jnp.float32),
        scratch_types=[
            pltpu.VMEM((B_PER_W,), jnp.int32),
            pltpu.VMEM((B_PER_W, D), jnp.float32),
            pltpu.SemaphoreType.DMA,
        ],
    )
    def sc_gather(table_hbm, idx_hbm, out_hbm, idx_v, rows_v, sem):
        wid = lax.axis_index("s") * 2 + lax.axis_index("c")
        base = wid * B_PER_W
        pltpu.sync_copy(idx_hbm.at[pl.ds(base, B_PER_W)], idx_v)
        pltpu.async_copy(table_hbm.at[idx_v], rows_v, sem).wait()
        pltpu.sync_copy(rows_v, out_hbm.at[pl.ds(base, B_PER_W)])

    return sc_gather


def _st_body(z_ref, zq_ref, out_ref):
    z = z_ref[...]
    out_ref[...] = z + (zq_ref[...] - z)


def _st(z_flat, z_q):
    return pl.pallas_call(
        _st_body,
        grid=(8,),
        in_specs=[
            pl.BlockSpec((N // 8, D), lambda i: (i, 0)),
            pl.BlockSpec((N // 8, D), lambda i: (i, 0)),
        ],
        out_specs=pl.BlockSpec((N // 8, D), lambda i: (i, 0)),
        out_shape=jax.ShapeDtypeStruct((N, D), jnp.float32),
    )(z_flat, z_q)


def kernel(z_e, W):
    z_flat = z_e.reshape(N, D)
    wtb = W.T.astype(jnp.bfloat16)
    z_norm = jnp.sum(z_flat ** 2, axis=1, keepdims=True)
    w_norm = jnp.sum(W ** 2, axis=1).reshape(1, K)

    idx3, loss_acc = _dist_argmin(z_flat, z_norm, w_norm, wtb)
    idx_flat = idx3.reshape(N)

    z_q = _make_sc_gather()(W, idx_flat)
    z_q_st = _st(z_flat, z_q).reshape(z_e.shape)

    indices = idx_flat.reshape(z_e.shape[:-1])
    loss = loss_acc[0, 0]
    return (z_q_st, indices, loss)

# --- scband reference (transcript-rebuilt; emitter-appended) ---
"""Pipeline reference for scband-vector-quantizer-ema-57466662420695 (READ-ONLY COPY).

The authoritative reference and input builder live on the scoring server;
editing this copy changes nothing except your own understanding.
"""

import jax, jax.numpy as jnp
import numpy as np

CODEBOOK_SIZE = 8192
EMBEDDING_DIM = 256
BETA = 0.25

def setup_inputs(seed: int = 0) -> dict:
    key = jax.random.key(seed)
    k1, k2 = jax.random.split(key)
    z_e = jax.random.normal(k1, (8, 1024, EMBEDDING_DIM), dtype=jnp.float32)
    W = jax.random.uniform(k2, (CODEBOOK_SIZE, EMBEDDING_DIM), dtype=jnp.float32,
                           minval=-1.0 / CODEBOOK_SIZE, maxval=1.0 / CODEBOOK_SIZE)
    return {"z_e": z_e, "W": W}

def reference(z_e, W):
    # Faithful translation of VectorQuantizerEMA.forward (first call: EMA branch is a no-op
    # since batch_counter % update_frequency != 0 on step 1).
    D = W.shape[1]
    z_e_flat = z_e.reshape(-1, D)
    z_e_norm = jnp.sum(z_e_flat ** 2, axis=1, keepdims=True)            # [N, 1]
    embed_norm = jnp.sum(W ** 2, axis=1)                                 # [K]
    distance_mat = z_e_norm + embed_norm - 2.0 * jnp.matmul(z_e_flat, W.T)  # [N, K]
    encoding_indices = jnp.argmin(distance_mat, axis=1)                  # [N]
    encoding_indices_view = encoding_indices.reshape(z_e.shape[:-1])     # [B, HW]
    z_q = jnp.take(W, encoding_indices_view, axis=0)                     # [B, HW, D]
    loss = BETA * jnp.mean((jax.lax.stop_gradient(z_q) - z_e) ** 2)
    z_q_st = z_e + jax.lax.stop_gradient(z_q - z_e)
    return (z_q_st, encoding_indices_view, loss)

if __name__ == "__main__":
    import jax
    _d = setup_inputs()
    print(jax.jit(kernel)(*tuple(_d.values())))

</pallas_src>

<mosaic_0001>
#map = affine_map<(d0, d1) -> (0, 0)>
#map1 = affine_map<(d0, d1) -> (0)>
module attributes {stable_mosaic.version = 14 : i64} {
  func.func @sc_gather(%arg0: i32, %arg1: i32, %arg2: memref<8192x256xf32, #tpu.memory_space<hbm>>, %arg3: memref<8192xi32, #tpu.memory_space<hbm>>, %arg4: memref<8192x256xf32, #tpu.memory_space<hbm>>, %arg5: memref<256xi32, #tpu.memory_space<vmem>>, %arg6: memref<256x256xf32, #tpu.memory_space<vmem>>, %arg7: memref<!tpu.dma_semaphore, #tpu.memory_space<semaphore_mem>>) attributes {dimension_semantics = [#tpu.dimension_semantics<core_parallel>, #tpu.dimension_semantics<subcore_parallel>], iteration_bounds = array<i64: 2, 16>, scalar_prefetch = 0 : i64, scratch_operands = 3 : i64, tpu.core_type = #tpu.core_type<sc_vector_subcore>, window_params = [{transform_indices = #map}, {transform_indices = #map1}, {transform_indices = #map}]} {
    %mul3A = arith.constant 2 : i32
    %mul3A_0 = arith.muli %arg1, %mul3A : i32
    %add3A = arith.addi %mul3A_0, %arg0 : i32
    %mul3A_1 = arith.constant 256 : i32
    %mul3A_2 = arith.muli %add3A, %mul3A_1 : i32
    "tpu.region"() ({
      %run_scoped3A = tpu.sem_alloc : memref<!tpu.dma_semaphore, #tpu.memory_space<semaphore_mem>>
      %dma_start3A_7 = tpu.memref_slice %arg3[%mul3A_2] : memref<8192xi32, #tpu.memory_space<hbm>> -> memref<256xi32, #tpu.memory_space<hbm>>
      %dma_start3A_8 = tpu.memref_slice %arg3[%mul3A_2] : memref<8192xi32, #tpu.memory_space<hbm>> -> memref<256xi32, #tpu.memory_space<hbm>>
      tpu.enqueue_dma source(%dma_start3A_8 : memref<256xi32, #tpu.memory_space<hbm>>) target(%arg5 : memref<256xi32, #tpu.memory_space<vmem>>) target_semaphore(%run_scoped3A : memref<!tpu.dma_semaphore, #tpu.memory_space<semaphore_mem>>)
      %dma_wait3A_9 = tpu.memref_slice %arg3[%mul3A_2] : memref<8192xi32, #tpu.memory_space<hbm>> -> memref<256xi32, #tpu.memory_space<hbm>>
      %dma_wait3A_10 = tpu.memref_slice %arg3[%mul3A_2] : memref<8192xi32, #tpu.memory_space<hbm>> -> memref<256xi32, #tpu.memory_space<hbm>>
      tpu.wait_dma2 semaphore(%run_scoped3A : memref<!tpu.dma_semaphore, #tpu.memory_space<semaphore_mem>>) src(%dma_wait3A_10 : memref<256xi32, #tpu.memory_space<hbm>>) dst(%arg5 : memref<256xi32, #tpu.memory_space<vmem>>)
      tpu.yield
    }) : () -> ()
    %dma_start3A = arith.constant 0 : i32
    %dma_start3A_3 = arith.constant 0 : i32
    %dma_start3A_4 = tpu.memref_slice %arg2[%dma_start3A, %dma_start3A_3] : memref<8192x256xf32, #tpu.memory_space<hbm>> -> memref<8192x256xf32, #tpu.memory_space<hbm>>
    tpu.enqueue_indirect_dma source(%dma_start3A_4 : memref<8192x256xf32, #tpu.memory_space<hbm>>) target(%arg6 : memref<256x256xf32, #tpu.memory_space<vmem>>) offsets(%arg5 : memref<256xi32, #tpu.memory_space<vmem>>) semaphore(%arg7 : memref<!tpu.dma_semaphore, #tpu.memory_space<semaphore_mem>>)
    %dma_wait3A = arith.constant 0 : i32
    %dma_wait3A_5 = arith.constant 0 : i32
    %dma_wait3A_6 = tpu.memref_slice %arg2[%dma_wait3A, %dma_wait3A_5] : memref<8192x256xf32, #tpu.memory_space<hbm>> -> memref<8192x256xf32, #tpu.memory_space<hbm>>
    tpu.wait_indirect_dma semaphore(%arg7 : memref<!tpu.dma_semaphore, #tpu.memory_space<semaphore_mem>>) src(%dma_wait3A_6 : memref<8192x256xf32, #tpu.memory_space<hbm>>) dst(%arg6 : memref<256x256xf32, #tpu.memory_space<vmem>>)
    "tpu.region"() ({
      %run_scoped3A = tpu.sem_alloc : memref<!tpu.dma_semaphore, #tpu.memory_space<semaphore_mem>>
      %dma_start3A_7 = arith.constant 0 : i32
      %dma_start3A_8 = tpu.memref_slice %arg4[%mul3A_2, %dma_start3A_7] : memref<8192x256xf32, #tpu.memory_space<hbm>> -> memref<256x256xf32, #tpu.memory_space<hbm>>
      %dma_start3A_9 = arith.constant 0 : i32
      %dma_start3A_10 = tpu.memref_slice %arg4[%mul3A_2, %dma_start3A_9] : memref<8192x256xf32, #tpu.memory_space<hbm>> -> memref<256x256xf32, #tpu.memory_space<hbm>>
      tpu.enqueue_dma source(%arg6 : memref<256x256xf32, #tpu.memory_space<vmem>>) target(%dma_start3A_10 : memref<256x256xf32, #tpu.memory_space<hbm>>) target_semaphore(%run_scoped3A : memref<!tpu.dma_semaphore, #tpu.memory_space<semaphore_mem>>)
      %dma_wait3A_11 = arith.constant 0 : i32
      %dma_wait3A_12 = tpu.memref_slice %arg4[%mul3A_2, %dma_wait3A_11] : memref<8192x256xf32, #tpu.memory_space<hbm>> -> memref<256x256xf32, #tpu.memory_space<hbm>>
      %dma_wait3A_13 = arith.constant 0 : i32
      %dma_wait3A_14 = tpu.memref_slice %arg4[%mul3A_2, %dma_wait3A_13] : memref<8192x256xf32, #tpu.memory_space<hbm>> -> memref<256x256xf32, #tpu.memory_space<hbm>>
      tpu.wait_dma2 semaphore(%run_scoped3A : memref<!tpu.dma_semaphore, #tpu.memory_space<semaphore_mem>>) src(%arg6 : memref<256x256xf32, #tpu.memory_space<vmem>>) dst(%dma_wait3A_14 : memref<256x256xf32, #tpu.memory_space<hbm>>)
      tpu.yield
    }) : () -> ()
    return
  }
}

module attributes {stable_mosaic.version = 14 : i64} {
  func.func @_dist_argmin_body(%arg0: i32, %arg1: memref<256x256xf32, #tpu.memory_space<vmem>>, %arg2: memref<256x1xf32, #tpu.memory_space<vmem>>, %arg3: memref<1x8192xf32, #tpu.memory_space<vmem>>, %arg4: memref<256x8192xbf16, #tpu.memory_space<vmem>>, %arg5: memref<1x1x256xi32, #tpu.memory_space<vmem>>, %arg6: memref<1x1xf32, #tpu.memory_space<smem>>) attributes {dimension_semantics = [#tpu.dimension_semantics<arbitrary>], iteration_bounds = array<i64: 32>, scalar_prefetch = 0 : i64, scratch_operands = 0 : i64, tpu.core_type = #tpu.core_type<tc>, window_params = [{transform_indices = @transform_0, window_bounds = array<i64: 256, 256>}, {transform_indices = @transform_1, window_bounds = array<i64: 256, 1>}, {pipeline_mode = #tpu.pipeline_mode<synchronous>, transform_indices = @transform_2, window_bounds = array<i64: 1, 8192>}, {pipeline_mode = #tpu.pipeline_mode<synchronous>, transform_indices = @transform_3, window_bounds = array<i64: 256, 8192>}, {transform_indices = @transform_4, window_bounds = array<i64: 1, 1, 256>}, {transform_indices = @transform_5, window_bounds = array<i64: 1, 1>}]} {
    %get3A = arith.constant 0 : index
    %get3A_0 = arith.constant 0 : index
    %get3A_1 = vector.load %arg1[%get3A, %get3A_0] : memref<256x256xf32, #tpu.memory_space<vmem>>, vector<256x256xf32>
    %mul3A = arith.constant -2.000000e+00 : f32
    %mul3A_2 = vector.broadcast %mul3A : f32 to vector<256x256xf32>
    %mul3A_3 = arith.mulf %get3A_1, %mul3A_2 : vector<256x256xf32>
    %convert_element_type3A = arith.truncf %mul3A_3 : vector<256x256xf32> to vector<256x256xbf16>
    %get3A_4 = arith.constant 0 : index
    %get3A_5 = arith.constant 0 : index
    %get3A_6 = vector.load %arg4[%get3A_4, %get3A_5] : memref<256x8192xbf16, #tpu.memory_space<vmem>>, vector<256x8192xbf16>
    %dot_general3A = arith.constant dense<0.000000e+00> : vector<256x8192xf32>
    %dot_general3A_7 = tpu.matmul %convert_element_type3A, %get3A_6, %dot_general3A {dimension_numbers = #tpu.dot_dimension_numbers<[1], [0], [0], [1], [0, 0, 1, 1], [], []>, transpose_lhs_hint = false} : vector<256x256xbf16>, vector<256x8192xbf16>, vector<256x8192xf32> -> vector<256x8192xf32>
    %get3A_8 = arith.constant 0 : index
    %get3A_9 = arith.constant 0 : index
    %get3A_10 = vector.load %arg2[%get3A_8, %get3A_9] : memref<256x1xf32, #tpu.memory_space<vmem>>, vector<256x1xf32>
    %get3A_11 = arith.constant 0 : index
    %get3A_12 = arith.constant 0 : index
    %get3A_13 = vector.load %arg3[%get3A_11, %get3A_12] : memref<1x8192xf32, #tpu.memory_space<vmem>>, vector<1x8192xf32>
    %add3A = vector.broadcast %get3A_10 : vector<256x1xf32> to vector<256x8192xf32>
    %add3A_14 = vector.broadcast %get3A_13 : vector<1x8192xf32> to vector<256x8192xf32>
    %add3A_15 = arith.addf %add3A, %add3A_14 : vector<256x8192xf32>
    %add3A_16 = arith.addf %add3A_15, %dot_general3A_7 : vector<256x8192xf32>
    %iota3A = tpu.iota {dimensions = array<i32: 1>} : vector<64x128xi32>
    %slice3A = vector.extract_strided_slice %add3A_16 {offsets = [0, 0], sizes = [64, 8192], strides = [1, 1]} : vector<256x8192xf32> to vector<64x8192xf32>
    %slice3A_17 = vector.extract_strided_slice %slice3A {offsets = [0, 1920], sizes = [64, 128], strides = [1, 1]} : vector<64x8192xf32> to vector<64x128xf32>
    %broadcast_in_dim3A = arith.constant 15 : i32
    %broadcast_in_dim3A_18 = vector.broadcast %broadcast_in_dim3A : i32 to vector<64x128xi32>
    %slice3A_19 = vector.extract_strided_slice %slice3A {offsets = [0, 1792], sizes = [64, 128], strides = [1, 1]} : vector<64x8192xf32> to vector<64x128xf32>
    %le3A = arith.cmpf ole, %slice3A_19, %slice3A_17 : vector<64x128xf32>
    %select_n3A = arith.select %le3A, %slice3A_19, %slice3A_17 : vector<64x128xi1>, vector<64x128xf32>
    %jit3A = arith.constant 14 : i32
    %broadcast_in_dim3A_20 = vector.broadcast %jit3A : i32 to vector<64x128xi32>
    %select_n3A_21 = arith.select %le3A, %broadcast_in_dim3A_20, %broadcast_in_dim3A_18 : vector<64x128xi1>, vector<64x128xi32>
    %slice3A_22 = vector.extract_strided_slice %slice3A {offsets = [0, 1664], sizes = [64, 128], strides = [1, 1]} : vector<64x8192xf32> to vector<64x128xf32>
    %le3A_23 = arith.cmpf ole, %slice3A_22, %select_n3A : vector<64x128xf32>
    %select_n3A_24 = arith.select %le3A_23, %slice3A_22, %select_n3A : vector<64x128xi1>, vector<64x128xf32>
    %jit3A_25 = arith.constant 13 : i32
    %broadcast_in_dim3A_26 = vector.broadcast %jit3A_25 : i32 to vector<64x128xi32>
    %select_n3A_27 = arith.select %le3A_23, %broadcast_in_dim3A_26, %select_n3A_21 : vector<64x128xi1>, vector<64x128xi32>
    %slice3A_28 = vector.extract_strided_slice %slice3A {offsets = [0, 1536], sizes = [64, 128], strides = [1, 1]} : vector<64x8192xf32> to vector<64x128xf32>
    %le3A_29 = arith.cmpf ole, %slice3A_28, %select_n3A_24 : vector<64x128xf32>
    %select_n3A_30 = arith.select %le3A_29, %slice3A_28, %select_n3A_24 : vector<64x128xi1>, vector<64x128xf32>
    %jit3A_31 = arith.constant 12 : i32
    %broadcast_in_dim3A_32 = vector.broadcast %jit3A_31 : i32 to vector<64x128xi32>
    %select_n3A_33 = arith.select %le3A_29, %broadcast_in_dim3A_32, %select_n3A_27 : vector<64x128xi1>, vector<64x128xi32>
    %slice3A_34 = vector.extract_strided_slice %slice3A {offsets = [0, 1408], sizes = [64, 128], strides = [1, 1]} : vector<64x8192xf32> to vector<64x128xf32>
    %le3A_35 = arith.cmpf ole, %slice3A_34, %select_n3A_30 : vector<64x128xf32>
    %select_n3A_36 = arith.select %le3A_35, %slice3A_34, %select_n3A_30 : vector<64x128xi1>, vector<64x128xf32>
    %jit3A_37 = arith.constant 11 : i32
    %broadcast_in_dim3A_38 = vector.broadcast %jit3A_37 : i32 to vector<64x128xi32>
    %select_n3A_39 = arith.select %le3A_35, %broadcast_in_dim3A_38, %select_n3A_33 : vector<64x128xi1>, vector<64x128xi32>
    %slice3A_40 = vector.extract_strided_slice %slice3A {offsets = [0, 1280], sizes = [64, 128], strides = [1, 1]} : vector<64x8192xf32> to vector<64x128xf32>
    %le3A_41 = arith.cmpf ole, %slice3A_40, %select_n3A_36 : vector<64x128xf32>
    %select_n3A_42 = arith.select %le3A_41, %slice3A_40, %select_n3A_36 : vector<64x128xi1>, vector<64x128xf32>
    %jit3A_43 = arith.constant 10 : i32
    %broadcast_in_dim3A_44 = vector.broadcast %jit3A_43 : i32 to vector<64x128xi32>
    %select_n3A_45 = arith.select %le3A_41, %broadcast_in_dim3A_44, %select_n3A_39 : vector<64x128xi1>, vector<64x128xi32>
    %slice3A_46 = vector.extract_strided_slice %slice3A {offsets = [0, 1152], sizes = [64, 128], strides = [1, 1]} : vector<64x8192xf32> to vector<64x128xf32>
    %le3A_47 = arith.cmpf ole, %slice3A_46, %select_n3A_42 : vector<64x128xf32>
    %select_n3A_48 = arith.select %le3A_47, %slice3A_46, %select_n3A_42 : vector<64x128xi1>, vector<64x128xf32>
    %jit3A_49 = arith.constant 9 : i32
    %broadcast_in_dim3A_50 = vector.broadcast %jit3A_49 : i32 to vector<64x128xi32>
    %select_n3A_51 = arith.select %le3A_47, %broadcast_in_dim3A_50, %select_n3A_45 : vector<64x128xi1>, vector<64x128xi32>
    %slice3A_52 = vector.extract_strided_slice %slice3A {offsets = [0, 1024], sizes = [64, 128], strides = [1, 1]} : vector<64x8192xf32> to vector<64x128xf32>
    %le3A_53 = arith.cmpf ole, %slice3A_52, %select_n3A_48 : vector<64x128xf32>
    %select_n3A_54 = arith.select %le3A_53, %slice3A_52, %select_n3A_48 : vector<64x128xi1>, vector<64x128xf32>
    %jit3A_55 = arith.constant 8 : i32
    %broadcast_in_dim3A_56 = vector.broadcast %jit3A_55 : i32 to vector<64x128xi32>
    %select_n3A_57 = arith.select %le3A_53, %broadcast_in_dim3A_56, %select_n3A_51 : vector<64x128xi1>, vector<64x128xi32>
    %slice3A_58 = vector.extract_strided_slice %slice3A {offsets = [0, 896], sizes = [64, 128], strides = [1, 1]} : vector<64x8192xf32> to vector<64x128xf32>
    %le3A_59 = arith.cmpf ole, %slice3A_58, %select_n3A_54 : vector<64x128xf32>
    %select_n3A_60 = arith.select %le3A_59, %slice3A_58, %select_n3A_54 : vector<64x128xi1>, vector<64x128xf32>
    %jit3A_61 = arith.constant 7 : i32
    %broadcast_in_dim3A_62 = vector.broadcast %jit3A_61 : i32 to vector<64x128xi32>
    %select_n3A_63 = arith.select %le3A_59, %broadcast_in_dim3A_62, %select_n3A_57 : vector<64x128xi1>, vector<64x128xi32>
    %slice3A_64 = vector.extract_strided_slice %slice3A {offsets = [0, 768], sizes = [64, 128], strides = [1, 1]} : vector<64x8192xf32> to vector<64x128xf32>
    %le3A_65 = arith.cmpf ole, %slice3A_64, %select_n3A_60 : vector<64x128xf32>
    %select_n3A_66 = arith.select %le3A_65, %slice3A_64, %select_n3A_60 : vector<64x128xi1>, vector<64x128xf32>
    %jit3A_67 = arith.constant 6 : i32
    %broadcast_in_dim3A_68 = vector.broadcast %jit3A_67 : i32 to vector<64x128xi32>
    %select_n3A_69 = arith.select %le3A_65, %broadcast_in_dim3A_68, %select_n3A_63 : vector<64x128xi1>, vector<64x128xi32>
    %slice3A_70 = vector.extract_strided_slice %slice3A {offsets = [0, 640], sizes = [64, 128], strides = [1, 1]} : vector<64x8192xf32> to vector<64x128xf32>
    %le3A_71 = arith.cmpf ole, %slice3A_70, %select_n3A_66 : vector<64x128xf32>
    %select_n3A_72 = arith.select %le3A_71, %slice3A_70, %select_n3A_66 : vector<64x128xi1>, vector<64x128xf32>
    %jit3A_73 = arith.constant 5 : i32
    %broadcast_in_dim3A_74 = vector.broadcast %jit3A_73 : i32 to vector<64x128xi32>
    %select_n3A_75 = arith.select %le3A_71, %broadcast_in_dim3A_74, %select_n3A_69 : vector<64x128xi1>, vector<64x128xi32>
    %slice3A_76 = vector.extract_strided_slice %slice3A {offsets = [0, 512], sizes = [64, 128], strides = [1, 1]} : vector<64x8192xf32> to vector<64x128xf32>
    %le3A_77 = arith.cmpf ole, %slice3A_76, %select_n3A_72 : vector<64x128xf32>
    %select_n3A_78 = arith.select %le3A_77, %slice3A_76, %select_n3A_72 : vector<64x128xi1>, vector<64x128xf32>
    %jit3A_79 = arith.constant 4 : i32
    %broadcast_in_dim3A_80 = vector.broadcast %jit3A_79 : i32 to vector<64x128xi32>
    %select_n3A_81 = arith.select %le3A_77, %broadcast_in_dim3A_80, %select_n3A_75 : vector<64x128xi1>, vector<64x128xi32>
    %slice3A_82 = vector.extract_strided_slice %slice3A {offsets = [0, 384], sizes = [64, 128], strides = [1, 1]} : vector<64x8192xf32> to vector<64x128xf32>
    %le3A_83 = arith.cmpf ole, %slice3A_82, %select_n3A_78 : vector<64x128xf32>
    %select_n3A_84 = arith.select %le3A_83, %slice3A_82, %select_n3A_78 : vector<64x128xi1>, vector<64x128xf32>
    %jit3A_85 = arith.constant 3 : i32
    %broadcast_in_dim3A_86 = vector.broadcast %jit3A_85 : i32 to vector<64x128xi32>
    %select_n3A_87 = arith.select %le3A_83, %broadcast_in_dim3A_86, %select_n3A_81 : vector<64x128xi1>, vector<64x128xi32>
    %slice3A_88 = vector.extract_strided_slice %slice3A {offsets = [0, 256], sizes = [64, 128], strides = [1, 1]} : vector<64x8192xf32> to vector<64x128xf32>
    %le3A_89 = arith.cmpf ole, %slice3A_88, %select_n3A_84 : vector<64x128xf32>
    %select_n3A_90 = arith.select %le3A_89, %slice3A_88, %select_n3A_84 : vector<64x128xi1>, vector<64x128xf32>
    %jit3A_91 = arith.constant 2 : i32
    %broadcast_in_dim3A_92 = vector.broadcast %jit3A_91 : i32 to vector<64x128xi32>
    %select_n3A_93 = arith.select %le3A_89, %broadcast_in_dim3A_92, %select_n3A_87 : vector<64x128xi1>, vector<64x128xi32>
    %slice3A_94 = vector.extract_strided_slice %slice3A {offsets = [0, 128], sizes = [64, 128], strides = [1, 1]} : vector<64x8192xf32> to vector<64x128xf32>
    %le3A_95 = arith.cmpf ole, %slice3A_94, %select_n3A_90 : vector<64x128xf32>
    %select_n3A_96 = arith.select %le3A_95, %slice3A_94, %select_n3A_90 : vector<64x128xi1>, vector<64x128xf32>
    %jit3A_97 = arith.constant 1 : i32
    %broadcast_in_dim3A_98 = vector.broadcast %jit3A_97 : i32 to vector<64x128xi32>
    %select_n3A_99 = arith.select %le3A_95, %broadcast_in_dim3A_98, %select_n3A_93 : vector<64x128xi1>, vector<64x128xi32>
    %slice3A_100 = vector.extract_strided_slice %slice3A {offsets = [0, 0], sizes = [64, 128], strides = [1, 1]} : vector<64x8192xf32> to vector<64x128xf32>
    %le3A_101 = arith.cmpf ole, %slice3A_100, %select_n3A_96 : vector<64x128xf32>
    %select_n3A_102 = arith.select %le3A_101, %slice3A_100, %select_n3A_96 : vector<64x128xi1>, vector<64x128xf32>
    %jit3A_103 = arith.constant 0 : i32
    %broadcast_in_dim3A_104 = vector.broadcast %jit3A_103 : i32 to vector<64x128xi32>
    %select_n3A_105 = arith.select %le3A_101, %broadcast_in_dim3A_104, %select_n3A_99 : vector<64x128xi1>, vector<64x128xi32>
    %reduce_min3A = arith.constant dense<0x7F800000> : vector<64xf32>
    %reduce_min3A_106 = vector.multi_reduction <minimumf>, %select_n3A_102, %reduce_min3A [1] : vector<64x128xf32> to vector<64xf32>
    %mul3A_107 = arith.constant 128 : i32
    %mul3A_108 = vector.broadcast %mul3A_107 : i32 to vector<64x128xi32>
    %mul3A_109 = arith.muli %select_n3A_105, %mul3A_108 : vector<64x128xi32>
    %add3A_110 = arith.addi %mul3A_109, %iota3A : vector<64x128xi32>
    %broadcast_in_dim3A_111 = vector.shape_cast %reduce_min3A_106 : vector<64xf32> to vector<64x1xf32>
    %eq3A = vector.broadcast %broadcast_in_dim3A_111 : vector<64x1xf32> to vector<64x128xf32>
    %eq3A_112 = arith.cmpf oeq, %select_n3A_102, %eq3A : vector<64x128xf32>
    %jit3A_113 = arith.constant 8192 : i32
    %broadcast_in_dim3A_114 = vector.broadcast %jit3A_113 : i32 to vector<64x128xi32>
    %select_n3A_115 = arith.select %eq3A_112, %add3A_110, %broadcast_in_dim3A_114 : vector<64x128xi1>, vector<64x128xi32>
    %reduce_min3A_116 = arith.constant dense<2147483647> : vector<64xi32>
    %reduce_min3A_117 = vector.multi_reduction <minsi>, %select_n3A_115, %reduce_min3A_116 [1] : vector<64x128xi32> to vector<64xi32>
    %convert_element_type3A_118 = arith.truncf %reduce_min3A_106 : vector<64xf32> to vector<64xbf16>
    %convert_element_type3A_119 = arith.extf %convert_element_type3A_118 : vector<64xbf16> to vector<64xf32>
    %slice3A_120 = vector.extract_strided_slice %slice3A {offsets = [0, 3968], sizes = [64, 128], strides = [1, 1]} : vector<64x8192xf32> to vector<64x128xf32>
    %broadcast_in_dim3A_121 = arith.constant 31 : i32
    %broadcast_in_dim3A_122 = vector.broadcast %broadcast_in_dim3A_121 : i32 to vector<64x128xi32>
    %slice3A_123 = vector.extract_strided_slice %slice3A {offsets = [0, 3840], sizes = [64, 128], strides = [1, 1]} : vector<64x8192xf32> to vector<64x128xf32>
    %le3A_124 = arith.cmpf ole, %slice3A_123, %slice3A_120 : vector<64x128xf32>
    %select_n3A_125 = arith.select %le3A_124, %slice3A_123, %slice3A_120 : vector<64x128xi1>, vector<64x128xf32>
    %jit3A_126 = arith.constant 30 : i32
    %broadcast_in_dim3A_127 = vector.broadcast %jit3A_126 : i32 to vector<64x128xi32>
    %select_n3A_128 = arith.select %le3A_124, %broadcast_in_dim3A_127, %broadcast_in_dim3A_122 : vector<64x128xi1>, vector<64x128xi32>
    %slice3A_129 = vector.extract_strided_slice %slice3A {offsets = [0, 3712], sizes = [64, 128], strides = [1, 1]} : vector<64x8192xf32> to vector<64x128xf32>
    %le3A_130 = arith.cmpf ole, %slice3A_129, %select_n3A_125 : vector<64x128xf32>
    %select_n3A_131 = arith.select %le3A_130, %slice3A_129, %select_n3A_125 : vector<64x128xi1>, vector<64x128xf32>
    %jit3A_132 = arith.constant 29 : i32
    %broadcast_in_dim3A_133 = vector.broadcast %jit3A_132 : i32 to vector<64x128xi32>
    %select_n3A_134 = arith.select %le3A_130, %broadcast_in_dim3A_133, %select_n3A_128 : vector<64x128xi1>, vector<64x128xi32>
    %slice3A_135 = vector.extract_strided_slice %slice3A {offsets = [0, 3584], sizes = [64, 128], strides = [1, 1]} : vector<64x8192xf32> to vector<64x128xf32>
    %le3A_136 = arith.cmpf ole, %slice3A_135, %select_n3A_131 : vector<64x128xf32>
    %select_n3A_137 = arith.select %le3A_136, %slice3A_135, %select_n3A_131 : vector<64x128xi1>, vector<64x128xf32>
    %jit3A_138 = arith.constant 28 : i32
    %broadcast_in_dim3A_139 = vector.broadcast %jit3A_138 : i32 to vector<64x128xi32>
    %select_n3A_140 = arith.select %le3A_136, %broadcast_in_dim3A_139, %select_n3A_134 : vector<64x128xi1>, vector<64x128xi32>
    %slice3A_141 = vector.extract_strided_slice %slice3A {offsets = [0, 3456], sizes = [64, 128], strides = [1, 1]} : vector<64x8192xf32> to vector<64x128xf32>
    %le3A_142 = arith.cmpf ole, %slice3A_141, %select_n3A_137 : vector<64x128xf32>
    %select_n3A_143 = arith.select %le3A_142, %slice3A_141, %select_n3A_137 : vector<64x128xi1>, vector<64x128xf32>
    %jit3A_144 = arith.constant 27 : i32
    %broadcast_in_dim3A_145 = vector.broadcast %jit3A_144 : i32 to vector<64x128xi32>
    %select_n3A_146 = arith.select %le3A_142, %broadcast_in_dim3A_145, %select_n3A_140 : vector<64x128xi1>, vector<64x128xi32>
    %slice3A_147 = vector.extract_strided_slice %slice3A {offsets = [0, 3328], sizes = [64, 128], strides = [1, 1]} : vector<64x8192xf32> to vector<64x128xf32>
    %le3A_148 = arith.cmpf ole, %slice3A_147, %select_n3A_143 : vector<64x128xf32>
    %select_n3A_149 = arith.select %le3A_148, %slice3A_147, %select_n3A_143 : vector<64x128xi1>, vector<64x128xf32>
    %jit3A_150 = arith.constant 26 : i32
    %broadcast_in_dim3A_151 = vector.broadcast %jit3A_150 : i32 to vector<64x128xi32>
    %select_n3A_152 = arith.select %le3A_148, %broadcast_in_dim3A_151, %select_n3A_146 : vector<64x128xi1>, vector<64x128xi32>
    %slice3A_153 = vector.extract_strided_slice %slice3A {offsets = [0, 3200], sizes = [64, 128], strides = [1, 1]} : vector<64x8192xf32> to vector<64x128xf32>
    %le3A_154 = arith.cmpf ole, %slice3A_153, %select_n3A_149 : vector<64x128xf32>
    %select_n3A_155 = arith.select %le3A_154, %slice3A_153, %select_n3A_149 : vector<64x128xi1>, vector<64x128xf32>
    %jit3A_156 = arith.constant 25 : i32
    %broadcast_in_dim3A_157 = vector.broadcast %jit3A_156 : i32 to vector<64x128xi32>
    %select_n3A_158 = arith.select %le3A_154, %broadcast_in_dim3A_157, %select_n3A_152 : vector<64x128xi1>, vector<64x128xi32>
    %slice3A_159 = vector.extract_strided_slice %slice3A {offsets = [0, 3072], sizes = [64, 128], strides = [1, 1]} : vector<64x8192xf32> to vector<64x128xf32>
    %le3A_160 = arith.cmpf ole, %slice3A_159, %select_n3A_155 : vector<64x128xf32>
    %select_n3A_161 = arith.select %le3A_160, %slice3A_159, %select_n3A_155 : vector<64x128xi1>, vector<64x128xf32>
    %jit3A_162 = arith.constant 24 : i32
    %broadcast_in_dim3A_163 = vector.broadcast %jit3A_162 : i32 to vector<64x128xi32>
    %select_n3A_164 = arith.select %le3A_160, %broadcast_in_dim3A_163, %select_n3A_158 : vector<64x128xi1>, vector<64x128xi32>
    %slice3A_165 = vector.extract_strided_slice %slice3A {offsets = [0, 2944], sizes = [64, 128], strides = [1, 1]} : vector<64x8192xf32> to vector<64x128xf32>
    %le3A_166 = arith.cmpf ole, %slice3A_165, %select_n3A_161 : vector<64x128xf32>
    %select_n3A_167 = arith.select %le3A_166, %slice3A_165, %select_n3A_161 : vector<64x128xi1>, vector<64x128xf32>
    %jit3A_168 = arith.constant 23 : i32
    %broadcast_in_dim3A_169 = vector.broadcast %jit3A_168 : i32 to vector<64x128xi32>
    %select_n3A_170 = arith.select %le3A_166, %broadcast_in_dim3A_169, %select_n3A_164 : vector<64x128xi1>, vector<64x128xi32>
    %slice3A_171 = vector.extract_strided_slice %slice3A {offsets = [0, 2816], sizes = [64, 128], strides = [1, 1]} : vector<64x8192xf32> to vector<64x128xf32>
    %le3A_172 = arith.cmpf ole, %slice3A_171, %select_n3A_167 : vector<64x128xf32>
    %select_n3A_173 = arith.select %le3A_172, %slice3A_171, %select_n3A_167 : vector<64x128xi1>, vector<64x128xf32>
    %jit3A_174 = arith.constant 22 : i32
    %broadcast_in_dim3A_175 = vector.broadcast %jit3A_174 : i32 to vector<64x128xi32>
    %select_n3A_176 = arith.select %le3A_172, %broadcast_in_dim3A_175, %select_n3A_170 : vector<64x128xi1>, vector<64x128xi32>
    %slice3A_177 = vector.extract_strided_slice %slice3A {offsets = [0, 2688], sizes = [64, 128], strides = [1, 1]} : vector<64x8192xf32> to vector<64x128xf32>
    %le3A_178 = arith.cmpf ole, %slice3A_177, %select_n3A_173 : vector<64x128xf32>
    %select_n3A_179 = arith.select %le3A_178, %slice3A_177, %select_n3A_173 : vector<64x128xi1>, vector<64x128xf32>
    %jit3A_180 = arith.constant 21 : i32
    %broadcast_in_dim3A_181 = vector.broadcast %jit3A_180 : i32 to vector<64x128xi32>
    %select_n3A_182 = arith.select %le3A_178, %broadcast_in_dim3A_181, %select_n3A_176 : vector<64x128xi1>, vector<64x128xi32>
    %slice3A_183 = vector.extract_strided_slice %slice3A {offsets = [0, 2560], sizes = [64, 128], strides = [1, 1]} : vector<64x8192xf32> to vector<64x128xf32>
    %le3A_184 = arith.cmpf ole, %slice3A_183, %select_n3A_179 : vector<64x128xf32>
    %select_n3A_185 = arith.select %le3A_184, %slice3A_183, %select_n3A_179 : vector<64x128xi1>, vector<64x128xf32>
    %jit3A_186 = arith.constant 20 : i32
    %broadcast_in_dim3A_187 = vector.broadcast %jit3A_186 : i32 to vector<64x128xi32>
    %select_n3A_188 = arith.select %le3A_184, %broadcast_in_dim3A_187, %select_n3A_182 : vector<64x128xi1>, vector<64x128xi32>
    %slice3A_189 = vector.extract_strided_slice %slice3A {offsets = [0, 2432], sizes = [64, 128], strides = [1, 1]} : vector<64x8192xf32> to vector<64x128xf32>
    %le3A_190 = arith.cmpf ole, %slice3A_189, %select_n3A_185 : vector<64x128xf32>
    %select_n3A_191 = arith.select %le3A_190, %slice3A_189, %select_n3A_185 : vector<64x128xi1>, vector<64x128xf32>
    %jit3A_192 = arith.constant 19 : i32
    %broadcast_in_dim3A_193 = vector.broadcast %jit3A_192 : i32 to vector<64x128xi32>
    %select_n3A_194 = arith.select %le3A_190, %broadcast_in_dim3A_193, %select_n3A_188 : vector<64x128xi1>, vector<64x128xi32>
    %slice3A_195 = vector.extract_strided_slice %slice3A {offsets = [0, 2304], sizes = [64, 128], strides = [1, 1]} : vector<64x8192xf32> to vector<64x128xf32>
    %le3A_196 = arith.cmpf ole, %slice3A_195, %select_n3A_191 : vector<64x128xf32>
    %select_n3A_197 = arith.select %le3A_196, %slice3A_195, %select_n3A_191 : vector<64x128xi1>, vector<64x128xf32>
    %jit3A_198 = arith.constant 18 : i32
    %broadcast_in_dim3A_199 = vector.broadcast %jit3A_198 : i32 to vector<64x128xi32>
    %select_n3A_200 = arith.select %le3A_196, %broadcast_in_dim3A_199, %select_n3A_194 : vector<64x128xi1>, vector<64x128xi32>
    %slice3A_201 = vector.extract_strided_slice %slice3A {offsets = [0, 2176], sizes = [64, 128], strides = [1, 1]} : vector<64x8192xf32> to vector<64x128xf32>
    %le3A_202 = arith.cmpf ole, %slice3A_201, %select_n3A_197 : vector<64x128xf32>
    %select_n3A_203 = arith.select %le3A_202, %slice3A_201, %select_n3A_197 : vector<64x128xi1>, vector<64x128xf32>
    %jit3A_204 = arith.constant 17 : i32
    %broadcast_in_dim3A_205 = vector.broadcast %jit3A_204 : i32 to vector<64x128xi32>
    %select_n3A_206 = arith.select %le3A_202, %broadcast_in_dim3A_205, %select_n3A_200 : vector<64x128xi1>, vector<64x128xi32>
    %slice3A_207 = vector.extract_strided_slice %slice3A {offsets = [0, 2048], sizes = [64, 128], strides = [1, 1]} : vector<64x8192xf32> to vector<64x128xf32>
    %le3A_208 = arith.cmpf ole, %slice3A_207, %select_n3A_203 : vector<64x128xf32>
    %select_n3A_209 = arith.select %le3A_208, %slice3A_207, %select_n3A_203 : vector<64x128xi1>, vector<64x128xf32>
    %jit3A_210 = arith.constant 16 : i32
    %broadcast_in_dim3A_211 = vector.broadcast %jit3A_210 : i32 to vector<64x128xi32>
    %select_n3A_212 = arith.select %le3A_208, %broadcast_in_dim3A_211, %select_n3A_206 : vector<64x128xi1>, vector<64x128xi32>
    %reduce_min3A_213 = arith.constant dense<0x7F800000> : vector<64xf32>
    %reduce_min3A_214 = vector.multi_reduction <minimumf>, %select_n3A_209, %reduce_min3A_213 [1] : vector<64x128xf32> to vector<64xf32>
    %mul3A_215 = arith.constant 128 : i32
    %mul3A_216 = vector.broadcast %mul3A_215 : i32 to vector<64x128xi32>
    %mul3A_217 = arith.muli %select_n3A_212, %mul3A_216 : vector<64x128xi32>
    %add3A_218 = arith.addi %mul3A_217, %iota3A : vector<64x128xi32>
    %broadcast_in_dim3A_219 = vector.shape_cast %reduce_min3A_214 : vector<64xf32> to vector<64x1xf32>
    %eq3A_220 = vector.broadcast %broadcast_in_dim3A_219 : vector<64x1xf32> to vector<64x128xf32>
    %eq3A_221 = arith.cmpf oeq, %select_n3A_209, %eq3A_220 : vector<64x128xf32>
    %jit3A_222 = arith.constant 8192 : i32
    %broadcast_in_dim3A_223 = vector.broadcast %jit3A_222 : i32 to vector<64x128xi32>
    %select_n3A_224 = arith.select %eq3A_221, %add3A_218, %broadcast_in_dim3A_223 : vector<64x128xi1>, vector<64x128xi32>
    %reduce_min3A_225 = arith.constant dense<2147483647> : vector<64xi32>
    %reduce_min3A_226 = vector.multi_reduction <minsi>, %select_n3A_224, %reduce_min3A_225 [1] : vector<64x128xi32> to vector<64xi32>
    %lt3A = arith.cmpf olt, %reduce_min3A_214, %convert_element_type3A_119 : vector<64xf32>
    %convert_element_type3A_227 = arith.truncf %reduce_min3A_214 : vector<64xf32> to vector<64xbf16>
    %convert_element_type3A_228 = arith.extf %convert_element_type3A_227 : vector<64xbf16> to vector<64xf32>
    %select_n3A_229 = arith.select %lt3A, %convert_element_type3A_228, %convert_element_type3A_119 : vector<64xi1>, vector<64xf32>
    %select_n3A_230 = arith.select %lt3A, %reduce_min3A_226, %reduce_min3A_117 : vector<64xi1>, vector<64xi32>
    %select_n3A_231 = arith.select %lt3A, %reduce_min3A_214, %reduce_min3A_106 : vector<64xi1>, vector<64xf32>
    %slice3A_232 = vector.extract_strided_slice %slice3A {offsets = [0, 6016], sizes = [64, 128], strides = [1, 1]} : vector<64x8192xf32> to vector<64x128xf32>
    %broadcast_in_dim3A_233 = arith.constant 47 : i32
    %broadcast_in_dim3A_234 = vector.broadcast %broadcast_in_dim3A_233 : i32 to vector<64x128xi32>
    %slice3A_235 = vector.extract_strided_slice %slice3A {offsets = [0, 5888], sizes = [64, 128], strides = [1, 1]} : vector<64x8192xf32> to vector<64x128xf32>
    %le3A_236 = arith.cmpf ole, %slice3A_235, %slice3A_232 : vector<64x128xf32>
    %select_n3A_237 = arith.select %le3A_236, %slice3A_235, %slice3A_232 : vector<64x128xi1>, vector<64x128xf32>
    %jit3A_238 = arith.constant 46 : i32
    %broadcast_in_dim3A_239 = vector.broadcast %jit3A_238 : i32 to vector<64x128xi32>
    %select_n3A_240 = arith.select %le3A_236, %broadcast_in_dim3A_239, %broadcast_in_dim3A_234 : vector<64x128xi1>, vector<64x128xi32>
    %slice3A_241 = vector.extract_strided_slice %slice3A {offsets = [0, 5760], sizes = [64, 128], strides = [1, 1]} : vector<64x8192xf32> to vector<64x128xf32>
    %le3A_242 = arith.cmpf ole, %slice3A_241, %select_n3A_237 : vector<64x128xf32>
    %select_n3A_243 = arith.select %le3A_242, %slice3A_241, %select_n3A_237 : vector<64x128xi1>, vector<64x128xf32>
    %jit3A_244 = arith.constant 45 : i32
    %broadcast_in_dim3A_245 = vector.broadcast %jit3A_244 : i32 to vector<64x128xi32>
    %select_n3A_246 = arith.select %le3A_242, %broadcast_in_dim3A_245, %select_n3A_240 : vector<64x128xi1>, vector<64x128xi32>
    %slice3A_247 = vector.extract_strided_slice %slice3A {offsets = [0, 5632], sizes = [64, 128], strides = [1, 1]} : vector<64x8192xf32> to vector<64x128xf32>
    %le3A_248 = arith.cmpf ole, %slice3A_247, %select_n3A_243 : vector<64x128xf32>
    %select_n3A_249 = arith.select %le3A_248, %slice3A_247, %select_n3A_243 : vector<64x128xi1>, vector<64x128xf32>
    %jit3A_250 = arith.constant 44 : i32
    %broadcast_in_dim3A_251 = vector.broadcast %jit3A_250 : i32 to vector<64x128xi32>
    %select_n3A_252 = arith.select %le3A_248, %broadcast_in_dim3A_251, %select_n3A_246 : vector<64x128xi1>, vector<64x128xi32>
    %slice3A_253 = vector.extract_strided_slice %slice3A {offsets = [0, 5504], sizes = [64, 128], strides = [1, 1]} : vector<64x8192xf32> to vector<64x128xf32>
    %le3A_254 = arith.cmpf ole, %slice3A_253, %select_n3A_249 : vector<64x128xf32>
    %select_n3A_255 = arith.select %le3A_254, %slice3A_253, %select_n3A_249 : vector<64x128xi1>, vector<64x128xf32>
    %jit3A_256 = arith.constant 43 : i32
    %broadcast_in_dim3A_257 = vector.broadcast %jit3A_256 : i32 to vector<64x128xi32>
    %select_n3A_258 = arith.select %le3A_254, %broadcast_in_dim3A_257, %select_n3A_252 : vector<64x128xi1>, vector<64x128xi32>
    %slice3A_259 = vector.extract_strided_slice %slice3A {offsets = [0, 5376], sizes = [64, 128], strides = [1, 1]} : vector<64x8192xf32> to vector<64x128xf32>
    %le3A_260 = arith.cmpf ole, %slice3A_259, %select_n3A_255 : vector<64x128xf32>
    %select_n3A_261 = arith.select %le3A_260, %slice3A_259, %select_n3A_255 : vector<64x128xi1>, vector<64x128xf32>
    %jit3A_262 = arith.constant 42 : i32
    %broadcast_in_dim3A_263 = vector.broadcast %jit3A_262 : i32 to vector<64x128xi32>
    %select_n3A_264 = arith.select %le3A_260, %broadcast_in_dim3A_263, %select_n3A_258 : vector<64x128xi1>, vector<64x128xi32>
    %slice3A_265 = vector.extract_strided_slice %slice3A {offsets = [0, 5248], sizes = [64, 128], strides = [1, 1]} : vector<64x8192xf32> to vector<64x128xf32>
    %le3A_266 = arith.cmpf ole, %slice3A_265, %select_n3A_261 : vector<64x128xf32>
    %select_n3A_267 = arith.select %le3A_266, %slice3A_265, %select_n3A_261 : vector<64x128xi1>, vector<64x128xf32>
    %jit3A_268 = arith.constant 41 : i32
    %broadcast_in_dim3A_269 = vector.broadcast %jit3A_268 : i32 to vector<64x128xi32>
    %select_n3A_270 = arith.select %le3A_266, %broadcast_in_dim3A_269, %select_n3A_264 : vector<64x128xi1>, vector<64x128xi32>
    %slice3A_271 = vector.extract_strided_slice %slice3A {offsets = [0, 5120], sizes = [64, 128], strides = [1, 1]} : vector<64x8192xf32> to vector<64x128xf32>
    %le3A_272 = arith.cmpf ole, %slice3A_271, %select_n3A_267 : vector<64x128xf32>
    %select_n3A_273 = arith.select %le3A_272, %slice3A_271, %select_n3A_267 : vector<64x128xi1>, vector<64x128xf32>
    %jit3A_274 = arith.constant 40 : i32
    %broadcast_in_dim3A_275 = vector.broadcast %jit3A_274 : i32 to vector<64x128xi32>
    %select_n3A_276 = arith.select %le3A_272, %broadcast_in_dim3A_275, %select_n3A_270 : vector<64x128xi1>, vector<64x128xi32>
    %slice3A_277 = vector.extract_strided_slice %slice3A {offsets = [0, 4992], sizes = [64, 128], strides = [1, 1]} : vector<64x8192xf32> to vector<64x128xf32>
    %le3A_278 = arith.cmpf ole, %slice3A_277, %select_n3A_273 : vector<64x128xf32>
    %select_n3A_279 = arith.select %le3A_278, %slice3A_277, %select_n3A_273 : vector<64x128xi1>, vector<64x128xf32>
    %jit3A_280 = arith.constant 39 : i32
    %broadcast_in_dim3A_281 = vector.broadcast %jit3A_280 : i32 to vector<64x128xi32>
    %select_n3A_282 = arith.select %le3A_278, %broadcast_in_dim3A_281, %select_n3A_276 : vector<64x128xi1>, vector<64x128xi32>
    %slice3A_283 = vector.extract_strided_slice %slice3A {offsets = [0, 4864], sizes = [64, 128], strides = [1, 1]} : vector<64x8192xf32> to vector<64x128xf32>
    %le3A_284 = arith.cmpf ole, %slice3A_283, %select_n3A_279 : vector<64x128xf32>
    %select_n3A_285 = arith.select %le3A_284, %slice3A_283, %select_n3A_279 : vector<64x128xi1>, vector<64x128xf32>
    %jit3A_286 = arith.constant 38 : i32
    %broadcast_in_dim3A_287 = vector.broadcast %jit3A_286 : i32 to vector<64x128xi32>
    %select_n3A_288 = arith.select %le3A_284, %broadcast_in_dim3A_287, %select_n3A_282 : vector<64x128xi1>, vector<64x128xi32>
    %slice3A_289 = vector.extract_strided_slice %slice3A {offsets = [0, 4736], sizes = [64, 128], strides = [1, 1]} : vector<64x8192xf32> to vector<64x128xf32>
    %le3A_290 = arith.cmpf ole, %slice3A_289, %select_n3A_285 : vector<64x128xf32>
    %select_n3A_291 = arith.select %le3A_290, %slice3A_289, %select_n3A_285 : vector<64x128xi1>, vector<64x128xf32>
    %jit3A_292 = arith.constant 37 : i32
    %broadcast_in_dim3A_293 = vector.broadcast %jit3A_292 : i32 to vector<64x128xi32>
    %select_n3A_294 = arith.select %le3A_290, %broadcast_in_dim3A_293, %select_n3A_288 : vector<64x128xi1>, vector<64x128xi32>
    %slice3A_295 = vector.extract_strided_slice %slice3A {offsets = [0, 4608], sizes = [64, 128], strides = [1, 1]} : vector<64x8192xf32> to vector<64x128xf32>
    %le3A_296 = arith.cmpf ole, %slice3A_295, %select_n3A_291 : vector<64x128xf32>
    %select_n3A_297 = arith.select %le3A_296, %slice3A_295, %select_n3A_291 : vector<64x128xi1>, vector<64x128xf32>
    %jit3A_298 = arith.constant 36 : i32
    %broadcast_in_dim3A_299 = vector.broadcast %jit3A_298 : i32 to vector<64x128xi32>
    %select_n3A_300 = arith.select %le3A_296, %broadcast_in_dim3A_299, %select_n3A_294 : vector<64x128xi1>, vector<64x128xi32>
    %slice3A_301 = vector.extract_strided_slice %slice3A {offsets = [0, 4480], sizes = [64, 128], strides = [1, 1]} : vector<64x8192xf32> to vector<64x128xf32>
    %le3A_302 = arith.cmpf ole, %slice3A_301, %select_n3A_297 : vector<64x128xf32>
    %select_n3A_303 = arith.select %le3A_302, %slice3A_301, %select_n3A_297 : vector<64x128xi1>, vector<64x128xf32>
    %jit3A_304 = arith.constant 35 : i32
    %broadcast_in_dim3A_305 = vector.broadcast %jit3A_304 : i32 to vector<64x128xi32>
    %select_n3A_306 = arith.select %le3A_302, %broadcast_in_dim3A_305, %select_n3A_300 : vector<64x128xi1>, vector<64x128xi32>
    %slice3A_307 = vector.extract_strided_slice %slice3A {offsets = [0, 4352], sizes = [64, 128], strides = [1, 1]} : vector<64x8192xf32> to vector<64x128xf32>
    %le3A_308 = arith.cmpf ole, %slice3A_307, %select_n3A_303 : vector<64x128xf32>
    %select_n3A_309 = arith.select %le3A_308, %slice3A_307, %select_n3A_303 : vector<64x128xi1>, vector<64x128xf32>
    %jit3A_310 = arith.constant 34 : i32
    %broadcast_in_dim3A_311 = vector.broadcast %jit3A_310 : i32 to vector<64x128xi32>
    %select_n3A_312 = arith.select %le3A_308, %broadcast_in_dim3A_311, %select_n3A_306 : vector<64x128xi1>, vector<64x128xi32>
    %slice3A_313 = vector.extract_strided_slice %slice3A {offsets = [0, 4224], sizes = [64, 128], strides = [1, 1]} : vector<64x8192xf32> to vector<64x128xf32>
    %le3A_314 = arith.cmpf ole, %slice3A_313, %select_n3A_309 : vector<64x128xf32>
    %select_n3A_315 = arith.select %le3A_314, %slice3A_313, %select_n3A_309 : vector<64x128xi1>, vector<64x128xf32>
    %jit3A_316 = arith.constant 33 : i32
    %broadcast_in_dim3A_317 = vector.broadcast %jit3A_316 : i32 to vector<64x128xi32>
    %select_n3A_318 = arith.select %le3A_314, %broadcast_in_dim3A_317, %select_n3A_312 : vector<64x128xi1>, vector<64x128xi32>
    %slice3A_319 = vector.extract_strided_slice %slice3A {offsets = [0, 4096], sizes = [64, 128], strides = [1, 1]} : vector<64x8192xf32> to vector<64x128xf32>
    %le3A_320 = arith.cmpf ole, %slice3A_319, %select_n3A_315 : vector<64x128xf32>
    %select_n3A_321 = arith.select %le3A_320, %slice3A_319, %select_n3A_315 : vector<64x128xi1>, vector<64x128xf32>
    %jit3A_322 = arith.constant 32 : i32
    %broadcast_in_dim3A_323 = vector.broadcast %jit3A_322 : i32 to vector<64x128xi32>
    %select_n3A_324 = arith.select %le3A_320, %broadcast_in_dim3A_323, %select_n3A_318 : vector<64x128xi1>, vector<64x128xi32>
    %reduce_min3A_325 = arith.constant dense<0x7F800000> : vector<64xf32>
    %reduce_min3A_326 = vector.multi_reduction <minimumf>, %select_n3A_321, %reduce_min3A_325 [1] : vector<64x128xf32> to vector<64xf32>
    %mul3A_327 = arith.constant 128 : i32
    %mul3A_328 = vector.broadcast %mul3A_327 : i32 to vector<64x128xi32>
    %mul3A_329 = arith.muli %select_n3A_324, %mul3A_328 : vector<64x128xi32>
    %add3A_330 = arith.addi %mul3A_329, %iota3A : vector<64x128xi32>
    %broadcast_in_dim3A_331 = vector.shape_cast %reduce_min3A_326 : vector<64xf32> to vector<64x1xf32>
    %eq3A_332 = vector.broadcast %broadcast_in_dim3A_331 : vector<64x1xf32> to vector<64x128xf32>
    %eq3A_333 = arith.cmpf oeq, %select_n3A_321, %eq3A_332 : vector<64x128xf32>
    %jit3A_334 = arith.constant 8192 : i32
    %broadcast_in_dim3A_335 = vector.broadcast %jit3A_334 : i32 to vector<64x128xi32>
    %select_n3A_336 = arith.select %eq3A_333, %add3A_330, %broadcast_in_dim3A_335 : vector<64x128xi1>, vector<64x128xi32>
    %reduce_min3A_337 = arith.constant dense<2147483647> : vector<64xi32>
    %reduce_min3A_338 = vector.multi_reduction <minsi>, %select_n3A_336, %reduce_min3A_337 [1] : vector<64x128xi32> to vector<64xi32>
    %lt3A_339 = arith.cmpf olt, %reduce_min3A_326, %select_n3A_229 : vector<64xf32>
    %convert_element_type3A_340 = arith.truncf %reduce_min3A_326 : vector<64xf32> to vector<64xbf16>
    %convert_element_type3A_341 = arith.extf %convert_element_type3A_340 : vector<64xbf16> to vector<64xf32>
    %select_n3A_342 = arith.select %lt3A_339, %convert_element_type3A_341, %select_n3A_229 : vector<64xi1>, vector<64xf32>
    %select_n3A_343 = arith.select %lt3A_339, %reduce_min3A_338, %select_n3A_230 : vector<64xi1>, vector<64xi32>
    %select_n3A_344 = arith.select %lt3A_339, %reduce_min3A_326, %select_n3A_231 : vector<64xi1>, vector<64xf32>
    %slice3A_345 = vector.extract_strided_slice %slice3A {offsets = [0, 8064], sizes = [64, 128], strides = [1, 1]} : vector<64x8192xf32> to vector<64x128xf32>
    %broadcast_in_dim3A_346 = arith.constant 63 : i32
    %broadcast_in_dim3A_347 = vector.broadcast %broadcast_in_dim3A_346 : i32 to vector<64x128xi32>
    %slice3A_348 = vector.extract_strided_slice %slice3A {offsets = [0, 7936], sizes = [64, 128], strides = [1, 1]} : vector<64x8192xf32> to vector<64x128xf32>
    %le3A_349 = arith.cmpf ole, %slice3A_348, %slice3A_345 : vector<64x128xf32>
    %select_n3A_350 = arith.select %le3A_349, %slice3A_348, %slice3A_345 : vector<64x128xi1>, vector<64x128xf32>
    %jit3A_351 = arith.constant 62 : i32
    %broadcast_in_dim3A_352 = vector.broadcast %jit3A_351 : i32 to vector<64x128xi32>
    %select_n3A_353 = arith.select %le3A_349, %broadcast_in_dim3A_352, %broadcast_in_dim3A_347 : vector<64x128xi1>, vector<64x128xi32>
    %slice3A_354 = vector.extract_strided_slice %slice3A {offsets = [0, 7808], sizes = [64, 128], strides = [1, 1]} : vector<64x8192xf32> to vector<64x128xf32>
    %le3A_355 = arith.cmpf ole, %slice3A_354, %select_n3A_350 : vector<64x128xf32>
    %select_n3A_356 = arith.select %le3A_355, %slice3A_354, %select_n3A_350 : vector<64x128xi1>, vector<64x128xf32>
    %jit3A_357 = arith.constant 61 : i32
    %broadcast_in_dim3A_358 = vector.broadcast %jit3A_357 : i32 to vector<64x128xi32>
    %select_n3A_359 = arith.select %le3A_355, %broadcast_in_dim3A_358, %select_n3A_353 : vector<64x128xi1>, vector<64x128xi32>
    %slice3A_360 = vector.extract_strided_slice %slice3A {offsets = [0, 7680], sizes = [64, 128], strides = [1, 1]} : vector<64x8192xf32> to vector<64x128xf32>
    %le3A_361 = arith.cmpf ole, %slice3A_360, %select_n3A_356 : vector<64x128xf32>
    %select_n3A_362 = arith.select %le3A_361, %slice3A_360, %select_n3A_356 : vector<64x128xi1>, vector<64x128xf32>
    %jit3A_363 = arith.constant 60 : i32
    %broadcast_in_dim3A_364 = vector.broadcast %jit3A_363 : i32 to vector<64x128xi32>
    %select_n3A_365 = arith.select %le3A_361, %broadcast_in_dim3A_364, %select_n3A_359 : vector<64x128xi1>, vector<64x128xi32>
    %slice3A_366 = vector.extract_strided_slice %slice3A {offsets = [0, 7552], sizes = [64, 128], strides = [1, 1]} : vector<64x8192xf32> to vector<64x128xf32>
    %le3A_367 = arith.cmpf ole, %slice3A_366, %select_n3A_362 : vector<64x128xf32>
    %select_n3A_368 = arith.select %le3A_367, %slice3A_366, %select_n3A_362 : vector<64x128xi1>, vector<64x128xf32>
    %jit3A_369 = arith.constant 59 : i32
    %broadcast_in_dim3A_370 = vector.broadcast %jit3A_369 : i32 to vector<64x128xi32>
    %select_n3A_371 = arith.select %le3A_367, %broadcast_in_dim3A_370, %select_n3A_365 : vector<64x128xi1>, vector<64x128xi32>
    %slice3A_372 = vector.extract_strided_slice %slice3A {offsets = [0, 7424], sizes = [64, 128], strides = [1, 1]} : vector<64x8192xf32> to vector<64x128xf32>
    %le3A_373 = arith.cmpf ole, %slice3A_372, %select_n3A_368 : vector<64x128xf32>
    %select_n3A_374 = arith.select %le3A_373, %slice3A_372, %select_n3A_368 : vector<64x128xi1>, vector<64x128xf32>
    %jit3A_375 = arith.constant 58 : i32
    %broadcast_in_dim3A_376 = vector.broadcast %jit3A_375 : i32 to vector<64x128xi32>
    %select_n3A_377 = arith.select %le3A_373, %broadcast_in_dim3A_376, %select_n3A_371 : vector<64x128xi1>, vector<64x128xi32>
    %slice3A_378 = vector.extract_strided_slice %slice3A {offsets = [0, 7296], sizes = [64, 128], strides = [1, 1]} : vector<64x8192xf32> to vector<64x128xf32>
    %le3A_379 = arith.cmpf ole, %slice3A_378, %select_n3A_374 : vector<64x128xf32>
    %select_n3A_380 = arith.select %le3A_379, %slice3A_378, %select_n3A_374 : vector<64x128xi1>, vector<64x128xf32>
    %jit3A_381 = arith.constant 57 : i32
    %broadcast_in_dim3A_382 = vector.broadcast %jit3A_381 : i32 to vector<64x128xi32>
    %select_n3A_383 = arith.select %le3A_379, %broadcast_in_dim3A_382, %select_n3A_377 : vector<64x128xi1>, vector<64x128xi32>
    %slice3A_384 = vector.extract_strided_slice %slice3A {offsets = [0, 7168], sizes = [64, 128], strides = [1, 1]} : vector<64x8192xf32> to vector<64x128xf32>
    %le3A_385 = arith.cmpf ole, %slice3A_384, %select_n3A_380 : vector<64x128xf32>
    %select_n3A_386 = arith.select %le3A_385, %slice3A_384, %select_n3A_380 : vector<64x128xi1>, vector<64x128xf32>
    %jit3A_387 = arith.constant 56 : i32
    %broadcast_in_dim3A_388 = vector.broadcast %jit3A_387 : i32 to vector<64x128xi32>
    %select_n3A_389 = arith.select %le3A_385, %broadcast_in_dim3A_388, %select_n3A_383 : vector<64x128xi1>, vector<64x128xi32>
    %slice3A_390 = vector.extract_strided_slice %slice3A {offsets = [0, 7040], sizes = [64, 128], strides = [1, 1]} : vector<64x8192xf32> to vector<64x128xf32>
    %le3A_391 = arith.cmpf ole, %slice3A_390, %select_n3A_386 : vector<64x128xf32>
    %select_n3A_392 = arith.select %le3A_391, %slice3A_390, %select_n3A_386 : vector<64x128xi1>, vector<64x128xf32>
    %jit3A_393 = arith.constant 55 : i32
    %broadcast_in_dim3A_394 = vector.broadcast %jit3A_393 : i32 to vector<64x128xi32>
    %select_n3A_395 = arith.select %le3A_391, %broadcast_in_dim3A_394, %select_n3A_389 : vector<64x128xi1>, vector<64x128xi32>
    %slice3A_396 = vector.extract_strided_slice %slice3A {offsets = [0, 6912], sizes = [64, 128], strides = [1, 1]} : vector<64x8192xf32> to vector<64x128xf32>
    %le3A_397 = arith.cmpf ole, %slice3A_396, %select_n3A_392 : vector<64x128xf32>
    %select_n3A_398 = arith.select %le3A_397, %slice3A_396, %select_n3A_392 : vector<64x128xi1>, vector<64x128xf32>
    %jit3A_399 = arith.constant 54 : i32
    %broadcast_in_dim3A_400 = vector.broadcast %jit3A_399 : i32 to vector<64x128xi32>
    %select_n3A_401 = arith.select %le3A_397, %broadcast_in_dim3A_400, %select_n3A_395 : vector<64x128xi1>, vector<64x128xi32>
    %slice3A_402 = vector.extract_strided_slice %slice3A {offsets = [0, 6784], sizes = [64, 128], strides = [1, 1]} : vector<64x8192xf32> to vector<64x128xf32>
    %le3A_403 = arith.cmpf ole, %slice3A_402, %select_n3A_398 : vector<64x128xf32>
    %select_n3A_404 = arith.select %le3A_403, %slice3A_402, %select_n3A_398 : vector<64x128xi1>, vector<64x128xf32>
    %jit3A_405 = arith.constant 53 : i32
    %broadcast_in_dim3A_406 = vector.broadcast %jit3A_405 : i32 to vector<64x128xi32>
    %select_n3A_407 = arith.select %le3A_403, %broadcast_in_dim3A_406, %select_n3A_401 : vector<64x128xi1>, vector<64x128xi32>
    %slice3A_408 = vector.extract_strided_slice %slice3A {offsets = [0, 6656], sizes = [64, 128], strides = [1, 1]} : vector<64x8192xf32> to vector<64x128xf32>
    %le3A_409 = arith.cmpf ole, %slice3A_408, %select_n3A_404 : vector<64x128xf32>
    %select_n3A_410 = arith.select %le3A_409, %slice3A_408, %select_n3A_404 : vector<64x128xi1>, vector<64x128xf32>
    %jit3A_411 = arith.constant 52 : i32
    %broadcast_in_dim3A_412 = vector.broadcast %jit3A_411 : i32 to vector<64x128xi32>
    %select_n3A_413 = arith.select %le3A_409, %broadcast_in_dim3A_412, %select_n3A_407 : vector<64x128xi1>, vector<64x128xi32>
    %slice3A_414 = vector.extract_strided_slice %slice3A {offsets = [0, 6528], sizes = [64, 128], strides = [1, 1]} : vector<64x8192xf32> to vector<64x128xf32>
    %le3A_415 = arith.cmpf ole, %slice3A_414, %select_n3A_410 : vector<64x128xf32>
    %select_n3A_416 = arith.select %le3A_415, %slice3A_414, %select_n3A_410 : vector<64x128xi1>, vector<64x128xf32>
    %jit3A_417 = arith.constant 51 : i32
    %broadcast_in_dim3A_418 = vector.broadcast %jit3A_417 : i32 to vector<64x128xi32>
    %select_n3A_419 = arith.select %le3A_415, %broadcast_in_dim3A_418, %select_n3A_413 : vector<64x128xi1>, vector<64x128xi32>
    %slice3A_420 = vector.extract_strided_slice %slice3A {offsets = [0, 6400], sizes = [64, 128], strides = [1, 1]} : vector<64x8192xf32> to vector<64x128xf32>
    %le3A_421 = arith.cmpf ole, %slice3A_420, %select_n3A_416 : vector<64x128xf32>
    %select_n3A_422 = arith.select %le3A_421, %slice3A_420, %select_n3A_416 : vector<64x128xi1>, vector<64x128xf32>
    %jit3A_423 = arith.constant 50 : i32
    %broadcast_in_dim3A_424 = vector.broadcast %jit3A_423 : i32 to vector<64x128xi32>
    %select_n3A_425 = arith.select %le3A_421, %broadcast_in_dim3A_424, %select_n3A_419 : vector<64x128xi1>, vector<64x128xi32>
    %slice3A_426 = vector.extract_strided_slice %slice3A {offsets = [0, 6272], sizes = [64, 128], strides = [1, 1]} : vector<64x8192xf32> to vector<64x128xf32>
    %le3A_427 = arith.cmpf ole, %slice3A_426, %select_n3A_422 : vector<64x128xf32>
    %select_n3A_428 = arith.select %le3A_427, %slice3A_426, %select_n3A_422 : vector<64x128xi1>, vector<64x128xf32>
    %jit3A_429 = arith.constant 49 : i32
    %broadcast_in_dim3A_430 = vector.broadcast %jit3A_429 : i32 to vector<64x128xi32>
    %select_n3A_431 = arith.select %le3A_427, %broadcast_in_dim3A_430, %select_n3A_425 : vector<64x128xi1>, vector<64x128xi32>
    %slice3A_432 = vector.extract_strided_slice %slice3A {offsets = [0, 6144], sizes = [64, 128], strides = [1, 1]} : vector<64x8192xf32> to vector<64x128xf32>
    %le3A_433 = arith.cmpf ole, %slice3A_432, %select_n3A_428 : vector<64x128xf32>
    %select_n3A_434 = arith.select %le3A_433, %slice3A_432, %select_n3A_428 : vector<64x128xi1>, vector<64x128xf32>
    %jit3A_435 = arith.constant 48 : i32
    %broadcast_in_dim3A_436 = vector.broadcast %jit3A_435 : i32 to vector<64x128xi32>
    %select_n3A_437 = arith.select %le3A_433, %broadcast_in_dim3A_436, %select_n3A_431 : vector<64x128xi1>, vector<64x128xi32>
    %reduce_min3A_438 = arith.constant dense<0x7F800000> : vector<64xf32>
    %reduce_min3A_439 = vector.multi_reduction <minimumf>, %select_n3A_434, %reduce_min3A_438 [1] : vector<64x128xf32> to vector<64xf32>
    %mul3A_440 = arith.constant 128 : i32
    %mul3A_441 = vector.broadcast %mul3A_440 : i32 to vector<64x128xi32>
    %mul3A_442 = arith.muli %select_n3A_437, %mul3A_441 : vector<64x128xi32>
    %add3A_443 = arith.addi %mul3A_442, %iota3A : vector<64x128xi32>
    %broadcast_in_dim3A_444 = vector.shape_cast %reduce_min3A_439 : vector<64xf32> to vector<64x1xf32>
    %eq3A_445 = vector.broadcast %broadcast_in_dim3A_444 : vector<64x1xf32> to vector<64x128xf32>
    %eq3A_446 = arith.cmpf oeq, %select_n3A_434, %eq3A_445 : vector<64x128xf32>
    %jit3A_447 = arith.constant 8192 : i32
    %broadcast_in_dim3A_448 = vector.broadcast %jit3A_447 : i32 to vector<64x128xi32>
    %select_n3A_449 = arith.select %eq3A_446, %add3A_443, %broadcast_in_dim3A_448 : vector<64x128xi1>, vector<64x128xi32>
    %reduce_min3A_450 = arith.constant dense<2147483647> : vector<64xi32>
    %reduce_min3A_451 = vector.multi_reduction <minsi>, %select_n3A_449, %reduce_min3A_450 [1] : vector<64x128xi32> to vector<64xi32>
    %lt3A_452 = arith.cmpf olt, %reduce_min3A_439, %select_n3A_342 : vector<64xf32>
    %select_n3A_453 = arith.select %lt3A_452, %reduce_min3A_451, %select_n3A_343 : vector<64xi1>, vector<64xi32>
    %select_n3A_454 = arith.select %lt3A_452, %reduce_min3A_439, %select_n3A_344 : vector<64xi1>, vector<64xf32>
    %swap3A = arith.constant 0 : index
    %swap3A_455 = arith.constant 0 : index
    %swap3A_456 = arith.constant 0 : index
    %swap3A_457 = vector.load %arg5[%swap3A, %swap3A_455, %swap3A_456] : memref<1x1x256xi32, #tpu.memory_space<vmem>>, vector<1x1x64xi32>
    %swap3A_458 = vector.shape_cast %swap3A_457 : vector<1x1x64xi32> to vector<64xi32>
    %swap3A_459 = vector.shape_cast %select_n3A_453 : vector<64xi32> to vector<1x1x64xi32>
    tpu.vector_store %arg5[%swap3A, %swap3A_455, %swap3A_456], %swap3A_459 {strides = array<i32>} : memref<1x1x256xi32, #tpu.memory_space<vmem>>, vector<1x1x64xi32>,
    %reduce_sum3A = vector.shape_cast %select_n3A_454 : vector<64xf32> to vector<1x64xf32>
    %reduce_sum3A_460 = arith.constant dense<0.000000e+00> : vector<1xf32>
    %reduce_sum3A_461 = vector.multi_reduction <add>, %reduce_sum3A, %reduce_sum3A_460 [1] : vector<1x64xf32> to vector<1xf32>
    %reduce_sum3A_462 = vector.shape_cast %reduce_sum3A_461 : vector<1xf32> to vector<1x1xf32>
    %reduce_sum3A_463 = vector.extract %reduce_sum3A_462[0, 0] : f32 from vector<1x1xf32>
    %slice3A_464 = vector.extract_strided_slice %add3A_16 {offsets = [64, 0], sizes = [64, 8192], strides = [1, 1]} : vector<256x8192xf32> to vector<64x8192xf32>
    %slice3A_465 = vector.extract_strided_slice %slice3A_464 {offsets = [0, 1920], sizes = [64, 128], strides = [1, 1]} : vector<64x8192xf32> to vector<64x128xf32>
    %broadcast_in_dim3A_466 = arith.constant 15 : i32
    %broadcast_in_dim3A_467 = vector.broadcast %broadcast_in_dim3A_466 : i32 to vector<64x128xi32>
    %slice3A_468 = vector.extract_strided_slice %slice3A_464 {offsets = [0, 1792], sizes = [64, 128], strides = [1, 1]} : vector<64x8192xf32> to vector<64x128xf32>
    %le3A_469 = arith.cmpf ole, %slice3A_468, %slice3A_465 : vector<64x128xf32>
    %select_n3A_470 = arith.select %le3A_469, %slice3A_468, %slice3A_465 : vector<64x128xi1>, vector<64x128xf32>
    %jit3A_471 = arith.constant 14 : i32
    %broadcast_in_dim3A_472 = vector.broadcast %jit3A_471 : i32 to vector<64x128xi32>
    %select_n3A_473 = arith.select %le3A_469, %broadcast_in_dim3A_472, %broadcast_in_dim3A_467 : vector<64x128xi1>, vector<64x128xi32>
    %slice3A_474 = vector.extract_strided_slice %slice3A_464 {offsets = [0, 1664], sizes = [64, 128], strides = [1, 1]} : vector<64x8192xf32> to vector<64x128xf32>
    %le3A_475 = arith.cmpf ole, %slice3A_474, %select_n3A_470 : vector<64x128xf32>
    %select_n3A_476 = arith.select %le3A_475, %slice3A_474, %select_n3A_470 : vector<64x128xi1>, vector<64x128xf32>
    %jit3A_477 = arith.constant 13 : i32
    %broadcast_in_dim3A_478 = vector.broadcast %jit3A_477 : i32 to vector<64x128xi32>
    %select_n3A_479 = arith.select %le3A_475, %broadcast_in_dim3A_478, %select_n3A_473 : vector<64x128xi1>, vector<64x128xi32>
    %slice3A_480 = vector.extract_strided_slice %slice3A_464 {offsets = [0, 1536], sizes = [64, 128], strides = [1, 1]} : vector<64x8192xf32> to vector<64x128xf32>
    %le3A_481 = arith.cmpf ole, %slice3A_480, %select_n3A_476 : vector<64x128xf32>
    %select_n3A_482 = arith.select %le3A_481, %slice3A_480, %select_n3A_476 : vector<64x128xi1>, vector<64x128xf32>
    %jit3A_483 = arith.constant 12 : i32
    %broadcast_in_dim3A_484 = vector.broadcast %jit3A_483 : i32 to vector<64x128xi32>
    %select_n3A_485 = arith.select %le3A_481, %broadcast_in_dim3A_484, %select_n3A_479 : vector<64x128xi1>, vector<64x128xi32>
    %slice3A_486 = vector.extract_strided_slice %slice3A_464 {offsets = [0, 1408], sizes = [64, 128], strides = [1, 1]} : vector<64x8192xf32> to vector<64x128xf32>
    %le3A_487 = arith.cmpf ole, %slice3A_486, %select_n3A_482 : vector<64x128xf32>
    %select_n3A_488 = arith.select %le3A_487, %slice3A_486, %select_n3A_482 : vector<64x128xi1>, vector<64x128xf32>
    %jit3A_489 = arith.constant 11 : i32
    %broadcast_in_dim3A_490 = vector.broadcast %jit3A_489 : i32 to vector<64x128xi32>
    %select_n3A_491 = arith.select %le3A_487, %broadcast_in_dim3A_490, %select_n3A_485 : vector<64x128xi1>, vector<64x128xi32>
    %slice3A_492 = vector.extract_strided_slice %slice3A_464 {offsets = [0, 1280], sizes = [64, 128], strides = [1, 1]} : vector<64x8192xf32> to vector<64x128xf32>
    %le3A_493 = arith.cmpf ole, %slice3A_492, %select_n3A_488 : vector<64x128xf32>
    %select_n3A_494 = arith.select %le3A_493, %slice3A_492, %select_n3A_488 : vector<64x128xi1>, vector<64x128xf32>
    %jit3A_495 = arith.constant 10 : i32
    %broadcast_in_dim3A_496 = vector.broadcast %jit3A_495 : i32 to vector<64x128xi32>
    %select_n3A_497 = arith.select %le3A_493, %broadcast_in_dim3A_496, %select_n3A_491 : vector<64x128xi1>, vector<64x128xi32>
    %slice3A_498 = vector.extract_strided_slice %slice3A_464 {offsets = [0, 1152], sizes = [64, 128], strides = [1, 1]} : vector<64x8192xf32> to vector<64x128xf32>
    %le3A_499 = arith.cmpf ole, %slice3A_498, %select_n3A_494 : vector<64x128xf32>
    %select_n3A_500 = arith.select %le3A_499, %slice3A_498, %select_n3A_494 : vector<64x128xi1>, vector<64x128xf32>
    %jit3A_501 = arith.constant 9 : i32
    %broadcast_in_dim3A_502 = vector.broadcast %jit3A_501 : i32 to vector<64x128xi32>
    %select_n3A_503 = arith.select %le3A_499, %broadcast_in_dim3A_502, %select_n3A_497 : vector<64x128xi1>, vector<64x128xi32>
    %slice3A_504 = vector.extract_strided_slice %slice3A_464 {offsets = [0, 1024], sizes = [64, 128], strides = [1, 1]} : vector<64x8192xf32> to vector<64x128xf32>
    %le3A_505 = arith.cmpf ole, %slice3A_504, %select_n3A_500 : vector<64x128xf32>
    %select_n3A_506 = arith.select %le3A_505, %slice3A_504, %select_n3A_500 : vector<64x128xi1>, vector<64x128xf32>
    %jit3A_507 = arith.constant 8 : i32
    %broadcast_in_dim3A_508 = vector.broadcast %jit3A_507 : i32 to vector<64x128xi32>
    %select_n3A_509 = arith.select %le3A_505, %broadcast_in_dim3A_508, %select_n3A_503 : vector<64x128xi1>, vector<64x128xi32>
    %slice3A_510 = vector.extract_strided_slice %slice3A_464 {offsets = [0, 896], sizes = [64, 128], strides = [1, 1]} : vector<64x8192xf32> to vector<64x128xf32>
    %le3A_511 = arith.cmpf ole, %slice3A_510, %select_n3A_506 : vector<64x128xf32>
    %select_n3A_512 = arith.select %le3A_511, %slice3A_510, %select_n3A_506 : vector<64x128xi1>, vector<64x128xf32>
    %jit3A_513 = arith.constant 7 : i32
    %broadcast_in_dim3A_514 = vector.broadcast %jit3A_513 : i32 to vector<64x128xi32>
    %select_n3A_515 = arith.select %le3A_511, %broadcast_in_dim3A_514, %select_n3A_509 : vector<64x128xi1>, vector<64x128xi32>
    %slice3A_516 = vector.extract_strided_slice %slice3A_464 {offsets = [0, 768], sizes = [64, 128], strides = [1, 1]} : vector<64x8192xf32> to vector<64x128xf32>
    %le3A_517 = arith.cmpf ole, %slice3A_516, %select_n3A_512 : vector<64x128xf32>
    %select_n3A_518 = arith.select %le3A_517, %slice3A_516, %select_n3A_512 : vector<64x128xi1>, vector<64x128xf32>
    %jit3A_519 = arith.constant 6 : i32
    %broadcast_in_dim3A_520 = vector.broadcast %jit3A_519 : i32 to vector<64x128xi32>
    %select_n3A_521 = arith.select %le3A_517, %broadcast_in_dim3A_520, %select_n3A_515 : vector<64x128xi1>, vector<64x128xi32>
    %slice3A_522 = vector.extract_strided_slice %slice3A_464 {offsets = [0, 640], sizes = [64, 128], strides = [1, 1]} : vector<64x8192xf32> to vector<64x128xf32>
    %le3A_523 = arith.cmpf ole, %slice3A_522, %select_n3A_518 : vector<64x128xf32>
    %select_n3A_524 = arith.select %le3A_523, %slice3A_522, %select_n3A_518 : vector<64x128xi1>, vector<64x128xf32>
    %jit3A_525 = arith.constant 5 : i32
    %broadcast_in_dim3A_526 = vector.broadcast %jit3A_525 : i32 to vector<64x128xi32>
    %select_n3A_527 = arith.select %le3A_523, %broadcast_in_dim3A_526, %select_n3A_521 : vector<64x128xi1>, vector<64x128xi32>
    %slice3A_528 = vector.extract_strided_slice %slice3A_464 {offsets = [0, 512], sizes = [64, 128], strides = [1, 1]} : vector<64x8192xf32> to vector<64x128xf32>
    %le3A_529 = arith.cmpf ole, %slice3A_528, %select_n3A_524 : vector<64x128xf32>
    %select_n3A_530 = arith.select %le3A_529, %slice3A_528, %select_n3A_524 : vector<64x128xi1>, vector<64x128xf32>
    %jit3A_531 = arith.constant 4 : i32
    %broadcast_in_dim3A_532 = vector.broadcast %jit3A_531 : i32 to vector<64x128xi32>
    %select_n3A_533 = arith.select %le3A_529, %broadcast_in_dim3A_532, %select_n3A_527 : vector<64x128xi1>, vector<64x128xi32>
    %slice3A_534 = vector.extract_strided_slice %slice3A_464 {offsets = [0, 384], sizes = [64, 128], strides = [1, 1]} : vector<64x8192xf32> to vector<64x128xf32>
    %le3A_535 = arith.cmpf ole, %slice3A_534, %select_n3A_530 : vector<64x128xf32>
    %select_n3A_536 = arith.select %le3A_535, %slice3A_534, %select_n3A_530 : vector<64x128xi1>, vector<64x128xf32>
    %jit3A_537 = arith.constant 3 : i32
    %broadcast_in_dim3A_538 = vector.broadcast %jit3A_537 : i32 to vector<64x128xi32>
    %select_n3A_539 = arith.select %le3A_535, %broadcast_in_dim3A_538, %select_n3A_533 : vector<64x128xi1>, vector<64x128xi32>
    %slice3A_540 = vector.extract_strided_slice %slice3A_464 {offsets = [0, 256], sizes = [64, 128], strides = [1, 1]} : vector<64x8192xf32> to vector<64x128xf32>
    %le3A_541 = arith.cmpf ole, %slice3A_540, %select_n3A_536 : vector<64x128xf32>
    %select_n3A_542 = arith.select %le3A_541, %slice3A_540, %select_n3A_536 : vector<64x128xi1>, vector<64x128xf32>
    %jit3A_543 = arith.constant 2 : i32
    %broadcast_in_dim3A_544 = vector.broadcast %jit3A_543 : i32 to vector<64x128xi32>
    %select_n3A_545 = arith.select %le3A_541, %broadcast_in_dim3A_544, %select_n3A_539 : vector<64x128xi1>, vector<64x128xi32>
    %slice3A_546 = vector.extract_strided_slice %slice3A_464 {offsets = [0, 128], sizes = [64, 128], strides = [1, 1]} : vector<64x8192xf32> to vector<64x128xf32>
    %le3A_547 = arith.cmpf ole, %slice3A_546, %select_n3A_542 : vector<64x128xf32>
    %select_n3A_548 = arith.select %le3A_547, %slice3A_546, %select_n3A_542 : vector<64x128xi1>, vector<64x128xf32>
    %jit3A_549 = arith.constant 1 : i32
    %broadcast_in_dim3A_550 = vector.broadcast %jit3A_549 : i32 to vector<64x128xi32>
    %select_n3A_551 = arith.select %le3A_547, %broadcast_in_dim3A_550, %select_n3A_545 : vector<64x128xi1>, vector<64x128xi32>
    %slice3A_552 = vector.extract_strided_slice %slice3A_464 {offsets = [0, 0], sizes = [64, 128], strides = [1, 1]} : vector<64x8192xf32> to vector<64x128xf32>
    %le3A_553 = arith.cmpf ole, %slice3A_552, %select_n3A_548 : vector<64x128xf32>
    %select_n3A_554 = arith.select %le3A_553, %slice3A_552, %select_n3A_548 : vector<64x128xi1>, vector<64x128xf32>
    %jit3A_555 = arith.constant 0 : i32
    %broadcast_in_dim3A_556 = vector.broadcast %jit3A_555 : i32 to vector<64x128xi32>
    %select_n3A_557 = arith.select %le3A_553, %broadcast_in_dim3A_556, %select_n3A_551 : vector<64x128xi1>, vector<64x128xi32>
    %reduce_min3A_558 = arith.constant dense<0x7F800000> : vector<64xf32>
    %reduce_min3A_559 = vector.multi_reduction <minimumf>, %select_n3A_554, %reduce_min3A_558 [1] : vector<64x128xf32> to vector<64xf32>
    %mul3A_560 = arith.constant 128 : i32
    %mul3A_561 = vector.broadcast %mul3A_560 : i32 to vector<64x128xi32>
    %mul3A_562 = arith.muli %select_n3A_557, %mul3A_561 : vector<64x128xi32>
    %add3A_563 = arith.addi %mul3A_562, %iota3A : vector<64x128xi32>
    %broadcast_in_dim3A_564 = vector.shape_cast %reduce_min3A_559 : vector<64xf32> to vector<64x1xf32>
    %eq3A_565 = vector.broadcast %broadcast_in_dim3A_564 : vector<64x1xf32> to vector<64x128xf32>
    %eq3A_566 = arith.cmpf oeq, %select_n3A_554, %eq3A_565 : vector<64x128xf32>
    %jit3A_567 = arith.constant 8192 : i32
    %broadcast_in_dim3A_568 = vector.broadcast %jit3A_567 : i32 to vector<64x128xi32>
    %select_n3A_569 = arith.select %eq3A_566, %add3A_563, %broadcast_in_dim3A_568 : vector<64x128xi1>, vector<64x128xi32>
    %reduce_min3A_570 = arith.constant dense<2147483647> : vector<64xi32>
    %reduce_min3A_571 = vector.multi_reduction <minsi>, %select_n3A_569, %reduce_min3A_570 [1] : vector<64x128xi32> to vector<64xi32>
    %convert_element_type3A_572 = arith.truncf %reduce_min3A_559 : vector<64xf32> to vector<64xbf16>
    %convert_element_type3A_573 = arith.extf %convert_element_type3A_572 : vector<64xbf16> to vector<64xf32>
    %slice3A_574 = vector.extract_strided_slice %slice3A_464 {offsets = [0, 3968], sizes = [64, 128], strides = [1, 1]} : vector<64x8192xf32> to vector<64x128xf32>
    %broadcast_in_dim3A_575 = arith.constant 31 : i32
    %broadcast_in_dim3A_576 = vector.broadcast %broadcast_in_dim3A_575 : i32 to vector<64x128xi32>
    %slice3A_577 = vector.extract_strided_slice %slice3A_464 {offsets = [0, 3840], sizes = [64, 128], strides = [1, 1]} : vector<64x8192xf32> to vector<64x128xf32>
    %le3A_578 = arith.cmpf ole, %slice3A_577, %slice3A_574 : vector<64x128xf32>
    %select_n3A_579 = arith.select %le3A_578, %slice3A_577, %slice3A_574 : vector<64x128xi1>, vector<64x128xf32>
    %jit3A_580 = arith.constant 30 : i32
    %broadcast_in_dim3A_581 = vector.broadcast %jit3A_580 : i32 to vector<64x128xi32>
    %select_n3A_582 = arith.select %le3A_578, %broadcast_in_dim3A_581, %broadcast_in_dim3A_576 : vector<64x128xi1>, vector<64x128xi32>
    %slice3A_583 = vector.extract_strided_slice %slice3A_464 {offsets = [0, 3712], sizes = [64, 128], strides = [1, 1]} : vector<64x8192xf32> to vector<64x128xf32>
    %le3A_584 = arith.cmpf ole, %slice3A_583, %select_n3A_579 : vector<64x128xf32>
    %select_n3A_585 = arith.select %le3A_584, %slice3A_583, %select_n3A_579 : vector<64x128xi1>, vector<64x128xf32>
    %jit3A_586 = arith.constant 29 : i32
    %broadcast_in_dim3A_587 = vector.broadcast %jit3A_586 : i32 to vector<64x128xi32>
    %select_n3A_588 = arith.select %le3A_584, %broadcast_in_dim3A_587, %select_n3A_582 : vector<64x128xi1>, vector<64x128xi32>
    %slice3A_589 = vector.extract_strided_slice %slice3A_464 {offsets = [0, 3584], sizes = [64, 128], strides = [1, 1]} : vector<64x8192xf32> to vector<64x128xf32>
    %le3A_590 = arith.cmpf ole, %slice3A_589, %select_n3A_585 : vector<64x128xf32>
    %select_n3A_591 = arith.select %le3A_590, %slice3A_589, %select_n3A_585 : vector<64x128xi1>, vector<64x128xf32>
    %jit3A_592 = arith.constant 28 : i32
    %broadcast_in_dim3A_593 = vector.broadcast %jit3A_592 : i32 to vector<64x128xi32>
    %select_n3A_594 = arith.select %le3A_590, %broadcast_in_dim3A_593, %select_n3A_588 : vector<64x128xi1>, vector<64x128xi32>
    %slice3A_595 = vector.extract_strided_slice %slice3A_464 {offsets = [0, 3456], sizes = [64, 128], strides = [1, 1]} : vector<64x8192xf32> to vector<64x128xf32>
    %le3A_596 = arith.cmpf ole, %slice3A_595, %select_n3A_591 : vector<64x128xf32>
    %select_n3A_597 = arith.select %le3A_596, %slice3A_595, %select_n3A_591 : vector<64x128xi1>, vector<64x128xf32>
    %jit3A_598 = arith.constant 27 : i32
    %broadcast_in_dim3A_599 = vector.broadcast %jit3A_598 : i32 to vector<64x128xi32>
    %select_n3A_600 = arith.select %le3A_596, %broadcast_in_dim3A_599, %select_n3A_594 : vector<64x128xi1>, vector<64x128xi32>
    %slice3A_601 = vector.extract_strided_slice %slice3A_464 {offsets = [0, 3328], sizes = [64, 128], strides = [1, 1]} : vector<64x8192xf32> to vector<64x128xf32>
    %le3A_602 = arith.cmpf ole, %slice3A_601, %select_n3A_597 : vector<64x128xf32>
    %select_n3A_603 = arith.select %le3A_602, %slice3A_601, %select_n3A_597 : vector<64x128xi1>, vector<64x128xf32>
    %jit3A_604 = arith.constant 26 : i32
    %broadcast_in_dim3A_605 = vector.broadcast %jit3A_604 : i32 to vector<64x128xi32>
    %select_n3A_606 = arith.select %le3A_602, %broadcast_in_dim3A_605, %select_n3A_600 : vector<64x128xi1>, vector<64x128xi32>
    %slice3A_607 = vector.extract_strided_slice %slice3A_464 {offsets = [0, 3200], sizes = [64, 128], strides = [1, 1]} : vector<64x8192xf32> to vector<64x128xf32>
    %le3A_608 = arith.cmpf ole, %slice3A_607, %select_n3A_603 : vector<64x128xf32>
    %select_n3A_609 = arith.select %le3A_608, %slice3A_607, %select_n3A_603 : vector<64x128xi1>, vector<64x128xf32>
    %jit3A_610 = arith.constant 25 : i32
    %broadcast_in_dim3A_611 = vector.broadcast %jit3A_610 : i32 to vector<64x128xi32>
    %select_n3A_612 = arith.select %le3A_608, %broadcast_in_dim3A_611, %select_n3A_606 : vector<64x128xi1>, vector<64x128xi32>
    %slice3A_613 = vector.extract_strided_slice %slice3A_464 {offsets = [0, 3072], sizes = [64, 128], strides = [1, 1]} : vector<64x8192xf32> to vector<64x128xf32>
    %le3A_614 = arith.cmpf ole, %slice3A_613, %select_n3A_609 : vector<64x128xf32>
    %select_n3A_615 = arith.select %le3A_614, %slice3A_613, %select_n3A_609 : vector<64x128xi1>, vector<64x128xf32>
    %jit3A_616 = arith.constant 24 : i32
    %broadcast_in_dim3A_617 = vector.broadcast %jit3A_616 : i32 to vector<64x128xi32>
    %select_n3A_618 = arith.select %le3A_614, %broadcast_in_dim3A_617, %select_n3A_612 : vector<64x128xi1>, vector<64x128xi32>
    %slice3A_619 = vector.extract_strided_slice %slice3A_464 {offsets = [0, 2944], sizes = [64, 128], strides = [1, 1]} : vector<64x8192xf32> to vector<64x128xf32>
    %le3A_620 = arith.cmpf ole, %slice3A_619, %select_n3A_615 : vector<64x128xf32>
    %select_n3A_621 = arith.select %le3A_620, %slice3A_619, %select_n3A_615 : vector<64x128xi1>, vector<64x128xf32>
    %jit3A_622 = arith.constant 23 : i32
    %broadcast_in_dim3A_623 = vector.broadcast %jit3A_622 : i32 to vector<64x128xi32>
    %select_n3A_624 = arith.select %le3A_620, %broadcast_in_dim3A_623, %select_n3A_618 : vector<64x128xi1>, vector<64x128xi32>
    %slice3A_625 = vector.extract_strided_slice %slice3A_464 {offsets = [0, 2816], sizes = [64, 128], strides = [1, 1]} : vector<64x8192xf32> to vector<64x128xf32>
    %le3A_626 = arith.cmpf ole, %slice3A_625, %select_n3A_621 : vector<64x128xf32>
    %select_n3A_627 = arith.select %le3A_626, %slice3A_625, %select_n3A_621 : vector<64x128xi1>, vector<64x128xf32>
    %jit3A_628 = arith.constant 22 : i32
    %broadcast_in_dim3A_629 = vector.broadcast %jit3A_628 : i32 to vector<64x128xi32>
    %select_n3A_630 = arith.select %le3A_626, %broadcast_in_dim3A_629, %select_n3A_624 : vector<64x128xi1>, vector<64x128xi32>
    %slice3A_631 = vector.extract_strided_slice %slice3A_464 {offsets = [0, 2688], sizes = [64, 128], strides = [1, 1]} : vector<64x8192xf32> to vector<64x128xf32>
    %le3A_632 = arith.cmpf ole, %slice3A_631, %select_n3A_627 : vector<64x128xf32>
    %select_n3A_633 = arith.select %le3A_632, %slice3A_631, %select_n3A_627 : vector<64x128xi1>, vector<64x128xf32>
    %jit3A_634 = arith.constant 21 : i32
    %broadcast_in_dim3A_635 = vector.broadcast %jit3A_634 : i32 to vector<64x128xi32>
    %select_n3A_636 = arith.select %le3A_632, %broadcast_in_dim3A_635, %select_n3A_630 : vector<64x128xi1>, vector<64x128xi32>
    %slice3A_637 = vector.extract_strided_slice %slice3A_464 {offsets = [0, 2560], sizes = [64, 128], strides = [1, 1]} : vector<64x8192xf32> to vector<64x128xf32>
    %le3A_638 = arith.cmpf ole, %slice3A_637, %select_n3A_633 : vector<64x128xf32>
    %select_n3A_639 = arith.select %le3A_638, %slice3A_637, %select_n3A_633 : vector<64x128xi1>, vector<64x128xf32>
    %jit3A_640 = arith.constant 20 : i32
    %broadcast_in_dim3A_641 = vector.broadcast %jit3A_640 : i32 to vector<64x128xi32>
    %select_n3A_642 = arith.select %le3A_638, %broadcast_in_dim3A_641, %select_n3A_636 : vector<64x128xi1>, vector<64x128xi32>
    %slice3A_643 = vector.extract_strided_slice %slice3A_464 {offsets = [0, 2432], sizes = [64, 128], strides = [1, 1]} : vector<64x8192xf32> to vector<64x128xf32>
    %le3A_644 = arith.cmpf ole, %slice3A_643, %select_n3A_639 : vector<64x128xf32>
    %select_n3A_645 = arith.select %le3A_644, %slice3A_643, %select_n3A_639 : vector<64x128xi1>, vector<64x128xf32>
    %jit3A_646 = arith.constant 19 : i32
    %broadcast_in_dim3A_647 = vector.broadcast %jit3A_646 : i32 to vector<64x128xi32>
    %select_n3A_648 = arith.select %le3A_644, %broadcast_in_dim3A_647, %select_n3A_642 : vector<64x128xi1>, vector<64x128xi32>
    %slice3A_649 = vector.extract_strided_slice %slice3A_464 {offsets = [0, 2304], sizes = [64, 128], strides = [1, 1]} : vector<64x8192xf32> to vector<64x128xf32>
    %le3A_650 = arith.cmpf ole, %slice3A_649, %select_n3A_645 : vector<64x128xf32>
    %select_n3A_651 = arith.select %le3A_650, %slice3A_649, %select_n3A_645 : vector<64x128xi1>, vector<64x128xf32>
    %jit3A_652 = arith.constant 18 : i32
    %broadcast_in_dim3A_653 = vector.broadcast %jit3A_652 : i32 to vector<64x128xi32>
    %select_n3A_654 = arith.select %le3A_650, %broadcast_in_dim3A_653, %select_n3A_648 : vector<64x128xi1>, vector<64x128xi32>
    %slice3A_655 = vector.extract_strided_slice %slice3A_464 {offsets = [0, 2176], sizes = [64, 128], strides = [1, 1]} : vector<64x8192xf32> to vector<64x128xf32>
    %le3A_656 = arith.cmpf ole, %slice3A_655, %select_n3A_651 : vector<64x128xf32>
    %select_n3A_657 = arith.select %le3A_656, %slice3A_655, %select_n3A_651 : vector<64x128xi1>, vector<64x128xf32>
    %jit3A_658 = arith.constant 17 : i32
    %broadcast_in_dim3A_659 = vector.broadcast %jit3A_658 : i32 to vector<64x128xi32>
    %select_n3A_660 = arith.select %le3A_656, %broadcast_in_dim3A_659, %select_n3A_654 : vector<64x128xi1>, vector<64x128xi32>
    %slice3A_661 = vector.extract_strided_slice %slice3A_464 {offsets = [0, 2048], sizes = [64, 128], strides = [1, 1]} : vector<64x8192xf32> to vector<64x128xf32>
    %le3A_662 = arith.cmpf ole, %slice3A_661, %select_n3A_657 : vector<64x128xf32>
    %select_n3A_663 = arith.select %le3A_662, %slice3A_661, %select_n3A_657 : vector<64x128xi1>, vector<64x128xf32>
    %jit3A_664 = arith.constant 16 : i32
    %broadcast_in_dim3A_665 = vector.broadcast %jit3A_664 : i32 to vector<64x128xi32>
    %select_n3A_666 = arith.select %le3A_662, %broadcast_in_dim3A_665, %select_n3A_660 : vector<64x128xi1>, vector<64x128xi32>
    %reduce_min3A_667 = arith.constant dense<0x7F800000> : vector<64xf32>
    %reduce_min3A_668 = vector.multi_reduction <minimumf>, %select_n3A_663, %reduce_min3A_667 [1] : vector<64x128xf32> to vector<64xf32>
    %mul3A_669 = arith.constant 128 : i32
    %mul3A_670 = vector.broadcast %mul3A_669 : i32 to vector<64x128xi32>
    %mul3A_671 = arith.muli %select_n3A_666, %mul3A_670 : vector<64x128xi32>
    %add3A_672 = arith.addi %mul3A_671, %iota3A : vector<64x128xi32>
    %broadcast_in_dim3A_673 = vector.shape_cast %reduce_min3A_668 : vector<64xf32> to vector<64x1xf32>
    %eq3A_674 = vector.broadcast %broadcast_in_dim3A_673 : vector<64x1xf32> to vector<64x128xf32>
    %eq3A_675 = arith.cmpf oeq, %select_n3A_663, %eq3A_674 : vector<64x128xf32>
    %jit3A_676 = arith.constant 8192 : i32
    %broadcast_in_dim3A_677 = vector.broadcast %jit3A_676 : i32 to vector<64x128xi32>
    %select_n3A_678 = arith.select %eq3A_675, %add3A_672, %broadcast_in_dim3A_677 : vector<64x128xi1>, vector<64x128xi32>
    %reduce_min3A_679 = arith.constant dense<2147483647> : vector<64xi32>
    %reduce_min3A_680 = vector.multi_reduction <minsi>, %select_n3A_678, %reduce_min3A_679 [1] : vector<64x128xi32> to vector<64xi32>
    %lt3A_681 = arith.cmpf olt, %reduce_min3A_668, %convert_element_type3A_573 : vector<64xf32>
    %convert_element_type3A_682 = arith.truncf %reduce_min3A_668 : vector<64xf32> to vector<64xbf16>
    %convert_element_type3A_683 = arith.extf %convert_element_type3A_682 : vector<64xbf16> to vector<64xf32>
    %select_n3A_684 = arith.select %lt3A_681, %convert_element_type3A_683, %convert_element_type3A_573 : vector<64xi1>, vector<64xf32>
    %select_n3A_685 = arith.select %lt3A_681, %reduce_min3A_680, %reduce_min3A_571 : vector<64xi1>, vector<64xi32>
    %select_n3A_686 = arith.select %lt3A_681, %reduce_min3A_668, %reduce_min3A_559 : vector<64xi1>, vector<64xf32>
    %slice3A_687 = vector.extract_strided_slice %slice3A_464 {offsets = [0, 6016], sizes = [64, 128], strides = [1, 1]} : vector<64x8192xf32> to vector<64x128xf32>
    %broadcast_in_dim3A_688 = arith.constant 47 : i32
    %broadcast_in_dim3A_689 = vector.broadcast %broadcast_in_dim3A_688 : i32 to vector<64x128xi32>
    %slice3A_690 = vector.extract_strided_slice %slice3A_464 {offsets = [0, 5888], sizes = [64, 128], strides = [1, 1]} : vector<64x8192xf32> to vector<64x128xf32>
    %le3A_691 = arith.cmpf ole, %slice3A_690, %slice3A_687 : vector<64x128xf32>
    %select_n3A_692 = arith.select %le3A_691, %slice3A_690, %slice3A_687 : vector<64x128xi1>, vector<64x128xf32>
    %jit3A_693 = arith.constant 46 : i32
    %broadcast_in_dim3A_694 = vector.broadcast %jit3A_693 : i32 to vector<64x128xi32>
    %select_n3A_695 = arith.select %le3A_691, %broadcast_in_dim3A_694, %broadcast_in_dim3A_689 : vector<64x128xi1>, vector<64x128xi32>
    %slice3A_696 = vector.extract_strided_slice %slice3A_464 {offsets = [0, 5760], sizes = [64, 128], strides = [1, 1]} : vector<64x8192xf32> to vector<64x128xf32>
    %le3A_697 = arith.cmpf ole, %slice3A_696, %select_n3A_692 : vector<64x128xf32>
    %select_n3A_698 = arith.select %le3A_697, %slice3A_696, %select_n3A_692 : vector<64x128xi1>, vector<64x128xf32>
    %jit3A_699 = arith.constant 45 : i32
    %broadcast_in_dim3A_700 = vector.broadcast %jit3A_699 : i32 to vector<64x128xi32>
    %select_n3A_701 = arith.select %le3A_697, %broadcast_in_dim3A_700, %select_n3A_695 : vector<64x128xi1>, vector<64x128xi32>
    %slice3A_702 = vector.extract_strided_slice %slice3A_464 {offsets = [0, 5632], sizes = [64, 128], strides = [1, 1]} : vector<64x8192xf32> to vector<64x128xf32>
    %le3A_703 = arith.cmpf ole, %slice3A_702, %select_n3A_698 : vector<64x128xf32>
    %select_n3A_704 = arith.select %le3A_703, %slice3A_702, %select_n3A_698 : vector<64x128xi1>, vector<64x128xf32>
    %jit3A_705 = arith.constant 44 : i32
    %broadcast_in_dim3A_706 = vector.broadcast %jit3A_705 : i32 to vector<64x128xi32>
    %select_n3A_707 = arith.select %le3A_703, %broadcast_in_dim3A_706, %select_n3A_701 : vector<64x128xi1>, vector<64x128xi32>
    %slice3A_708 = vector.extract_strided_slice %slice3A_464 {offsets = [0, 5504], sizes = [64, 128], strides = [1, 1]} : vector<64x8192xf32> to vector<64x128xf32>
    %le3A_709 = arith.cmpf ole, %slice3A_708, %select_n3A_704 : vector<64x128xf32>
    %select_n3A_710 = arith.select %le3A_709, %slice3A_708, %select_n3A_704 : vector<64x128xi1>, vector<64x128xf32>
    %jit3A_711 = arith.constant 43 : i32
    %broadcast_in_dim3A_712 = vector.broadcast %jit3A_711 : i32 to vector<64x128xi32>
    %select_n3A_713 = arith.select %le3A_709, %broadcast_in_dim3A_712, %select_n3A_707 : vector<64x128xi1>, vector<64x128xi32>
    %slice3A_714 = vector.extract_strided_slice %slice3A_464 {offsets = [0, 5376], sizes = [64, 128], strides = [1, 1]} : vector<64x8192xf32> to vector<64x128xf32>
    %le3A_715 = arith.cmpf ole, %slice3A_714, %select_n3A_710 : vector<64x128xf32>
    %select_n3A_716 = arith.select %le3A_715, %slice3A_714, %select_n3A_710 : vector<64x128xi1>, vector<64x128xf32>
    %jit3A_717 = arith.constant 42 : i32
    %broadcast_in_dim3A_718 = vector.broadcast %jit3A_717 : i32 to vector<64x128xi32>
    %select_n3A_719 = arith.select %le3A_715, %broadcast_in_dim3A_718, %select_n3A_713 : vector<64x128xi1>, vector<64x128xi32>
    %slice3A_720 = vector.extract_strided_slice %slice3A_464 {offsets = [0, 5248], sizes = [64, 128], strides = [1, 1]} : vector<64x8192xf32> to vector<64x128xf32>
    %le3A_721 = arith.cmpf ole, %slice3A_720, %select_n3A_716 : vector<64x128xf32>
    %select_n3A_722 = arith.select %le3A_721, %slice3A_720, %select_n3A_716 : vector<64x128xi1>, vector<64x128xf32>
    %jit3A_723 = arith.constant 41 : i32
    %broadcast_in_dim3A_724 = vector.broadcast %jit3A_723 : i32 to vector<64x128xi32>
    %select_n3A_725 = arith.select %le3A_721, %broadcast_in_dim3A_724, %select_n3A_719 : vector<64x128xi1>, vector<64x128xi32>
    %slice3A_726 = vector.extract_strided_slice %slice3A_464 {offsets = [0, 5120], sizes = [64, 128], strides = [1, 1]} : vector<64x8192xf32> to vector<64x128xf32>
    %le3A_727 = arith.cmpf ole, %slice3A_726, %select_n3A_722 : vector<64x128xf32>
    %select_n3A_728 = arith.select %le3A_727, %slice3A_726, %select_n3A_722 : vector<64x128xi1>, vector<64x128xf32>
    %jit3A_729 = arith.constant 40 : i32
    %broadcast_in_dim3A_730 = vector.broadcast %jit3A_729 : i32 to vector<64x128xi32>
    %select_n3A_731 = arith.select %le3A_727, %broadcast_in_dim3A_730, %select_n3A_725 : vector<64x128xi1>, vector<64x128xi32>
    %slice3A_732 = vector.extract_strided_slice %slice3A_464 {offsets = [0, 4992], sizes = [64, 128], strides = [1, 1]} : vector<64x8192xf32> to vector<64x128xf32>
    %le3A_733 = arith.cmpf ole, %slice3A_732, %select_n3A_728 : vector<64x128xf32>
    %select_n3A_734 = arith.select %le3A_733, %slice3A_732, %select_n3A_728 : vector<64x128xi1>, vector<64x128xf32>
    %jit3A_735 = arith.constant 39 : i32
    %broadcast_in_dim3A_736 = vector.broadcast %jit3A_735 : i32 to vector<64x128xi32>
    %select_n3A_737 = arith.select %le3A_733, %broadcast_in_dim3A_736, %select_n3A_731 : vector<64x128xi1>, vector<64x128xi32>
    %slice3A_738 = vector.extract_strided_slice %slice3A_464 {offsets = [0, 4864], sizes = [64, 128], strides = [1, 1]} : vector<64x8192xf32> to vector<64x128xf32>
    %le3A_739 = arith.cmpf ole, %slice3A_738, %select_n3A_734 : vector<64x128xf32>
    %select_n3A_740 = arith.select %le3A_739, %slice3A_738, %select_n3A_734 : vector<64x128xi1>, vector<64x128xf32>
    %jit3A_741 = arith.constant 38 : i32
    %broadcast_in_dim3A_742 = vector.broadcast %jit3A_741 : i32 to vector<64x128xi32>
    %select_n3A_743 = arith.select %le3A_739, %broadcast_in_dim3A_742, %select_n3A_737 : vector<64x128xi1>, vector<64x128xi32>
    %slice3A_744 = vector.extract_strided_slice %slice3A_464 {offsets = [0, 4736], sizes = [64, 128], strides = [1, 1]} : vector<64x8192xf32> to vector<64x128xf32>
    %le3A_745 = arith.cmpf ole, %slice3A_744, %select_n3A_740 : vector<64x128xf32>
    %select_n3A_746 = arith.select %le3A_745, %slice3A_744, %select_n3A_740 : vector<64x128xi1>, vector<64x128xf32>
    %jit3A_747 = arith.constant 37 : i32
    %broadcast_in_dim3A_748 = vector.broadcast %jit3A_747 : i32 to vector<64x128xi32>
    %select_n3A_749 = arith.select %le3A_745, %broadcast_in_dim3A_748, %select_n3A_743 : vector<64x128xi1>, vector<64x128xi32>
    %slice3A_750 = vector.extract_strided_slice %slice3A_464 {offsets = [0, 4608], sizes = [64, 128], strides = [1, 1]} : vector<64x8192xf32> to vector<64x128xf32>
    %le3A_751 = arith.cmpf ole, %slice3A_750, %select_n3A_746 : vector<64x128xf32>
    %select_n3A_752 = arith.select %le3A_751, %slice3A_750, %select_n3A_746 : vector<64x128xi1>, vector<64x128xf32>
    %jit3A_753 = arith.constant 36 : i32
    %broadcast_in_dim3A_754 = vector.broadcast %jit3A_753 : i32 to vector<64x128xi32>
    %select_n3A_755 = arith.select %le3A_751, %broadcast_in_dim3A_754, %select_n3A_749 : vector<64x128xi1>, vector<64x128xi32>
    %slice3A_756 = vector.extract_strided_slice %slice3A_464 {offsets = [0, 4480], sizes = [64, 128], strides = [1, 1]} : vector<64x8192xf32> to vector<64x128xf32>
    %le3A_757 = arith.cmpf ole, %slice3A_756, %select_n3A_752 : vector<64x128xf32>
    %select_n3A_758 = arith.select %le3A_757, %slice3A_756, %select_n3A_752 : vector<64x128xi1>, vector<64x128xf32>
    %jit3A_759 = arith.constant 35 : i32
    %broadcast_in_dim3A_760 = vector.broadcast %jit3A_759 : i32 to vector<64x128xi32>
    %select_n3A_761 = arith.select %le3A_757, %broadcast_in_dim3A_760, %select_n3A_755 : vector<64x128xi1>, vector<64x128xi32>
    %slice3A_762 = vector.extract_strided_slice %slice3A_464 {offsets = [0, 4352], sizes = [64, 128], strides = [1, 1]} : vector<64x8192xf32> to vector<64x128xf32>
    %le3A_763 = arith.cmpf ole, %slice3A_762, %select_n3A_758 : vector<64x128xf32>
    %select_n3A_764 = arith.select %le3A_763, %slice3A_762, %select_n3A_758 : vector<64x128xi1>, vector<64x128xf32>
    %jit3A_765 = arith.constant 34 : i32
    %broadcast_in_dim3A_766 = vector.broadcast %jit3A_765 : i32 to vector<64x128xi32>
    %select_n3A_767 = arith.select %le3A_763, %broadcast_in_dim3A_766, %select_n3A_761 : vector<64x128xi1>, vector<64x128xi32>
    %slice3A_768 = vector.extract_strided_slice %slice3A_464 {offsets = [0, 4224], sizes = [64, 128], strides = [1, 1]} : vector<64x8192xf32> to vector<64x128xf32>
    %le3A_769 = arith.cmpf ole, %slice3A_768, %select_n3A_764 : vector<64x128xf32>
    %select_n3A_770 = arith.select %le3A_769, %slice3A_768, %select_n3A_764 : vector<64x128xi1>, vector<64x128xf32>
    %jit3A_771 = arith.constant 33 : i32
    %broadcast_in_dim3A_772 = vector.broadcast %jit3A_771 : i32 to vector<64x128xi32>
    %select_n3A_773 = arith.select %le3A_769, %broadcast_in_dim3A_772, %select_n3A_767 : vector<64x128xi1>, vector<64x128xi32>
    %slice3A_774 = vector.extract_strided_slice %slice3A_464 {offsets = [0, 4096], sizes = [64, 128], strides = [1, 1]} : vector<64x8192xf32> to vector<64x128xf32>
    %le3A_775 = arith.cmpf ole, %slice3A_774, %select_n3A_770 : vector<64x128xf32>
    %select_n3A_776 = arith.select %le3A_775, %slice3A_774, %select_n3A_770 : vector<64x128xi1>, vector<64x128xf32>
    %jit3A_777 = arith.constant 32 : i32
    %broadcast_in_dim3A_778 = vector.broadcast %jit3A_777 : i32 to vector<64x128xi32>
    %select_n3A_779 = arith.select %le3A_775, %broadcast_in_dim3A_778, %select_n3A_773 : vector<64x128xi1>, vector<64x128xi32>
    %reduce_min3A_780 = arith.constant dense<0x7F800000> : vector<64xf32>
    %reduce_min3A_781 = vector.multi_reduction <minimumf>, %select_n3A_776, %reduce_min3A_780 [1] : vector<64x128xf32> to vector<64xf32>
    %mul3A_782 = arith.constant 128 : i32
    %mul3A_783 = vector.broadcast %mul3A_782 : i32 to vector<64x128xi32>
    %mul3A_784 = arith.muli %select_n3A_779, %mul3A_783 : vector<64x128xi32>
    %add3A_785 = arith.addi %mul3A_784, %iota3A : vector<64x128xi32>
    %broadcast_in_dim3A_786 = vector.shape_cast %reduce_min3A_781 : vector<64xf32> to vector<64x1xf32>
    %eq3A_787 = vector.broadcast %broadcast_in_dim3A_786 : vector<64x1xf32> to vector<64x128xf32>
    %eq3A_788 = arith.cmpf oeq, %select_n3A_776, %eq3A_787 : vector<64x128xf32>
    %jit3A_789 = arith.constant 8192 : i32
    %broadcast_in_dim3A_790 = vector.broadcast %jit3A_789 : i32 to vector<64x128xi32>
    %select_n3A_791 = arith.select %eq3A_788, %add3A_785, %broadcast_in_dim3A_790 : vector<64x128xi1>, vector<64x128xi32>
    %reduce_min3A_792 = arith.constant dense<2147483647> : vector<64xi32>
    %reduce_min3A_793 = vector.multi_reduction <minsi>, %select_n3A_791, %reduce_min3A_792 [1] : vector<64x128xi32> to vector<64xi32>
    %lt3A_794 = arith.cmpf olt, %reduce_min3A_781, %select_n3A_684 : vector<64xf32>
    %convert_element_type3A_795 = arith.truncf %reduce_min3A_781 : vector<64xf32> to vector<64xbf16>
    %convert_element_type3A_796 = arith.extf %convert_element_type3A_795 : vector<64xbf16> to vector<64xf32>
    %select_n3A_797 = arith.select %lt3A_794, %convert_element_type3A_796, %select_n3A_684 : vector<64xi1>, vector<64xf32>
    %select_n3A_798 = arith.select %lt3A_794, %reduce_min3A_793, %select_n3A_685 : vector<64xi1>, vector<64xi32>
    %select_n3A_799 = arith.select %lt3A_794, %reduce_min3A_781, %select_n3A_686 : vector<64xi1>, vector<64xf32>
    %slice3A_800 = vector.extract_strided_slice %slice3A_464 {offsets = [0, 8064], sizes = [64, 128], strides = [1, 1]} : vector<64x8192xf32> to vector<64x128xf32>
    %broadcast_in_dim3A_801 = arith.constant 63 : i32
    %broadcast_in_dim3A_802 = vector.broadcast %broadcast_in_dim3A_801 : i32 to vector<64x128xi32>
    %slice3A_803 = vector.extract_strided_slice %slice3A_464 {offsets = [0, 7936], sizes = [64, 128], strides = [1, 1]} : vector<64x8192xf32> to vector<64x128xf32>
    %le3A_804 = arith.cmpf ole, %slice3A_803, %slice3A_800 : vector<64x128xf32>
    %select_n3A_805 = arith.select %le3A_804, %slice3A_803, %slice3A_800 : vector<64x128xi1>, vector<64x128xf32>
    %jit3A_806 = arith.constant 62 : i32
    %broadcast_in_dim3A_807 = vector.broadcast %jit3A_806 : i32 to vector<64x128xi32>
    %select_n3A_808 = arith.select %le3A_804, %broadcast_in_dim3A_807, %broadcast_in_dim3A_802 : vector<64x128xi1>, vector<64x128xi32>
    %slice3A_809 = vector.extract_strided_slice %slice3A_464 {offsets = [0, 7808], sizes = [64, 128], strides = [1, 1]} : vector<64x8192xf32> to vector<64x128xf32>
    %le3A_810 = arith.cmpf ole, %slice3A_809, %select_n3A_805 : vector<64x128xf32>
    %select_n3A_811 = arith.select %le3A_810, %slice3A_809, %select_n3A_805 : vector<64x128xi1>, vector<64x128xf32>
    %jit3A_812 = arith.constant 61 : i32
    %broadcast_in_dim3A_813 = vector.broadcast %jit3A_812 : i32 to vector<64x128xi32>
    %select_n3A_814 = arith.select %le3A_810, %broadcast_in_dim3A_813, %select_n3A_808 : vector<64x128xi1>, vector<64x128xi32>
    %slice3A_815 = vector.extract_strided_slice %slice3A_464 {offsets = [0, 7680], sizes = [64, 128], strides = [1, 1]} : vector<64x8192xf32> to vector<64x128xf32>
    %le3A_816 = arith.cmpf ole, %slice3A_815, %select_n3A_811 : vector<64x128xf32>
    %select_n3A_817 = arith.select %le3A_816, %slice3A_815, %select_n3A_811 : vector<64x128xi1>, vector<64x128xf32>
    %jit3A_818 = arith.constant 60 : i32
    %broadcast_in_dim3A_819 = vector.broadcast %jit3A_818 : i32 to vector<64x128xi32>
    %select_n3A_820 = arith.select %le3A_816, %broadcast_in_dim3A_819, %select_n3A_814 : vector<64x128xi1>, vector<64x128xi32>
    %slice3A_821 = vector.extract_strided_slice %slice3A_464 {offsets = [0, 7552], sizes = [64, 128], strides = [1, 1]} : vector<64x8192xf32> to vector<64x128xf32>
    %le3A_822 = arith.cmpf ole, %slice3A_821, %select_n3A_817 : vector<64x128xf32>
    %select_n3A_823 = arith.select %le3A_822, %slice3A_821, %select_n3A_817 : vector<64x128xi1>, vector<64x128xf32>
    %jit3A_824 = arith.constant 59 : i32
    %broadcast_in_dim3A_825 = vector.broadcast %jit3A_824 : i32 to vector<64x128xi32>
    %select_n3A_826 = arith.select %le3A_822, %broadcast_in_dim3A_825, %select_n3A_820 : vector<64x128xi1>, vector<64x128xi32>
    %slice3A_827 = vector.extract_strided_slice %slice3A_464 {offsets = [0, 7424], sizes = [64, 128], strides = [1, 1]} : vector<64x8192xf32> to vector<64x128xf32>
    %le3A_828 = arith.cmpf ole, %slice3A_827, %select_n3A_823 : vector<64x128xf32>
    %select_n3A_829 = arith.select %le3A_828, %slice3A_827, %select_n3A_823 : vector<64x128xi1>, vector<64x128xf32>
    %jit3A_830 = arith.constant 58 : i32
    %broadcast_in_dim3A_831 = vector.broadcast %jit3A_830 : i32 to vector<64x128xi32>
    %select_n3A_832 = arith.select %le3A_828, %broadcast_in_dim3A_831, %select_n3A_826 : vector<64x128xi1>, vector<64x128xi32>
    %slice3A_833 = vector.extract_strided_slice %slice3A_464 {offsets = [0, 7296], sizes = [64, 128], strides = [1, 1]} : vector<64x8192xf32> to vector<64x128xf32>
    %le3A_834 = arith.cmpf ole, %slice3A_833, %select_n3A_829 : vector<64x128xf32>
    %select_n3A_835 = arith.select %le3A_834, %slice3A_833, %select_n3A_829 : vector<64x128xi1>, vector<64x128xf32>
    %jit3A_836 = arith.constant 57 : i32
    %broadcast_in_dim3A_837 = vector.broadcast %jit3A_836 : i32 to vector<64x128xi32>
    %select_n3A_838 = arith.select %le3A_834, %broadcast_in_dim3A_837, %select_n3A_832 : vector<64x128xi1>, vector<64x128xi32>
    %slice3A_839 = vector.extract_strided_slice %slice3A_464 {offsets = [0, 7168], sizes = [64, 128], strides = [1, 1]} : vector<64x8192xf32> to vector<64x128xf32>
    %le3A_840 = arith.cmpf ole, %slice3A_839, %select_n3A_835 : vector<64x128xf32>
    %select_n3A_841 = arith.select %le3A_840, %slice3A_839, %select_n3A_835 : vector<64x128xi1>, vector<64x128xf32>
    %jit3A_842 = arith.constant 56 : i32
    %broadcast_in_dim3A_843 = vector.broadcast %jit3A_842 : i32 to vector<64x128xi32>
    %select_n3A_844 = arith.select %le3A_840, %broadcast_in_dim3A_843, %select_n3A_838 : vector<64x128xi1>, vector<64x128xi32>
    %slice3A_845 = vector.extract_strided_slice %slice3A_464 {offsets = [0, 7040], sizes = [64, 128], strides = [1, 1]} : vector<64x8192xf32> to vector<64x128xf32>
    %le3A_846 = arith.cmpf ole, %slice3A_845, %select_n3A_841 : vector<64x128xf32>
    %select_n3A_847 = arith.select %le3A_846, %slice3A_845, %select_n3A_841 : vector<64x128xi1>, vector<64x128xf32>
    %jit3A_848 = arith.constant 55 : i32
    %broadcast_in_dim3A_849 = vector.broadcast %jit3A_848 : i32 to vector<64x128xi32>
    %select_n3A_850 = arith.select %le3A_846, %broadcast_in_dim3A_849, %select_n3A_844 : vector<64x128xi1>, vector<64x128xi32>
    %slice3A_851 = vector.extract_strided_slice %slice3A_464 {offsets = [0, 6912], sizes = [64, 128], strides = [1, 1]} : vector<64x8192xf32> to vector<64x128xf32>
    %le3A_852 = arith.cmpf ole, %slice3A_851, %select_n3A_847 : vector<64x128xf32>
    %select_n3A_853 = arith.select %le3A_852, %slice3A_851, %select_n3A_847 : vector<64x128xi1>, vector<64x128xf32>
    %jit3A_854 = arith.constant 54 : i32
    %broadcast_in_dim3A_855 = vector.broadcast %jit3A_854 : i32 to vector<64x128xi32>
    %select_n3A_856 = arith.select %le3A_852, %broadcast_in_dim3A_855, %select_n3A_850 : vector<64x128xi1>, vector<64x128xi32>
    %slice3A_857 = vector.extract_strided_slice %slice3A_464 {offsets = [0, 6784], sizes = [64, 128], strides = [1, 1]} : vector<64x8192xf32> to vector<64x128xf32>
    %le3A_858 = arith.cmpf ole, %slice3A_857, %select_n3A_853 : vector<64x128xf32>
    %select_n3A_859 = arith.select %le3A_858, %slice3A_857, %select_n3A_853 : vector<64x128xi1>, vector<64x128xf32>
    %jit3A_860 = arith.constant 53 : i32
    %broadcast_in_dim3A_861 = vector.broadcast %jit3A_860 : i32 to vector<64x128xi32>
    %select_n3A_862 = arith.select %le3A_858, %broadcast_in_dim3A_861, %select_n3A_856 : vector<64x128xi1>, vector<64x128xi32>
    %slice3A_863 = vector.extract_strided_slice %slice3A_464 {offsets = [0, 6656], sizes = [64, 128], strides = [1, 1]} : vector<64x8192xf32> to vector<64x128xf32>
    %le3A_864 = arith.cmpf ole, %slice3A_863, %select_n3A_859 : vector<64x128xf32>
    %select_n3A_865 = arith.select %le3A_864, %slice3A_863, %select_n3A_859 : vector<64x128xi1>, vector<64x128xf32>
    %jit3A_866 = arith.constant 52 : i32
    %broadcast_in_dim3A_867 = vector.broadcast %jit3A_866 : i32 to vector<64x128xi32>
    %select_n3A_868 = arith.select %le3A_864, %broadcast_in_dim3A_867, %select_n3A_862 : vector<64x128xi1>, vector<64x128xi32>
    %slice3A_869 = vector.extract_strided_slice %slice3A_464 {offsets = [0, 6528], sizes = [64, 128], strides = [1, 1]} : vector<64x8192xf32> to vector<64x128xf32>
    %le3A_870 = arith.cmpf ole, %slice3A_869, %select_n3A_865 : vector<64x128xf32>
    %select_n3A_871 = arith.select %le3A_870, %slice3A_869, %select_n3A_865 : vector<64x128xi1>, vector<64x128xf32>
    %jit3A_872 = arith.constant 51 : i32
    %broadcast_in_dim3A_873 = vector.broadcast %jit3A_872 : i32 to vector<64x128xi32>
    %select_n3A_874 = arith.select %le3A_870, %broadcast_in_dim3A_873, %select_n3A_868 : vector<64x128xi1>, vector<64x128xi32>
    %slice3A_875 = vector.extract_strided_slice %slice3A_464 {offsets = [0, 6400], sizes = [64, 128], strides = [1, 1]} : vector<64x8192xf32> to vector<64x128xf32>
    %le3A_876 = arith.cmpf ole, %slice3A_875, %select_n3A_871 : vector<64x128xf32>
    %select_n3A_877 = arith.select %le3A_876, %slice3A_875, %select_n3A_871 : vector<64x128xi1>, vector<64x128xf32>
    %jit3A_878 = arith.constant 50 : i32
    %broadcast_in_dim3A_879 = vector.broadcast %jit3A_878 : i32 to vector<64x128xi32>
    %select_n3A_880 = arith.select %le3A_876, %broadcast_in_dim3A_879, %select_n3A_874 : vector<64x128xi1>, vector<64x128xi32>
    %slice3A_881 = vector.extract_strided_slice %slice3A_464 {offsets = [0, 6272], sizes = [64, 128], strides = [1, 1]} : vector<64x8192xf32> to vector<64x128xf32>
    %le3A_882 = arith.cmpf ole, %slice3A_881, %select_n3A_877 : vector<64x128xf32>
    %select_n3A_883 = arith.select %le3A_882, %slice3A_881, %select_n3A_877 : vector<64x128xi1>, vector<64x128xf32>
    %jit3A_884 = arith.constant 49 : i32
    %broadcast_in_dim3A_885 = vector.broadcast %jit3A_884 : i32 to vector<64x128xi32>
    %select_n3A_886 = arith.select %le3A_882, %broadcast_in_dim3A_885, %select_n3A_880 : vector<64x128xi1>, vector<64x128xi32>
    %slice3A_887 = vector.extract_strided_slice %slice3A_464 {offsets = [0, 6144], sizes = [64, 128], strides = [1, 1]} : vector<64x8192xf32> to vector<64x128xf32>
    %le3A_888 = arith.cmpf ole, %slice3A_887, %select_n3A_883 : vector<64x128xf32>
    %select_n3A_889 = arith.select %le3A_888, %slice3A_887, %select_n3A_883 : vector<64x128xi1>, vector<64x128xf32>
    %jit3A_890 = arith.constant 48 : i32
    %broadcast_in_dim3A_891 = vector.broadcast %jit3A_890 : i32 to vector<64x128xi32>
    %select_n3A_892 = arith.select %le3A_888, %broadcast_in_dim3A_891, %select_n3A_886 : vector<64x128xi1>, vector<64x128xi32>
    %reduce_min3A_893 = arith.constant dense<0x7F800000> : vector<64xf32>
    %reduce_min3A_894 = vector.multi_reduction <minimumf>, %select_n3A_889, %reduce_min3A_893 [1] : vector<64x128xf32> to vector<64xf32>
    %mul3A_895 = arith.constant 128 : i32
    %mul3A_896 = vector.broadcast %mul3A_895 : i32 to vector<64x128xi32>
    %mul3A_897 = arith.muli %select_n3A_892, %mul3A_896 : vector<64x128xi32>
    %add3A_898 = arith.addi %mul3A_897, %iota3A : vector<64x128xi32>
    %broadcast_in_dim3A_899 = vector.shape_cast %reduce_min3A_894 : vector<64xf32> to vector<64x1xf32>
    %eq3A_900 = vector.broadcast %broadcast_in_dim3A_899 : vector<64x1xf32> to vector<64x128xf32>
    %eq3A_901 = arith.cmpf oeq, %select_n3A_889, %eq3A_900 : vector<64x128xf32>
    %jit3A_902 = arith.constant 8192 : i32
    %broadcast_in_dim3A_903 = vector.broadcast %jit3A_902 : i32 to vector<64x128xi32>
    %select_n3A_904 = arith.select %eq3A_901, %add3A_898, %broadcast_in_dim3A_903 : vector<64x128xi1>, vector<64x128xi32>
    %reduce_min3A_905 = arith.constant dense<2147483647> : vector<64xi32>
    %reduce_min3A_906 = vector.multi_reduction <minsi>, %select_n3A_904, %reduce_min3A_905 [1] : vector<64x128xi32> to vector<64xi32>
    %lt3A_907 = arith.cmpf olt, %reduce_min3A_894, %select_n3A_797 : vector<64xf32>
    %select_n3A_908 = arith.select %lt3A_907, %reduce_min3A_906, %select_n3A_798 : vector<64xi1>, vector<64xi32>
    %select_n3A_909 = arith.select %lt3A_907, %reduce_min3A_894, %select_n3A_799 : vector<64xi1>, vector<64xf32>
    %swap3A_910 = arith.constant 0 : index
    %swap3A_911 = arith.constant 0 : index
    %swap3A_912 = arith.constant 64 : index
    %swap3A_913 = vector.load %arg5[%swap3A_910, %swap3A_911, %swap3A_912] : memref<1x1x256xi32, #tpu.memory_space<vmem>>, vector<1x1x64xi32>
    %swap3A_914 = vector.shape_cast %swap3A_913 : vector<1x1x64xi32> to vector<64xi32>
    %swap3A_915 = vector.shape_cast %select_n3A_908 : vector<64xi32> to vector<1x1x64xi32>
    tpu.vector_store %arg5[%swap3A_910, %swap3A_911, %swap3A_912], %swap3A_915 {strides = array<i32>} : memref<1x1x256xi32, #tpu.memory_space<vmem>>, vector<1x1x64xi32>,
    %reduce_sum3A_916 = vector.shape_cast %select_n3A_909 : vector<64xf32> to vector<1x64xf32>
    %reduce_sum3A_917 = arith.constant dense<0.000000e+00> : vector<1xf32>
    %reduce_sum3A_918 = vector.multi_reduction <add>, %reduce_sum3A_916, %reduce_sum3A_917 [1] : vector<1x64xf32> to vector<1xf32>
    %reduce_sum3A_919 = vector.shape_cast %reduce_sum3A_918 : vector<1xf32> to vector<1x1xf32>
    %reduce_sum3A_920 = vector.extract %reduce_sum3A_919[0, 0] : f32 from vector<1x1xf32>
    %slice3A_921 = vector.extract_strided_slice %add3A_16 {offsets = [128, 0], sizes = [64, 8192], strides = [1, 1]} : vector<256x8192xf32> to vector<64x8192xf32>
    %slice3A_922 = vector.extract_strided_slice %slice3A_921 {offsets = [0, 1920], sizes = [64, 128], strides = [1, 1]} : vector<64x8192xf32> to vector<64x128xf32>
    %broadcast_in_dim3A_923 = arith.constant 15 : i32
    %broadcast_in_dim3A_924 = vector.broadcast %broadcast_in_dim3A_923 : i32 to vector<64x128xi32>
    %slice3A_925 = vector.extract_strided_slice %slice3A_921 {offsets = [0, 1792], sizes = [64, 128], strides = [1, 1]} : vector<64x8192xf32> to vector<64x128xf32>
    %le3A_926 = arith.cmpf ole, %slice3A_925, %slice3A_922 : vector<64x128xf32>
    %select_n3A_927 = arith.select %le3A_926, %slice3A_925, %slice3A_922 : vector<64x128xi1>, vector<64x128xf32>
    %jit3A_928 = arith.constant 14 : i32
    %broadcast_in_dim3A_929 = vector.broadcast %jit3A_928 : i32 to vector<64x128xi32>
    %select_n3A_930 = arith.select %le3A_926, %broadcast_in_dim3A_929, %broadcast_in_dim3A_924 : vector<64x128xi1>, vector<64x128xi32>
    %slice3A_931 = vector.extract_strided_slice %slice3A_921 {offsets = [0, 1664], sizes = [64, 128], strides = [1, 1]} : vector<64x8192xf32> to vector<64x128xf32>
    %le3A_932 = arith.cmpf ole, %slice3A_931, %select_n3A_927 : vector<64x128xf32>
    %select_n3A_933 = arith.select %le3A_932, %slice3A_931, %select_n3A_927 : vector<64x128xi1>, vector<64x128xf32>
    %jit3A_934 = arith.constant 13 : i32
    %broadcast_in_dim3A_935 = vector.broadcast %jit3A_934 : i32 to vector<64x128xi32>
    %select_n3A_936 = arith.select %le3A_932, %broadcast_in_dim3A_935, %select_n3A_930 : vector<64x128xi1>, vector<64x128xi32>
    %slice3A_937 = vector.extract_strided_slice %slice3A_921 {offsets = [0, 1536], sizes = [64, 128], strides = [1, 1]} : vector<64x8192xf32> to vector<64x128xf32>
    %le3A_938 = arith.cmpf ole, %slice3A_937, %select_n3A_933 : vector<64x128xf32>
    %select_n3A_939 = arith.select %le3A_938, %slice3A_937, %select_n3A_933 : vector<64x128xi1>, vector<64x128xf32>
    %jit3A_940 = arith.constant 12 : i32
    %broadcast_in_dim3A_941 = vector.broadcast %jit3A_940 : i32 to vector<64x128xi32>
    %select_n3A_942 = arith.select %le3A_938, %broadcast_in_dim3A_941, %select_n3A_936 : vector<64x128xi1>, vector<64x128xi32>
    %slice3A_943 = vector.extract_strided_slice %slice3A_921 {offsets = [0, 1408], sizes = [64, 128], strides = [1, 1]} : vector<64x8192xf32> to vector<64x128xf32>
    %le3A_944 = arith.cmpf ole, %slice3A_943, %select_n3A_939 : vector<64x128xf32>
    %select_n3A_945 = arith.select %le3A_944, %slice3A_943, %select_n3A_939 : vector<64x128xi1>, vector<64x128xf32>
    %jit3A_946 = arith.constant 11 : i32
    %broadcast_in_dim3A_947 = vector.broadcast %jit3A_946 : i32 to vector<64x128xi32>
    %select_n3A_948 = arith.select %le3A_944, %broadcast_in_dim3A_947, %select_n3A_942 : vector<64x128xi1>, vector<64x128xi32>
    %slice3A_949 = vector.extract_strided_slice %slice3A_921 {offsets = [0, 1280], sizes = [64, 128], strides = [1, 1]} : vector<64x8192xf32> to vector<64x128xf32>
    %le3A_950 = arith.cmpf ole, %slice3A_949, %select_n3A_945 : vector<64x128xf32>
    %select_n3A_951 = arith.select %le3A_950, %slice3A_949, %select_n3A_945 : vector<64x128xi1>, vector<64x128xf32>
    %jit3A_952 = arith.constant 10 : i32
    %broadcast_in_dim3A_953 = vector.broadcast %jit3A_952 : i32 to vector<64x128xi32>
    %select_n3A_954 = arith.select %le3A_950, %broadcast_in_dim3A_953, %select_n3A_948 : vector<64x128xi1>, vector<64x128xi32>
    %slice3A_955 = vector.extract_strided_slice %slice3A_921 {offsets = [0, 1152], sizes = [64, 128], strides = [1, 1]} : vector<64x8192xf32> to vector<64x128xf32>
    %le3A_956 = arith.cmpf ole, %slice3A_955, %select_n3A_951 : vector<64x128xf32>
    %select_n3A_957 = arith.select %le3A_956, %slice3A_955, %select_n3A_951 : vector<64x128xi1>, vector<64x128xf32>
    %jit3A_958 = arith.constant 9 : i32
    %broadcast_in_dim3A_959 = vector.broadcast %jit3A_958 : i32 to vector<64x128xi32>
    %select_n3A_960 = arith.select %le3A_956, %broadcast_in_dim3A_959, %select_n3A_954 : vector<64x128xi1>, vector<64x128xi32>
    %slice3A_961 = vector.extract_strided_slice %slice3A_921 {offsets = [0, 1024], sizes = [64, 128], strides = [1, 1]} : vector<64x8192xf32> to vector<64x128xf32>
    %le3A_962 = arith.cmpf ole, %slice3A_961, %select_n3A_957 : vector<64x128xf32>
    %select_n3A_963 = arith.select %le3A_962, %slice3A_961, %select_n3A_957 : vector<64x128xi1>, vector<64x128xf32>
    %jit3A_964 = arith.constant 8 : i32
    %broadcast_in_dim3A_965 = vector.broadcast %jit3A_964 : i32 to vector<64x128xi32>
    %select_n3A_966 = arith.select %le3A_962, %broadcast_in_dim3A_965, %select_n3A_960 : vector<64x128xi1>, vector<64x128xi32>
    %slice3A_967 = vector.extract_strided_slice %slice3A_921 {offsets = [0, 896], sizes = [64, 128], strides = [1, 1]} : vector<64x8192xf32> to vector<64x128xf32>
    %le3A_968 = arith.cmpf ole, %slice3A_967, %select_n3A_963 : vector<64x128xf32>
    %select_n3A_969 = arith.select %le3A_968, %slice3A_967, %select_n3A_963 : vector<64x128xi1>, vector<64x128xf32>
    %jit3A_970 = arith.constant 7 : i32
    %broadcast_in_dim3A_971 = vector.broadcast %jit3A_970 : i32 to vector<64x128xi32>
    %select_n3A_972 = arith.select %le3A_968, %broadcast_in_dim3A_971, %select_n3A_966 : vector<64x128xi1>, vector<64x128xi32>
    %slice3A_973 = vector.extract_strided_slice %slice3A_921 {offsets = [0, 768], sizes = [64, 128], strides = [1, 1]} : vector<64x8192xf32> to vector<64x128xf32>
    %le3A_974 = arith.cmpf ole, %slice3A_973, %select_n3A_969 : vector<64x128xf32>
    %select_n3A_975 = arith.select %le3A_974, %slice3A_973, %select_n3A_969 : vector<64x128xi1>, vector<64x128xf32>
    %jit3A_976 = arith.constant 6 : i32
    %broadcast_in_dim3A_977 = vector.broadcast %jit3A_976 : i32 to vector<64x128xi32>
    %select_n3A_978 = arith.select %le3A_974, %broadcast_in_dim3A_977, %select_n3A_972 : vector<64x128xi1>, vector<64x128xi32>
    %slice3A_979 = vector.extract_strided_slice %slice3A_921 {offsets = [0, 640], sizes = [64, 128], strides = [1, 1]} : vector<64x8192xf32> to vector<64x128xf32>
    %le3A_980 = arith.cmpf ole, %slice3A_979, %select_n3A_975 : vector<64x128xf32>
    %select_n3A_981 = arith.select %le3A_980, %slice3A_979, %select_n3A_975 : vector<64x128xi1>, vector<64x128xf32>
    %jit3A_982 = arith.constant 5 : i32
    %broadcast_in_dim3A_983 = vector.broadcast %jit3A_982 : i32 to vector<64x128xi32>
    %select_n3A_984 = arith.select %le3A_980, %broadcast_in_dim3A_983, %select_n3A_978 : vector<64x128xi1>, vector<64x128xi32>
    %slice3A_985 = vector.extract_strided_slice %slice3A_921 {offsets = [0, 512], sizes = [64, 128], strides = [1, 1]} : vector<64x8192xf32> to vector<64x128xf32>
    %le3A_986 = arith.cmpf ole, %slice3A_985, %select_n3A_981 : vector<64x128xf32>
    %select_n3A_987 = arith.select %le3A_986, %slice3A_985, %select_n3A_981 : vector<64x128xi1>, vector<64x128xf32>
    %jit3A_988 = arith.constant 4 : i32
    %broadcast_in_dim3A_989 = vector.broadcast %jit3A_988 : i32 to vector<64x128xi32>
    %select_n3A_990 = arith.select %le3A_986, %broadcast_in_dim3A_989, %select_n3A_984 : vector<64x128xi1>, vector<64x128xi32>
    %slice3A_991 = vector.extract_strided_slice %slice3A_921 {offsets = [0, 384], sizes = [64, 128], strides = [1, 1]} : vector<64x8192xf32> to vector<64x128xf32>
    %le3A_992 = arith.cmpf ole, %slice3A_991, %select_n3A_987 : vector<64x128xf32>
    %select_n3A_993 = arith.select %le3A_992, %slice3A_991, %select_n3A_987 : vector<64x128xi1>, vector<64x128xf32>
    %jit3A_994 = arith.constant 3 : i32
    %broadcast_in_dim3A_995 = vector.broadcast %jit3A_994 : i32 to vector<64x128xi32>
    %select_n3A_996 = arith.select %le3A_992, %broadcast_in_dim3A_995, %select_n3A_990 : vector<64x128xi1>, vector<64x128xi32>
    %slice3A_997 = vector.extract_strided_slice %slice3A_921 {offsets = [0, 256], sizes = [64, 128], strides = [1, 1]} : vector<64x8192xf32> to vector<64x128xf32>
    %le3A_998 = arith.cmpf ole, %slice3A_997, %select_n3A_993 : vector<64x128xf32>
    %select_n3A_999 = arith.select %le3A_998, %slice3A_997, %select_n3A_993 : vector<64x128xi1>, vector<64x128xf32>
    %jit3A_1000 = arith.constant 2 : i32
    %broadcast_in_dim3A_1001 = vector.broadcast %jit3A_1000 : i32 to vector<64x128xi32>
    %select_n3A_1002 = arith.select %le3A_998, %broadcast_in_dim3A_1001, %select_n3A_996 : vector<64x128xi1>, vector<64x128xi32>
    %slice3A_1003 = vector.extract_strided_slice %slice3A_921 {offsets = [0, 128], sizes = [64, 128], strides = [1, 1]} : vector<64x8192xf32> to vector<64x128xf32>
    %le3A_1004 = arith.cmpf ole, %slice3A_1003, %select_n3A_999 : vector<64x128xf32>
    %select_n3A_1005 = arith.select %le3A_1004, %slice3A_1003, %select_n3A_999 : vector<64x128xi1>, vector<64x128xf32>
    %jit3A_1006 = arith.constant 1 : i32
    %broadcast_in_dim3A_1007 = vector.broadcast %jit3A_1006 : i32 to vector<64x128xi32>
    %select_n3A_1008 = arith.select %le3A_1004, %broadcast_in_dim3A_1007, %select_n3A_1002 : vector<64x128xi1>, vector<64x128xi32>
    %slice3A_1009 = vector.extract_strided_slice %slice3A_921 {offsets = [0, 0], sizes = [64, 128], strides = [1, 1]} : vector<64x8192xf32> to vector<64x128xf32>
    %le3A_1010 = arith.cmpf ole, %slice3A_1009, %select_n3A_1005 : vector<64x128xf32>
    %select_n3A_1011 = arith.select %le3A_1010, %slice3A_1009, %select_n3A_1005 : vector<64x128xi1>, vector<64x128xf32>
    %jit3A_1012 = arith.constant 0 : i32
    %broadcast_in_dim3A_1013 = vector.broadcast %jit3A_1012 : i32 to vector<64x128xi32>
    %select_n3A_1014 = arith.select %le3A_1010, %broadcast_in_dim3A_1013, %select_n3A_1008 : vector<64x128xi1>, vector<64x128xi32>
    %reduce_min3A_1015 = arith.constant dense<0x7F800000> : vector<64xf32>
    %reduce_min3A_1016 = vector.multi_reduction <minimumf>, %select_n3A_1011, %reduce_min3A_1015 [1] : vector<64x128xf32> to vector<64xf32>
    %mul3A_1017 = arith.constant 128 : i32
    %mul3A_1018 = vector.broadcast %mul3A_1017 : i32 to vector<64x128xi32>
    %mul3A_1019 = arith.muli %select_n3A_1014, %mul3A_1018 : vector<64x128xi32>
    %add3A_1020 = arith.addi %mul3A_1019, %iota3A : vector<64x128xi32>
    %broadcast_in_dim3A_1021 = vector.shape_cast %reduce_min3A_1016 : vector<64xf32> to vector<64x1xf32>
    %eq3A_1022 = vector.broadcast %broadcast_in_dim3A_1021 : vector<64x1xf32> to vector<64x128xf32>
    %eq3A_1023 = arith.cmpf oeq, %select_n3A_1011, %eq3A_1022 : vector<64x128xf32>
    %jit3A_1024 = arith.constant 8192 : i32
    %broadcast_in_dim3A_1025 = vector.broadcast %jit3A_1024 : i32 to vector<64x128xi32>
    %select_n3A_1026 = arith.select %eq3A_1023, %add3A_1020, %broadcast_in_dim3A_1025 : vector<64x128xi1>, vector<64x128xi32>
    %reduce_min3A_1027 = arith.constant dense<2147483647> : vector<64xi32>
    %reduce_min3A_1028 = vector.multi_reduction <minsi>, %select_n3A_1026, %reduce_min3A_1027 [1] : vector<64x128xi32> to vector<64xi32>
    %convert_element_type3A_1029 = arith.truncf %reduce_min3A_1016 : vector<64xf32> to vector<64xbf16>
    %convert_element_type3A_1030 = arith.extf %convert_element_type3A_1029 : vector<64xbf16> to vector<64xf32>
    %slice3A_1031 = vector.extract_strided_slice %slice3A_921 {offsets = [0, 3968], sizes = [64, 128], strides = [1, 1]} : vector<64x8192xf32> to vector<64x128xf32>
    %broadcast_in_dim3A_1032 = arith.constant 31 : i32
    %broadcast_in_dim3A_1033 = vector.broadcast %broadcast_in_dim3A_1032 : i32 to vector<64x128xi32>
    %slice3A_1034 = vector.extract_strided_slice %slice3A_921 {offsets = [0, 3840], sizes = [64, 128], strides = [1, 1]} : vector<64x8192xf32> to vector<64x128xf32>
    %le3A_1035 = arith.cmpf ole, %slice3A_1034, %slice3A_1031 : vector<64x128xf32>
    %select_n3A_1036 = arith.select %le3A_1035, %slice3A_1034, %slice3A_1031 : vector<64x128xi1>, vector<64x128xf32>
    %jit3A_1037 = arith.constant 30 : i32
    %broadcast_in_dim3A_1038 = vector.broadcast %jit3A_1037 : i32 to vector<64x128xi32>
    %select_n3A_1039 = arith.select %le3A_1035, %broadcast_in_dim3A_1038, %broadcast_in_dim3A_1033 : vector<64x128xi1>, vector<64x128xi32>
    %slice3A_1040 = vector.extract_strided_slice %slice3A_921 {offsets = [0, 3712], sizes = [64, 128], strides = [1, 1]} : vector<64x8192xf32> to vector<64x128xf32>
    %le3A_1041 = arith.cmpf ole, %slice3A_1040, %select_n3A_1036 : vector<64x128xf32>
    %select_n3A_1042 = arith.select %le3A_1041, %slice3A_1040, %select_n3A_1036 : vector<64x128xi1>, vector<64x128xf32>
    %jit3A_1043 = arith.constant 29 : i32
    %broadcast_in_dim3A_1044 = vector.broadcast %jit3A_1043 : i32 to vector<64x128xi32>
    %select_n3A_1045 = arith.select %le3A_1041, %broadcast_in_dim3A_1044, %select_n3A_1039 : vector<64x128xi1>, vector<64x128xi32>
    %slice3A_1046 = vector.extract_strided_slice %slice3A_921 {offsets = [0, 3584], sizes = [64, 128], strides = [1, 1]} : vector<64x8192xf32> to vector<64x128xf32>
    %le3A_1047 = arith.cmpf ole, %slice3A_1046, %select_n3A_1042 : vector<64x128xf32>
    %select_n3A_1048 = arith.select %le3A_1047, %slice3A_1046, %select_n3A_1042 : vector<64x128xi1>, vector<64x128xf32>
    %jit3A_1049 = arith.constant 28 : i32
    %broadcast_in_dim3A_1050 = vector.broadcast %jit3A_1049 : i32 to vector<64x128xi32>
    %select_n3A_1051 = arith.select %le3A_1047, %broadcast_in_dim3A_1050, %select_n3A_1045 : vector<64x128xi1>, vector<64x128xi32>
    %slice3A_1052 = vector.extract_strided_slice %slice3A_921 {offsets = [0, 3456], sizes = [64, 128], strides = [1, 1]} : vector<64x8192xf32> to vector<64x128xf32>
    %le3A_1053 = arith.cmpf ole, %slice3A_1052, %select_n3A_1048 : vector<64x128xf32>
    %select_n3A_1054 = arith.select %le3A_1053, %slice3A_1052, %select_n3A_1048 : vector<64x128xi1>, vector<64x128xf32>
    %jit3A_1055 = arith.constant 27 : i32
    %broadcast_in_dim3A_1056 = vector.broadcast %jit3A_1055 : i32 to vector<64x128xi32>
    %select_n3A_1057 = arith.select %le3A_1053, %broadcast_in_dim3A_1056, %select_n3A_1051 : vector<64x128xi1>, vector<64x128xi32>
    %slice3A_1058 = vector.extract_strided_slice %slice3A_921 {offsets = [0, 3328], sizes = [64, 128], strides = [1, 1]} : vector<64x8192xf32> to vector<64x128xf32>
    %le3A_1059 = arith.cmpf ole, %slice3A_1058, %select_n3A_1054 : vector<64x128xf32>
    %select_n3A_1060 = arith.select %le3A_1059, %slice3A_1058, %select_n3A_1054 : vector<64x128xi1>, vector<64x128xf32>
    %jit3A_1061 = arith.constant 26 : i32
    %broadcast_in_dim3A_1062 = vector.broadcast %jit3A_1061 : i32 to vector<64x128xi32>
    %select_n3A_1063 = arith.select %le3A_1059, %broadcast_in_dim3A_1062, %select_n3A_1057 : vector<64x128xi1>, vector<64x128xi32>
    %slice3A_1064 = vector.extract_strided_slice %slice3A_921 {offsets = [0, 3200], sizes = [64, 128], strides = [1, 1]} : vector<64x8192xf32> to vector<64x128xf32>
    %le3A_1065 = arith.cmpf ole, %slice3A_1064, %select_n3A_1060 : vector<64x128xf32>
    %select_n3A_1066 = arith.select %le3A_1065, %slice3A_1064, %select_n3A_1060 : vector<64x128xi1>, vector<64x128xf32>
    %jit3A_1067 = arith.constant 25 : i32
    %broadcast_in_dim3A_1068 = vector.broadcast %jit3A_1067 : i32 to vector<64x128xi32>
    %select_n3A_1069 = arith.select %le3A_1065, %broadcast_in_dim3A_1068, %select_n3A_1063 : vector<64x128xi1>, vector<64x128xi32>
    %slice3A_1070 = vector.extract_strided_slice %slice3A_921 {offsets = [0, 3072], sizes = [64, 128], strides = [1, 1]} : vector<64x8192xf32> to vector<64x128xf32>
    %le3A_1071 = arith.cmpf ole, %slice3A_1070, %select_n3A_1066 : vector<64x128xf32>
    %select_n3A_1072 = arith.select %le3A_1071, %slice3A_1070, %select_n3A_1066 : vector<64x128xi1>, vector<64x128xf32>
    %jit3A_1073 = arith.constant 24 : i32
    %broadcast_in_dim3A_1074 = vector.broadcast %jit3A_1073 : i32 to vector<64x128xi32>
    %select_n3A_1075 = arith.select %le3A_1071, %broadcast_in_dim3A_1074, %select_n3A_1069 : vector<64x128xi1>, vector<64x128xi32>
    %slice3A_1076 = vector.extract_strided_slice %slice3A_921 {offsets = [0, 2944], sizes = [64, 128], strides = [1, 1]} : vector<64x8192xf32> to vector<64x128xf32>
    %le3A_1077 = arith.cmpf ole, %slice3A_1076, %select_n3A_1072 : vector<64x128xf32>
    %select_n3A_1078 = arith.select %le3A_1077, %slice3A_1076, %select_n3A_1072 : vector<64x128xi1>, vector<64x128xf32>
    %jit3A_1079 = arith.constant 23 : i32
    %broadcast_in_dim3A_1080 = vector.broadcast %jit3A_1079 : i32 to vector<64x128xi32>
    %select_n3A_1081 = arith.select %le3A_1077, %broadcast_in_dim3A_1080, %select_n3A_1075 : vector<64x128xi1>, vector<64x128xi32>
    %slice3A_1082 = vector.extract_strided_slice %slice3A_921 {offsets = [0, 2816], sizes = [64, 128], strides = [1, 1]} : vector<64x8192xf32> to vector<64x128xf32>
    %le3A_1083 = arith.cmpf ole, %slice3A_1082, %select_n3A_1078 : vector<64x128xf32>
    %select_n3A_1084 = arith.select %le3A_1083, %slice3A_1082, %select_n3A_1078 : vector<64x128xi1>, vector<64x128xf32>
    %jit3A_1085 = arith.constant 22 : i32
    %broadcast_in_dim3A_1086 = vector.broadcast %jit3A_1085 : i32 to vector<64x128xi32>
    %select_n3A_1087 = arith.select %le3A_1083, %broadcast_in_dim3A_1086, %select_n3A_1081 : vector<64x128xi1>, vector<64x128xi32>
    %slice3A_1088 = vector.extract_strided_slice %slice3A_921 {offsets = [0, 2688], sizes = [64, 128], strides = [1, 1]} : vector<64x8192xf32> to vector<64x128xf32>
    %le3A_1089 = arith.cmpf ole, %slice3A_1088, %select_n3A_1084 : vector<64x128xf32>
    %select_n3A_1090 = arith.select %le3A_1089, %slice3A_1088, %select_n3A_1084 : vector<64x128xi1>, vector<64x128xf32>
    %jit3A_1091 = arith.constant 21 : i32
    %broadcast_in_dim3A_1092 = vector.broadcast %jit3A_1091 : i32 to vector<64x128xi32>
    %select_n3A_1093 = arith.select %le3A_1089, %broadcast_in_dim3A_1092, %select_n3A_1087 : vector<64x128xi1>, vector<64x128xi32>
    %slice3A_1094 = vector.extract_strided_slice %slice3A_921 {offsets = [0, 2560], sizes = [64, 128], strides = [1, 1]} : vector<64x8192xf32> to vector<64x128xf32>
    %le3A_1095 = arith.cmpf ole, %slice3A_1094, %select_n3A_1090 : vector<64x128xf32>
    %select_n3A_1096 = arith.select %le3A_1095, %slice3A_1094, %select_n3A_1090 : vector<64x128xi1>, vector<64x128xf32>
    %jit3A_1097 = arith.constant 20 : i32
    %broadcast_in_dim3A_1098 = vector.broadcast %jit3A_1097 : i32 to vector<64x128xi32>
    %select_n3A_1099 = arith.select %le3A_1095, %broadcast_in_dim3A_1098, %select_n3A_1093 : vector<64x128xi1>, vector<64x128xi32>
    %slice3A_1100 = vector.extract_strided_slice %slice3A_921 {offsets = [0, 2432], sizes = [64, 128], strides = [1, 1]} : vector<64x8192xf32> to vector<64x128xf32>
    %le3A_1101 = arith.cmpf ole, %slice3A_1100, %select_n3A_1096 : vector<64x128xf32>
    %select_n3A_1102 = arith.select %le3A_1101, %slice3A_1100, %select_n3A_1096 : vector<64x128xi1>, vector<64x128xf32>
    %jit3A_1103 = arith.constant 19 : i32
    %broadcast_in_dim3A_1104 = vector.broadcast %jit3A_1103 : i32 to vector<64x128xi32>
    %select_n3A_1105 = arith.select %le3A_1101, %broadcast_in_dim3A_1104, %select_n3A_1099 : vector<64x128xi1>, vector<64x128xi32>
    %slice3A_1106 = vector.extract_strided_slice %slice3A_921 {offsets = [0, 2304], sizes = [64, 128], strides = [1, 1]} : vector<64x8192xf32> to vector<64x128xf32>
    %le3A_1107 = arith.cmpf ole, %slice3A_1106, %select_n3A_1102 : vector<64x128xf32>
    %select_n3A_1108 = arith.select %le3A_1107, %slice3A_1106, %select_n3A_1102 : vector<64x128xi1>, vector<64x128xf32>
    %jit3A_1109 = arith.constant 18 : i32
    %broadcast_in_dim3A_1110 = vector.broadcast %jit3A_1109 : i32 to vector<64x128xi32>
    %select_n3A_1111 = arith.select %le3A_1107, %broadcast_in_dim3A_1110, %select_n3A_1105 : vector<64x128xi1>, vector<64x128xi32>
    %slice3A_1112 = vector.extract_strided_slice %slice3A_921 {offsets = [0, 2176], sizes = [64, 128], strides = [1, 1]} : vector<64x8192xf32> to vector<64x128xf32>
    %le3A_1113 = arith.cmpf ole, %slice3A_1112, %select_n3A_1108 : vector<64x128xf32>
    %select_n3A_1114 = arith.select %le3A_1113, %slice3A_1112, %select_n3A_1108 : vector<64x128xi1>, vector<64x128xf32>
    %jit3A_1115 = arith.constant 17 : i32
    %broadcast_in_dim3A_1116 = vector.broadcast %jit3A_1115 : i32 to vector<64x128xi32>
    %select_n3A_1117 = arith.select %le3A_1113, %broadcast_in_dim3A_1116, %select_n3A_1111 : vector<64x128xi1>, vector<64x128xi32>
    %slice3A_1118 = vector.extract_strided_slice %slice3A_921 {offsets = [0, 2048], sizes = [64, 128], strides = [1, 1]} : vector<64x8192xf32> to vector<64x128xf32>
    %le3A_1119 = arith.cmpf ole, %slice3A_1118, %select_n3A_1114 : vector<64x128xf32>
    %select_n3A_1120 = arith.select %le3A_1119, %slice3A_1118, %select_n3A_1114 : vector<64x128xi1>, vector<64x128xf32>
    %jit3A_1121 = arith.constant 16 : i32
    %broadcast_in_dim3A_1122 = vector.broadcast %jit3A_1121 : i32 to vector<64x128xi32>
    %select_n3A_1123 = arith.select %le3A_1119, %broadcast_in_dim3A_1122, %select_n3A_1117 : vector<64x128xi1>, vector<64x128xi32>
    %reduce_min3A_1124 = arith.constant dense<0x7F800000> : vector<64xf32>
    %reduce_min3A_1125 = vector.multi_reduction <minimumf>, %select_n3A_1120, %reduce_min3A_1124 [1] : vector<64x128xf32> to vector<64xf32>
    %mul3A_1126 = arith.constant 128 : i32
    %mul3A_1127 = vector.broadcast %mul3A_1126 : i32 to vector<64x128xi32>
    %mul3A_1128 = arith.muli %select_n3A_1123, %mul3A_1127 : vector<64x128xi32>
    %add3A_1129 = arith.addi %mul3A_1128, %iota3A : vector<64x128xi32>
    %broadcast_in_dim3A_1130 = vector.shape_cast %reduce_min3A_1125 : vector<64xf32> to vector<64x1xf32>
    %eq3A_1131 = vector.broadcast %broadcast_in_dim3A_1130 : vector<64x1xf32> to vector<64x128xf32>
    %eq3A_1132 = arith.cmpf oeq, %select_n3A_1120, %eq3A_1131 : vector<64x128xf32>
    %jit3A_1133 = arith.constant 8192 : i32
    %broadcast_in_dim3A_1134 = vector.broadcast %jit3A_1133 : i32 to vector<64x128xi32>
    %select_n3A_1135 = arith.select %eq3A_1132, %add3A_1129, %broadcast_in_dim3A_1134 : vector<64x128xi1>, vector<64x128xi32>
    %reduce_min3A_1136 = arith.constant dense<2147483647> : vector<64xi32>
    %reduce_min3A_1137 = vector.multi_reduction <minsi>, %select_n3A_1135, %reduce_min3A_1136 [1] : vector<64x128xi32> to vector<64xi32>
    %lt3A_1138 = arith.cmpf olt, %reduce_min3A_1125, %convert_element_type3A_1030 : vector<64xf32>
    %convert_element_type3A_1139 = arith.truncf %reduce_min3A_1125 : vector<64xf32> to vector<64xbf16>
    %convert_element_type3A_1140 = arith.extf %convert_element_type3A_1139 : vector<64xbf16> to vector<64xf32>
    %select_n3A_1141 = arith.select %lt3A_1138, %convert_element_type3A_1140, %convert_element_type3A_1030 : vector<64xi1>, vector<64xf32>
    %select_n3A_1142 = arith.select %lt3A_1138, %reduce_min3A_1137, %reduce_min3A_1028 : vector<64xi1>, vector<64xi32>
    %select_n3A_1143 = arith.select %lt3A_1138, %reduce_min3A_1125, %reduce_min3A_1016 : vector<64xi1>, vector<64xf32>
    %slice3A_1144 = vector.extract_strided_slice %slice3A_921 {offsets = [0, 6016], sizes = [64, 128], strides = [1, 1]} : vector<64x8192xf32> to vector<64x128xf32>
    %broadcast_in_dim3A_1145 = arith.constant 47 : i32
    %broadcast_in_dim3A_1146 = vector.broadcast %broadcast_in_dim3A_1145 : i32 to vector<64x128xi32>
    %slice3A_1147 = vector.extract_strided_slice %slice3A_921 {offsets = [0, 5888], sizes = [64, 128], strides = [1, 1]} : vector<64x8192xf32> to vector<64x128xf32>
    %le3A_1148 = arith.cmpf ole, %slice3A_1147, %slice3A_1144 : vector<64x128xf32>
    %select_n3A_1149 = arith.select %le3A_1148, %slice3A_1147, %slice3A_1144 : vector<64x128xi1>, vector<64x128xf32>
    %jit3A_1150 = arith.constant 46 : i32
    %broadcast_in_dim3A_1151 = vector.broadcast %jit3A_1150 : i32 to vector<64x128xi32>
    %select_n3A_1152 = arith.select %le3A_1148, %broadcast_in_dim3A_1151, %broadcast_in_dim3A_1146 : vector<64x128xi1>, vector<64x128xi32>
    %slice3A_1153 = vector.extract_strided_slice %slice3A_921 {offsets = [0, 5760], sizes = [64, 128], strides = [1, 1]} : vector<64x8192xf32> to vector<64x128xf32>
    %le3A_1154 = arith.cmpf ole, %slice3A_1153, %select_n3A_1149 : vector<64x128xf32>
    %select_n3A_1155 = arith.select %le3A_1154, %slice3A_1153, %select_n3A_1149 : vector<64x128xi1>, vector<64x128xf32>
    %jit3A_1156 = arith.constant 45 : i32
    %broadcast_in_dim3A_1157 = vector.broadcast %jit3A_1156 : i32 to vector<64x128xi32>
    %select_n3A_1158 = arith.select %le3A_1154, %broadcast_in_dim3A_1157, %select_n3A_1152 : vector<64x128xi1>, vector<64x128xi32>
    %slice3A_1159 = vector.extract_strided_slice %slice3A_921 {offsets = [0, 5632], sizes = [64, 128], strides = [1, 1]} : vector<64x8192xf32> to vector<64x128xf32>
    %le3A_1160 = arith.cmpf ole, %slice3A_1159, %select_n3A_1155 : vector<64x128xf32>
    %select_n3A_1161 = arith.select %le3A_1160, %slice3A_1159, %select_n3A_1155 : vector<64x128xi1>, vector<64x128xf32>
    %jit3A_1162 = arith.constant 44 : i32
    %broadcast_in_dim3A_1163 = vector.broadcast %jit3A_1162 : i32 to vector<64x128xi32>
    %select_n3A_1164 = arith.select %le3A_1160, %broadcast_in_dim3A_1163, %select_n3A_1158 : vector<64x128xi1>, vector<64x128xi32>
    %slice3A_1165 = vector.extract_strided_slice %slice3A_921 {offsets = [0, 5504], sizes = [64, 128], strides = [1, 1]} : vector<64x8192xf32> to vector<64x128xf32>
    %le3A_1166 = arith.cmpf ole, %slice3A_1165, %select_n3A_1161 : vector<64x128xf32>
    %select_n3A_1167 = arith.select %le3A_1166, %slice3A_1165, %select_n3A_1161 : vector<64x128xi1>, vector<64x128xf32>
    %jit3A_1168 = arith.constant 43 : i32
    %broadcast_in_dim3A_1169 = vector.broadcast %jit3A_1168 : i32 to vector<64x128xi32>
    %select_n3A_1170 = arith.select %le3A_1166, %broadcast_in_dim3A_1169, %select_n3A_1164 : vector<64x128xi1>, vector<64x128xi32>
    %slice3A_1171 = vector.extract_strided_slice %slice3A_921 {offsets = [0, 5376], sizes = [64, 128], strides = [1, 1]} : vector<64x8192xf32> to vector<64x128xf32>
    %le3A_1172 = arith.cmpf ole, %slice3A_1171, %select_n3A_1167 : vector<64x128xf32>
    %select_n3A_1173 = arith.select %le3A_1172, %slice3A_1171, %select_n3A_1167 : vector<64x128xi1>, vector<64x128xf32>
    %jit3A_1174 = arith.constant 42 : i32
    %broadcast_in_dim3A_1175 = vector.broadcast %jit3A_1174 : i32 to vector<64x128xi32>
    %select_n3A_1176 = arith.select %le3A_1172, %broadcast_in_dim3A_1175, %select_n3A_1170 : vector<64x128xi1>, vector<64x128xi32>
    %slice3A_1177 = vector.extract_strided_slice %slice3A_921 {offsets = [0, 5248], sizes = [64, 128], strides = [1, 1]} : vector<64x8192xf32> to vector<64x128xf32>
    %le3A_1178 = arith.cmpf ole, %slice3A_1177, %select_n3A_1173 : vector<64x128xf32>
    %select_n3A_1179 = arith.select %le3A_1178, %slice3A_1177, %select_n3A_1173 : vector<64x128xi1>, vector<64x128xf32>
    %jit3A_1180 = arith.constant 41 : i32
    %broadcast_in_dim3A_1181 = vector.broadcast %jit3A_1180 : i32 to vector<64x128xi32>
    %select_n3A_1182 = arith.select %le3A_1178, %broadcast_in_dim3A_1181, %select_n3A_1176 : vector<64x128xi1>, vector<64x128xi32>
    %slice3A_1183 = vector.extract_strided_slice %slice3A_921 {offsets = [0, 5120], sizes = [64, 128], strides = [1, 1]} : vector<64x8192xf32> to vector<64x128xf32>
    %le3A_1184 = arith.cmpf ole, %slice3A_1183, %select_n3A_1179 : vector<64x128xf32>
    %select_n3A_1185 = arith.select %le3A_1184, %slice3A_1183, %select_n3A_1179 : vector<64x128xi1>, vector<64x128xf32>
    %jit3A_1186 = arith.constant 40 : i32
    %broadcast_in_dim3A_1187 = vector.broadcast %jit3A_1186 : i32 to vector<64x128xi32>
    %select_n3A_1188 = arith.select %le3A_1184, %broadcast_in_dim3A_1187, %select_n3A_1182 : vector<64x128xi1>, vector<64x128xi32>
    %slice3A_1189 = vector.extract_strided_slice %slice3A_921 {offsets = [0, 4992], sizes = [64, 128], strides = [1, 1]} : vector<64x8192xf32> to vector<64x128xf32>
    %le3A_1190 = arith.cmpf ole, %slice3A_1189, %select_n3A_1185 : vector<64x128xf32>
    %select_n3A_1191 = arith.select %le3A_1190, %slice3A_1189, %select_n3A_1185 : vector<64x128xi1>, vector<64x128xf32>
    %jit3A_1192 = arith.constant 39 : i32
    %broadcast_in_dim3A_1193 = vector.broadcast %jit3A_1192 : i32 to vector<64x128xi32>
    %select_n3A_1194 = arith.select %le3A_1190, %broadcast_in_dim3A_1193, %select_n3A_1188 : vector<64x128xi1>, vector<64x128xi32>
    %slice3A_1195 = vector.extract_strided_slice %slice3A_921 {offsets = [0, 4864], sizes = [64, 128], strides = [1, 1]} : vector<64x8192xf32> to vector<64x128xf32>
    %le3A_1196 = arith.cmpf ole, %slice3A_1195, %select_n3A_1191 : vector<64x128xf32>
    %select_n3A_1197 = arith.select %le3A_1196, %slice3A_1195, %select_n3A_1191 : vector<64x128xi1>, vector<64x128xf32>
    %jit3A_1198 = arith.constant 38 : i32
    %broadcast_in_dim3A_1199 = vector.broadcast %jit3A_1198 : i32 to vector<64x128xi32>
    %select_n3A_1200 = arith.select %le3A_1196, %broadcast_in_dim3A_1199, %select_n3A_1194 : vector<64x128xi1>, vector<64x128xi32>
    %slice3A_1201 = vector.extract_strided_slice %slice3A_921 {offsets = [0, 4736], sizes = [64, 128], strides = [1, 1]} : vector<64x8192xf32> to vector<64x128xf32>
    %le3A_1202 = arith.cmpf ole, %slice3A_1201, %select_n3A_1197 : vector<64x128xf32>
    %select_n3A_1203 = arith.select %le3A_1202, %slice3A_1201, %select_n3A_1197 : vector<64x128xi1>, vector<64x128xf32>
    %jit3A_1204 = arith.constant 37 : i32
    %broadcast_in_dim3A_1205 = vector.broadcast %jit3A_1204 : i32 to vector<64x128xi32>
    %select_n3A_1206 = arith.select %le3A_1202, %broadcast_in_dim3A_1205, %select_n3A_1200 : vector<64x128xi1>, vector<64x128xi32>
    %slice3A_1207 = vector.extract_strided_slice %slice3A_921 {offsets = [0, 4608], sizes = [64, 128], strides = [1, 1]} : vector<64x8192xf32> to vector<64x128xf32>
    %le3A_1208 = arith.cmpf ole, %slice3A_1207, %select_n3A_1203 : vector<64x128xf32>
    %select_n3A_1209 = arith.select %le3A_1208, %slice3A_1207, %select_n3A_1203 : vector<64x128xi1>, vector<64x128xf32>
    %jit3A_1210 = arith.constant 36 : i32
    %broadcast_in_dim3A_1211 = vector.broadcast %jit3A_1210 : i32 to vector<64x128xi32>
    %select_n3A_1212 = arith.select %le3A_1208, %broadcast_in_dim3A_1211, %select_n3A_1206 : vector<64x128xi1>, vector<64x128xi32>
    %slice3A_1213 = vector.extract_strided_slice %slice3A_921 {offsets = [0, 4480], sizes = [64, 128], strides = [1, 1]} : vector<64x8192xf32> to vector<64x128xf32>
    %le3A_1214 = arith.cmpf ole, %slice3A_1213, %select_n3A_1209 : vector<64x128xf32>
    %select_n3A_1215 = arith.select %le3A_1214, %slice3A_1213, %select_n3A_1209 : vector<64x128xi1>, vector<64x128xf32>
    %jit3A_1216 = arith.constant 35 : i32
    %broadcast_in_dim3A_1217 = vector.broadcast %jit3A_1216 : i32 to vector<64x128xi32>
    %select_n3A_1218 = arith.select %le3A_1214, %broadcast_in_dim3A_1217, %select_n3A_1212 : vector<64x128xi1>, vector<64x128xi32>
    %slice3A_1219 = vector.extract_strided_slice %slice3A_921 {offsets = [0, 4352], sizes = [64, 128], strides = [1, 1]} : vector<64x8192xf32> to vector<64x128xf32>
    %le3A_1220 = arith.cmpf ole, %slice3A_1219, %select_n3A_1215 : vector<64x128xf32>
    %select_n3A_1221 = arith.select %le3A_1220, %slice3A_1219, %select_n3A_1215 : vector<64x128xi1>, vector<64x128xf32>
    %jit3A_1222 = arith.constant 34 : i32
    %broadcast_in_dim3A_1223 = vector.broadcast %jit3A_1222 : i32 to vector<64x128xi32>
    %select_n3A_1224 = arith.select %le3A_1220, %broadcast_in_dim3A_1223, %select_n3A_1218 : vector<64x128xi1>, vector<64x128xi32>
    %slice3A_1225 = vector.extract_strided_slice %slice3A_921 {offsets = [0, 4224], sizes = [64, 128], strides = [1, 1]} : vector<64x8192xf32> to vector<64x128xf32>
    %le3A_1226 = arith.cmpf ole, %slice3A_1225, %select_n3A_1221 : vector<64x128xf32>
    %select_n3A_1227 = arith.select %le3A_1226, %slice3A_1225, %select_n3A_1221 : vector<64x128xi1>, vector<64x128xf32>
    %jit3A_1228 = arith.constant 33 : i32
    %broadcast_in_dim3A_1229 = vector.broadcast %jit3A_1228 : i32 to vector<64x128xi32>
    %select_n3A_1230 = arith.select %le3A_1226, %broadcast_in_dim3A_1229, %select_n3A_1224 : vector<64x128xi1>, vector<64x128xi32>
    %slice3A_1231 = vector.extract_strided_slice %slice3A_921 {offsets = [0, 4096], sizes = [64, 128], strides = [1, 1]} : vector<64x8192xf32> to vector<64x128xf32>
    %le3A_1232 = arith.cmpf ole, %slice3A_1231, %select_n3A_1227 : vector<64x128xf32>
    %select_n3A_1233 = arith.select %le3A_1232, %slice3A_1231, %select_n3A_1227 : vector<64x128xi1>, vector<64x128xf32>
    %jit3A_1234 = arith.constant 32 : i32
    %broadcast_in_dim3A_1235 = vector.broadcast %jit3A_1234 : i32 to vector<64x128xi32>
    %select_n3A_1236 = arith.select %le3A_1232, %broadcast_in_dim3A_1235, %select_n3A_1230 : vector<64x128xi1>, vector<64x128xi32>
    %reduce_min3A_1237 = arith.constant dense<0x7F800000> : vector<64xf32>
    %reduce_min3A_1238 = vector.multi_reduction <minimumf>, %select_n3A_1233, %reduce_min3A_1237 [1] : vector<64x128xf32> to vector<64xf32>
    %mul3A_1239 = arith.constant 128 : i32
    %mul3A_1240 = vector.broadcast %mul3A_1239 : i32 to vector<64x128xi32>
    %mul3A_1241 = arith.muli %select_n3A_1236, %mul3A_1240 : vector<64x128xi32>
    %add3A_1242 = arith.addi %mul3A_1241, %iota3A : vector<64x128xi32>
    %broadcast_in_dim3A_1243 = vector.shape_cast %reduce_min3A_1238 : vector<64xf32> to vector<64x1xf32>
    %eq3A_1244 = vector.broadcast %broadcast_in_dim3A_1243 : vector<64x1xf32> to vector<64x128xf32>
    %eq3A_1245 = arith.cmpf oeq, %select_n3A_1233, %eq3A_1244 : vector<64x128xf32>
    %jit3A_1246 = arith.constant 8192 : i32
    %broadcast_in_dim3A_1247 = vector.broadcast %jit3A_1246 : i32 to vector<64x128xi32>
    %select_n3A_1248 = arith.select %eq3A_1245, %add3A_1242, %broadcast_in_dim3A_1247 : vector<64x128xi1>, vector<64x128xi32>
    %reduce_min3A_1249 = arith.constant dense<2147483647> : vector<64xi32>
    %reduce_min3A_1250 = vector.multi_reduction <minsi>, %select_n3A_1248, %reduce_min3A_1249 [1] : vector<64x128xi32> to vector<64xi32>
    %lt3A_1251 = arith.cmpf olt, %reduce_min3A_1238, %select_n3A_1141 : vector<64xf32>
    %convert_element_type3A_1252 = arith.truncf %reduce_min3A_1238 : vector<64xf32> to vector<64xbf16>
    %convert_element_type3A_1253 = arith.extf %convert_element_type3A_1252 : vector<64xbf16> to vector<64xf32>
    %select_n3A_1254 = arith.select %lt3A_1251, %convert_element_type3A_1253, %select_n3A_1141 : vector<64xi1>, vector<64xf32>
    %select_n3A_1255 = arith.select %lt3A_1251, %reduce_min3A_1250, %select_n3A_1142 : vector<64xi1>, vector<64xi32>
    %select_n3A_1256 = arith.select %lt3A_1251, %reduce_min3A_1238, %select_n3A_1143 : vector<64xi1>, vector<64xf32>
    %slice3A_1257 = vector.extract_strided_slice %slice3A_921 {offsets = [0, 8064], sizes = [64, 128], strides = [1, 1]} : vector<64x8192xf32> to vector<64x128xf32>
    %broadcast_in_dim3A_1258 = arith.constant 63 : i32
    %broadcast_in_dim3A_1259 = vector.broadcast %broadcast_in_dim3A_1258 : i32 to vector<64x128xi32>
    %slice3A_1260 = vector.extract_strided_slice %slice3A_921 {offsets = [0, 7936], sizes = [64, 128], strides = [1, 1]} : vector<64x8192xf32> to vector<64x128xf32>
    %le3A_1261 = arith.cmpf ole, %slice3A_1260, %slice3A_1257 : vector<64x128xf32>
    %select_n3A_1262 = arith.select %le3A_1261, %slice3A_1260, %slice3A_1257 : vector<64x128xi1>, vector<64x128xf32>
    %jit3A_1263 = arith.constant 62 : i32
    %broadcast_in_dim3A_1264 = vector.broadcast %jit3A_1263 : i32 to vector<64x128xi32>
    %select_n3A_1265 = arith.select %le3A_1261, %broadcast_in_dim3A_1264, %broadcast_in_dim3A_1259 : vector<64x128xi1>, vector<64x128xi32>
    %slice3A_1266 = vector.extract_strided_slice %slice3A_921 {offsets = [0, 7808], sizes = [64, 128], strides = [1, 1]} : vector<64x8192xf32> to vector<64x128xf32>
    %le3A_1267 = arith.cmpf ole, %slice3A_1266, %select_n3A_1262 : vector<64x128xf32>
    %select_n3A_1268 = arith.select %le3A_1267, %slice3A_1266, %select_n3A_1262 : vector<64x128xi1>, vector<64x128xf32>
    %jit3A_1269 = arith.constant 61 : i32
    %broadcast_in_dim3A_1270 = vector.broadcast %jit3A_1269 : i32 to vector<64x128xi32>
    %select_n3A_1271 = arith.select %le3A_1267, %broadcast_in_dim3A_1270, %select_n3A_1265 : vector<64x128xi1>, vector<64x128xi32>
    %slice3A_1272 = vector.extract_strided_slice %slice3A_921 {offsets = [0, 7680], sizes = [64, 128], strides = [1, 1]} : vector<64x8192xf32> to vector<64x128xf32>
    %le3A_1273 = arith.cmpf ole, %slice3A_1272, %select_n3A_1268 : vector<64x128xf32>
    %select_n3A_1274 = arith.select %le3A_1273, %slice3A_1272, %select_n3A_1268 : vector<64x128xi1>, vector<64x128xf32>
    %jit3A_1275 = arith.constant 60 : i32
    %broadcast_in_dim3A_1276 = vector.broadcast %jit3A_1275 : i32 to vector<64x128xi32>
    %select_n3A_1277 = arith.select %le3A_1273, %broadcast_in_dim3A_1276, %select_n3A_1271 : vector<64x128xi1>, vector<64x128xi32>
    %slice3A_1278 = vector.extract_strided_slice %slice3A_921 {offsets = [0, 7552], sizes = [64, 128], strides = [1, 1]} : vector<64x8192xf32> to vector<64x128xf32>
    %le3A_1279 = arith.cmpf ole, %slice3A_1278, %select_n3A_1274 : vector<64x128xf32>
    %select_n3A_1280 = arith.select %le3A_1279, %slice3A_1278, %select_n3A_1274 : vector<64x128xi1>, vector<64x128xf32>
    %jit3A_1281 = arith.constant 59 : i32
    %broadcast_in_dim3A_1282 = vector.broadcast %jit3A_1281 : i32 to vector<64x128xi32>
    %select_n3A_1283 = arith.select %le3A_1279, %broadcast_in_dim3A_1282, %select_n3A_1277 : vector<64x128xi1>, vector<64x128xi32>
    %slice3A_1284 = vector.extract_strided_slice %slice3A_921 {offsets = [0, 7424], sizes = [64, 128], strides = [1, 1]} : vector<64x8192xf32> to vector<64x128xf32>
    %le3A_1285 = arith.cmpf ole, %slice3A_1284, %select_n3A_1280 : vector<64x128xf32>
    %select_n3A_1286 = arith.select %le3A_1285, %slice3A_1284, %select_n3A_1280 : vector<64x128xi1>, vector<64x128xf32>
    %jit3A_1287 = arith.constant 58 : i32
    %broadcast_in_dim3A_1288 = vector.broadcast %jit3A_1287 : i32 to vector<64x128xi32>
    %select_n3A_1289 = arith.select %le3A_1285, %broadcast_in_dim3A_1288, %select_n3A_1283 : vector<64x128xi1>, vector<64x128xi32>
    %slice3A_1290 = vector.extract_strided_slice %slice3A_921 {offsets = [0, 7296], sizes = [64, 128], strides = [1, 1]} : vector<64x8192xf32> to vector<64x128xf32>
    %le3A_1291 = arith.cmpf ole, %slice3A_1290, %select_n3A_1286 : vector<64x128xf32>
    %select_n3A_1292 = arith.select %le3A_1291, %slice3A_1290, %select_n3A_1286 : vector<64x128xi1>, vector<64x128xf32>
    %jit3A_1293 = arith.constant 57 : i32
    %broadcast_in_dim3A_1294 = vector.broadcast %jit3A_1293 : i32 to vector<64x128xi32>
    %select_n3A_1295 = arith.select %le3A_1291, %broadcast_in_dim3A_1294, %select_n3A_1289 : vector<64x128xi1>, vector<64x128xi32>
    %slice3A_1296 = vector.extract_strided_slice %slice3A_921 {offsets = [0, 7168], sizes = [64, 128], strides = [1, 1]} : vector<64x8192xf32> to vector<64x128xf32>
    %le3A_1297 = arith.cmpf ole, %slice3A_1296, %select_n3A_1292 : vector<64x128xf32>
    %select_n3A_1298 = arith.select %le3A_1297, %slice3A_1296, %select_n3A_1292 : vector<64x128xi1>, vector<64x128xf32>
    %jit3A_1299 = arith.constant 56 : i32
    %broadcast_in_dim3A_1300 = vector.broadcast %jit3A_1299 : i32 to vector<64x128xi32>
    %select_n3A_1301 = arith.select %le3A_1297, %broadcast_in_dim3A_1300, %select_n3A_1295 : vector<64x128xi1>, vector<64x128xi32>
    %slice3A_1302 = vector.extract_strided_slice %slice3A_921 {offsets = [0, 7040], sizes = [64, 128], strides = [1, 1]} : vector<64x8192xf32> to vector<64x128xf32>
    %le3A_1303 = arith.cmpf ole, %slice3A_1302, %select_n3A_1298 : vector<64x128xf32>
    %select_n3A_1304 = arith.select %le3A_1303, %slice3A_1302, %select_n3A_1298 : vector<64x128xi1>, vector<64x128xf32>
    %jit3A_1305 = arith.constant 55 : i32
    %broadcast_in_dim3A_1306 = vector.broadcast %jit3A_1305 : i32 to vector<64x128xi32>
    %select_n3A_1307 = arith.select %le3A_1303, %broadcast_in_dim3A_1306, %select_n3A_1301 : vector<64x128xi1>, vector<64x128xi32>
    %slice3A_1308 = vector.extract_strided_slice %slice3A_921 {offsets = [0, 6912], sizes = [64, 128], strides = [1, 1]} : vector<64x8192xf32> to vector<64x128xf32>
    %le3A_1309 = arith.cmpf ole, %slice3A_1308, %select_n3A_1304 : vector<64x128xf32>
    %select_n3A_1310 = arith.select %le3A_1309, %slice3A_1308, %select_n3A_1304 : vector<64x128xi1>, vector<64x128xf32>
    %jit3A_1311 = arith.constant 54 : i32
    %broadcast_in_dim3A_1312 = vector.broadcast %jit3A_1311 : i32 to vector<64x128xi32>
    %select_n3A_1313 = arith.select %le3A_1309, %broadcast_in_dim3A_1312, %select_n3A_1307 : vector<64x128xi1>, vector<64x128xi32>
    %slice3A_1314 = vector.extract_strided_slice %slice3A_921 {offsets = [0, 6784], sizes = [64, 128], strides = [1, 1]} : vector<64x8192xf32> to vector<64x128xf32>
    %le3A_1315 = arith.cmpf ole, %slice3A_1314, %select_n3A_1310 : vector<64x128xf32>
    %select_n3A_1316 = arith.select %le3A_1315, %slice3A_1314, %select_n3A_1310 : vector<64x128xi1>, vector<64x128xf32>
    %jit3A_1317 = arith.constant 53 : i32
    %broadcast_in_dim3A_1318 = vector.broadcast %jit3A_1317 : i32 to vector<64x128xi32>
    %select_n3A_1319 = arith.select %le3A_1315, %broadcast_in_dim3A_1318, %select_n3A_1313 : vector<64x128xi1>, vector<64x128xi32>
    %slice3A_1320 = vector.extract_strided_slice %slice3A_921 {offsets = [0, 6656], sizes = [64, 128], strides = [1, 1]} : vector<64x8192xf32> to vector<64x128xf32>
    %le3A_1321 = arith.cmpf ole, %slice3A_1320, %select_n3A_1316 : vector<64x128xf32>
    %select_n3A_1322 = arith.select %le3A_1321, %slice3A_1320, %select_n3A_1316 : vector<64x128xi1>, vector<64x128xf32>
    %jit3A_1323 = arith.constant 52 : i32
    %broadcast_in_dim3A_1324 = vector.broadcast %jit3A_1323 : i32 to vector<64x128xi32>
    %select_n3A_1325 = arith.select %le3A_1321, %broadcast_in_dim3A_1324, %select_n3A_1319 : vector<64x128xi1>, vector<64x128xi32>
    %slice3A_1326 = vector.extract_strided_slice %slice3A_921 {offsets = [0, 6528], sizes = [64, 128], strides = [1, 1]} : vector<64x8192xf32> to vector<64x128xf32>
    %le3A_1327 = arith.cmpf ole, %slice3A_1326, %select_n3A_1322 : vector<64x128xf32>
    %select_n3A_1328 = arith.select %le3A_1327, %slice3A_1326, %select_n3A_1322 : vector<64x128xi1>, vector<64x128xf32>
    %jit3A_1329 = arith.constant 51 : i32
    %broadcast_in_dim3A_1330 = vector.broadcast %jit3A_1329 : i32 to vector<64x128xi32>
    %select_n3A_1331 = arith.select %le3A_1327, %broadcast_in_dim3A_1330, %select_n3A_1325 : vector<64x128xi1>, vector<64x128xi32>
    %slice3A_1332 = vector.extract_strided_slice %slice3A_921 {offsets = [0, 6400], sizes = [64, 128], strides = [1, 1]} : vector<64x8192xf32> to vector<64x128xf32>
    %le3A_1333 = arith.cmpf ole, %slice3A_1332, %select_n3A_1328 : vector<64x128xf32>
    %select_n3A_1334 = arith.select %le3A_1333, %slice3A_1332, %select_n3A_1328 : vector<64x128xi1>, vector<64x128xf32>
    %jit3A_1335 = arith.constant 50 : i32
    %broadcast_in_dim3A_1336 = vector.broadcast %jit3A_1335 : i32 to vector<64x128xi32>
    %select_n3A_1337 = arith.select %le3A_1333, %broadcast_in_dim3A_1336, %select_n3A_1331 : vector<64x128xi1>, vector<64x128xi32>
    %slice3A_1338 = vector.extract_strided_slice %slice3A_921 {offsets = [0, 6272], sizes = [64, 128], strides = [1, 1]} : vector<64x8192xf32> to vector<64x128xf32>
    %le3A_1339 = arith.cmpf ole, %slice3A_1338, %select_n3A_1334 : vector<64x128xf32>
    %select_n3A_1340 = arith.select %le3A_1339, %slice3A_1338, %select_n3A_1334 : vector<64x128xi1>, vector<64x128xf32>
    %jit3A_1341 = arith.constant 49 : i32
    %broadcast_in_dim3A_1342 = vector.broadcast %jit3A_1341 : i32 to vector<64x128xi32>
    %select_n3A_1343 = arith.select %le3A_1339, %broadcast_in_dim3A_1342, %select_n3A_1337 : vector<64x128xi1>, vector<64x128xi32>
    %slice3A_1344 = vector.extract_strided_slice %slice3A_921 {offsets = [0, 6144], sizes = [64, 128], strides = [1, 1]} : vector<64x8192xf32> to vector<64x128xf32>
    %le3A_1345 = arith.cmpf ole, %slice3A_1344, %select_n3A_1340 : vector<64x128xf32>
    %select_n3A_1346 = arith.select %le3A_1345, %slice3A_1344, %select_n3A_1340 : vector<64x128xi1>, vector<64x128xf32>
    %jit3A_1347 = arith.constant 48 : i32
    %broadcast_in_dim3A_1348 = vector.broadcast %jit3A_1347 : i32 to vector<64x128xi32>
    %select_n3A_1349 = arith.select %le3A_1345, %broadcast_in_dim3A_1348, %select_n3A_1343 : vector<64x128xi1>, vector<64x128xi32>
    %reduce_min3A_1350 = arith.constant dense<0x7F800000> : vector<64xf32>
    %reduce_min3A_1351 = vector.multi_reduction <minimumf>, %select_n3A_1346, %reduce_min3A_1350 [1] : vector<64x128xf32> to vector<64xf32>
    %mul3A_1352 = arith.constant 128 : i32
    %mul3A_1353 = vector.broadcast %mul3A_1352 : i32 to vector<64x128xi32>
    %mul3A_1354 = arith.muli %select_n3A_1349, %mul3A_1353 : vector<64x128xi32>
    %add3A_1355 = arith.addi %mul3A_1354, %iota3A : vector<64x128xi32>
    %broadcast_in_dim3A_1356 = vector.shape_cast %reduce_min3A_1351 : vector<64xf32> to vector<64x1xf32>
    %eq3A_1357 = vector.broadcast %broadcast_in_dim3A_1356 : vector<64x1xf32> to vector<64x128xf32>
    %eq3A_1358 = arith.cmpf oeq, %select_n3A_1346, %eq3A_1357 : vector<64x128xf32>
    %jit3A_1359 = arith.constant 8192 : i32
    %broadcast_in_dim3A_1360 = vector.broadcast %jit3A_1359 : i32 to vector<64x128xi32>
    %select_n3A_1361 = arith.select %eq3A_1358, %add3A_1355, %broadcast_in_dim3A_1360 : vector<64x128xi1>, vector<64x128xi32>
    %reduce_min3A_1362 = arith.constant dense<2147483647> : vector<64xi32>
    %reduce_min3A_1363 = vector.multi_reduction <minsi>, %select_n3A_1361, %reduce_min3A_1362 [1] : vector<64x128xi32> to vector<64xi32>
    %lt3A_1364 = arith.cmpf olt, %reduce_min3A_1351, %select_n3A_1254 : vector<64xf32>
    %select_n3A_1365 = arith.select %lt3A_1364, %reduce_min3A_1363, %select_n3A_1255 : vector<64xi1>, vector<64xi32>
    %select_n3A_1366 = arith.select %lt3A_1364, %reduce_min3A_1351, %select_n3A_1256 : vector<64xi1>, vector<64xf32>
    %swap3A_1367 = arith.constant 0 : index
    %swap3A_1368 = arith.constant 0 : index
    %swap3A_1369 = arith.constant 128 : index
    %swap3A_1370 = vector.load %arg5[%swap3A_1367, %swap3A_1368, %swap3A_1369] : memref<1x1x256xi32, #tpu.memory_space<vmem>>, vector<1x1x64xi32>
    %swap3A_1371 = vector.shape_cast %swap3A_1370 : vector<1x1x64xi32> to vector<64xi32>
    %swap3A_1372 = vector.shape_cast %select_n3A_1365 : vector<64xi32> to vector<1x1x64xi32>
    tpu.vector_store %arg5[%swap3A_1367, %swap3A_1368, %swap3A_1369], %swap3A_1372 {strides = array<i32>} : memref<1x1x256xi32, #tpu.memory_space<vmem>>, vector<1x1x64xi32>,
    %reduce_sum3A_1373 = vector.shape_cast %select_n3A_1366 : vector<64xf32> to vector<1x64xf32>
    %reduce_sum3A_1374 = arith.constant dense<0.000000e+00> : vector<1xf32>
    %reduce_sum3A_1375 = vector.multi_reduction <add>, %reduce_sum3A_1373, %reduce_sum3A_1374 [1] : vector<1x64xf32> to vector<1xf32>
    %reduce_sum3A_1376 = vector.shape_cast %reduce_sum3A_1375 : vector<1xf32> to vector<1x1xf32>
    %reduce_sum3A_1377 = vector.extract %reduce_sum3A_1376[0, 0] : f32 from vector<1x1xf32>
    %slice3A_1378 = vector.extract_strided_slice %add3A_16 {offsets = [192, 0], sizes = [64, 8192], strides = [1, 1]} : vector<256x8192xf32> to vector<64x8192xf32>
    %slice3A_1379 = vector.extract_strided_slice %slice3A_1378 {offsets = [0, 1920], sizes = [64, 128], strides = [1, 1]} : vector<64x8192xf32> to vector<64x128xf32>
    %broadcast_in_dim3A_1380 = arith.constant 15 : i32
    %broadcast_in_dim3A_1381 = vector.broadcast %broadcast_in_dim3A_1380 : i32 to vector<64x128xi32>
    %slice3A_1382 = vector.extract_strided_slice %slice3A_1378 {offsets = [0, 1792], sizes = [64, 128], strides = [1, 1]} : vector<64x8192xf32> to vector<64x128xf32>
    %le3A_1383 = arith.cmpf ole, %slice3A_1382, %slice3A_1379 : vector<64x128xf32>
    %select_n3A_1384 = arith.select %le3A_1383, %slice3A_1382, %slice3A_1379 : vector<64x128xi1>, vector<64x128xf32>
    %jit3A_1385 = arith.constant 14 : i32
    %broadcast_in_dim3A_1386 = vector.broadcast %jit3A_1385 : i32 to vector<64x128xi32>
    %select_n3A_1387 = arith.select %le3A_1383, %broadcast_in_dim3A_1386, %broadcast_in_dim3A_1381 : vector<64x128xi1>, vector<64x128xi32>
    %slice3A_1388 = vector.extract_strided_slice %slice3A_1378 {offsets = [0, 1664], sizes = [64, 128], strides = [1, 1]} : vector<64x8192xf32> to vector<64x128xf32>
    %le3A_1389 = arith.cmpf ole, %slice3A_1388, %select_n3A_1384 : vector<64x128xf32>
    %select_n3A_1390 = arith.select %le3A_1389, %slice3A_1388, %select_n3A_1384 : vector<64x128xi1>, vector<64x128xf32>
    %jit3A_1391 = arith.constant 13 : i32
    %broadcast_in_dim3A_1392 = vector.broadcast %jit3A_1391 : i32 to vector<64x128xi32>
    %select_n3A_1393 = arith.select %le3A_1389, %broadcast_in_dim3A_1392, %select_n3A_1387 : vector<64x128xi1>, vector<64x128xi32>
    %slice3A_1394 = vector.extract_strided_slice %slice3A_1378 {offsets = [0, 1536], sizes = [64, 128], strides = [1, 1]} : vector<64x8192xf32> to vector<64x128xf32>
    %le3A_1395 = arith.cmpf ole, %slice3A_1394, %select_n3A_1390 : vector<64x128xf32>
    %select_n3A_1396 = arith.select %le3A_1395, %slice3A_1394, %select_n3A_1390 : vector<64x128xi1>, vector<64x128xf32>
    %jit3A_1397 = arith.constant 12 : i32
    %broadcast_in_dim3A_1398 = vector.broadcast %jit3A_1397 : i32 to vector<64x128xi32>
    %select_n3A_1399 = arith.select %le3A_1395, %broadcast_in_dim3A_1398, %select_n3A_1393 : vector<64x128xi1>, vector<64x128xi32>
    %slice3A_1400 = vector.extract_strided_slice %slice3A_1378 {offsets = [0, 1408], sizes = [64, 128], strides = [1, 1]} : vector<64x8192xf32> to vector<64x128xf32>
    %le3A_1401 = arith.cmpf ole, %slice3A_1400, %select_n3A_1396 : vector<64x128xf32>
    %select_n3A_1402 = arith.select %le3A_1401, %slice3A_1400, %select_n3A_1396 : vector<64x128xi1>, vector<64x128xf32>
    %jit3A_1403 = arith.constant 11 : i32
    %broadcast_in_dim3A_1404 = vector.broadcast %jit3A_1403 : i32 to vector<64x128xi32>
    %select_n3A_1405 = arith.select %le3A_1401, %broadcast_in_dim3A_1404, %select_n3A_1399 : vector<64x128xi1>, vector<64x128xi32>
    %slice3A_1406 = vector.extract_strided_slice %slice3A_1378 {offsets = [0, 1280], sizes = [64, 128], strides = [1, 1]} : vector<64x8192xf32> to vector<64x128xf32>
    %le3A_1407 = arith.cmpf ole, %slice3A_1406, %select_n3A_1402 : vector<64x128xf32>
    %select_n3A_1408 = arith.select %le3A_1407, %slice3A_1406, %select_n3A_1402 : vector<64x128xi1>, vector<64x128xf32>
    %jit3A_1409 = arith.constant 10 : i32
    %broadcast_in_dim3A_1410 = vector.broadcast %jit3A_1409 : i32 to vector<64x128xi32>
    %select_n3A_1411 = arith.select %le3A_1407, %broadcast_in_dim3A_1410, %select_n3A_1405 : vector<64x128xi1>, vector<64x128xi32>
    %slice3A_1412 = vector.extract_strided_slice %slice3A_1378 {offsets = [0, 1152], sizes = [64, 128], strides = [1, 1]} : vector<64x8192xf32> to vector<64x128xf32>
    %le3A_1413 = arith.cmpf ole, %slice3A_1412, %select_n3A_1408 : vector<64x128xf32>
    %select_n3A_1414 = arith.select %le3A_1413, %slice3A_1412, %select_n3A_1408 : vector<64x128xi1>, vector<64x128xf32>
    %jit3A_1415 = arith.constant 9 : i32
    %broadcast_in_dim3A_1416 = vector.broadcast %jit3A_1415 : i32 to vector<64x128xi32>
    %select_n3A_1417 = arith.select %le3A_1413, %broadcast_in_dim3A_1416, %select_n3A_1411 : vector<64x128xi1>, vector<64x128xi32>
    %slice3A_1418 = vector.extract_strided_slice %slice3A_1378 {offsets = [0, 1024], sizes = [64, 128], strides = [1, 1]} : vector<64x8192xf32> to vector<64x128xf32>
    %le3A_1419 = arith.cmpf ole, %slice3A_1418, %select_n3A_1414 : vector<64x128xf32>
    %select_n3A_1420 = arith.select %le3A_1419, %slice3A_1418, %select_n3A_1414 : vector<64x128xi1>, vector<64x128xf32>
    %jit3A_1421 = arith.constant 8 : i32
    %broadcast_in_dim3A_1422 = vector.broadcast %jit3A_1421 : i32 to vector<64x128xi32>
    %select_n3A_1423 = arith.select %le3A_1419, %broadcast_in_dim3A_1422, %select_n3A_1417 : vector<64x128xi1>, vector<64x128xi32>
    %slice3A_1424 = vector.extract_strided_slice %slice3A_1378 {offsets = [0, 896], sizes = [64, 128], strides = [1, 1]} : vector<64x8192xf32> to vector<64x128xf32>
    %le3A_1425 = arith.cmpf ole, %slice3A_1424, %select_n3A_1420 : vector<64x128xf32>
    %select_n3A_1426 = arith.select %le3A_1425, %slice3A_1424, %select_n3A_1420 : vector<64x128xi1>, vector<64x128xf32>
    %jit3A_1427 = arith.constant 7 : i32
    %broadcast_in_dim3A_1428 = vector.broadcast %jit3A_1427 : i32 to vector<64x128xi32>
    %select_n3A_1429 = arith.select %le3A_1425, %broadcast_in_dim3A_1428, %select_n3A_1423 : vector<64x128xi1>, vector<64x128xi32>
    %slice3A_1430 = vector.extract_strided_slice %slice3A_1378 {offsets = [0, 768], sizes = [64, 128], strides = [1, 1]} : vector<64x8192xf32> to vector<64x128xf32>
    %le3A_1431 = arith.cmpf ole, %slice3A_1430, %select_n3A_1426 : vector<64x128xf32>
    %select_n3A_1432 = arith.select %le3A_1431, %slice3A_1430, %select_n3A_1426 : vector<64x128xi1>, vector<64x128xf32>
    %jit3A_1433 = arith.constant 6 : i32
    %broadcast_in_dim3A_1434 = vector.broadcast %jit3A_1433 : i32 to vector<64x128xi32>
    %select_n3A_1435 = arith.select %le3A_1431, %broadcast_in_dim3A_1434, %select_n3A_1429 : vector<64x128xi1>, vector<64x128xi32>
    %slice3A_1436 = vector.extract_strided_slice %slice3A_1378 {offsets = [0, 640], sizes = [64, 128], strides = [1, 1]} : vector<64x8192xf32> to vector<64x128xf32>
    %le3A_1437 = arith.cmpf ole, %slice3A_1436, %select_n3A_1432 : vector<64x128xf32>
    %select_n3A_1438 = arith.select %le3A_1437, %slice3A_1436, %select_n3A_1432 : vector<64x128xi1>, vector<64x128xf32>
    %jit3A_1439 = arith.constant 5 : i32
    %broadcast_in_dim3A_1440 = vector.broadcast %jit3A_1439 : i32 to vector<64x128xi32>
    %select_n3A_1441 = arith.select %le3A_1437, %broadcast_in_dim3A_1440, %select_n3A_1435 : vector<64x128xi1>, vector<64x128xi32>
    %slice3A_1442 = vector.extract_strided_slice %slice3A_1378 {offsets = [0, 512], sizes = [64, 128], strides = [1, 1]} : vector<64x8192xf32> to vector<64x128xf32>
    %le3A_1443 = arith.cmpf ole, %slice3A_1442, %select_n3A_1438 : vector<64x128xf32>
    %select_n3A_1444 = arith.select %le3A_1443, %slice3A_1442, %select_n3A_1438 : vector<64x128xi1>, vector<64x128xf32>
    %jit3A_1445 = arith.constant 4 : i32
    %broadcast_in_dim3A_1446 = vector.broadcast %jit3A_1445 : i32 to vector<64x128xi32>
    %select_n3A_1447 = arith.select %le3A_1443, %broadcast_in_dim3A_1446, %select_n3A_1441 : vector<64x128xi1>, vector<64x128xi32>
    %slice3A_1448 = vector.extract_strided_slice %slice3A_1378 {offsets = [0, 384], sizes = [64, 128], strides = [1, 1]} : vector<64x8192xf32> to vector<64x128xf32>
    %le3A_1449 = arith.cmpf ole, %slice3A_1448, %select_n3A_1444 : vector<64x128xf32>
    %select_n3A_1450 = arith.select %le3A_1449, %slice3A_1448, %select_n3A_1444 : vector<64x128xi1>, vector<64x128xf32>
    %jit3A_1451 = arith.constant 3 : i32
    %broadcast_in_dim3A_1452 = vector.broadcast %jit3A_1451 : i32 to vector<64x128xi32>
    %select_n3A_1453 = arith.select %le3A_1449, %broadcast_in_dim3A_1452, %select_n3A_1447 : vector<64x128xi1>, vector<64x128xi32>
    %slice3A_1454 = vector.extract_strided_slice %slice3A_1378 {offsets = [0, 256], sizes = [64, 128], strides = [1, 1]} : vector<64x8192xf32> to vector<64x128xf32>
    %le3A_1455 = arith.cmpf ole, %slice3A_1454, %select_n3A_1450 : vector<64x128xf32>
    %select_n3A_1456 = arith.select %le3A_1455, %slice3A_1454, %select_n3A_1450 : vector<64x128xi1>, vector<64x128xf32>
    %jit3A_1457 = arith.constant 2 : i32
    %broadcast_in_dim3A_1458 = vector.broadcast %jit3A_1457 : i32 to vector<64x128xi32>
    %select_n3A_1459 = arith.select %le3A_1455, %broadcast_in_dim3A_1458, %select_n3A_1453 : vector<64x128xi1>, vector<64x128xi32>
    %slice3A_1460 = vector.extract_strided_slice %slice3A_1378 {offsets = [0, 128], sizes = [64, 128], strides = [1, 1]} : vector<64x8192xf32> to vector<64x128xf32>
    %le3A_1461 = arith.cmpf ole, %slice3A_1460, %select_n3A_1456 : vector<64x128xf32>
    %select_n3A_1462 = arith.select %le3A_1461, %slice3A_1460, %select_n3A_1456 : vector<64x128xi1>, vector<64x128xf32>
    %jit3A_1463 = arith.constant 1 : i32
    %broadcast_in_dim3A_1464 = vector.broadcast %jit3A_1463 : i32 to vector<64x128xi32>
    %select_n3A_1465 = arith.select %le3A_1461, %broadcast_in_dim3A_1464, %select_n3A_1459 : vector<64x128xi1>, vector<64x128xi32>
    %slice3A_1466 = vector.extract_strided_slice %slice3A_1378 {offsets = [0, 0], sizes = [64, 128], strides = [1, 1]} : vector<64x8192xf32> to vector<64x128xf32>
    %le3A_1467 = arith.cmpf ole, %slice3A_1466, %select_n3A_1462 : vector<64x128xf32>
    %select_n3A_1468 = arith.select %le3A_1467, %slice3A_1466, %select_n3A_1462 : vector<64x128xi1>, vector<64x128xf32>
    %jit3A_1469 = arith.constant 0 : i32
    %broadcast_in_dim3A_1470 = vector.broadcast %jit3A_1469 : i32 to vector<64x128xi32>
    %select_n3A_1471 = arith.select %le3A_1467, %broadcast_in_dim3A_1470, %select_n3A_1465 : vector<64x128xi1>, vector<64x128xi32>
    %reduce_min3A_1472 = arith.constant dense<0x7F800000> : vector<64xf32>
    %reduce_min3A_1473 = vector.multi_reduction <minimumf>, %select_n3A_1468, %reduce_min3A_1472 [1] : vector<64x128xf32> to vector<64xf32>
    %mul3A_1474 = arith.constant 128 : i32
    %mul3A_1475 = vector.broadcast %mul3A_1474 : i32 to vector<64x128xi32>
    %mul3A_1476 = arith.muli %select_n3A_1471, %mul3A_1475 : vector<64x128xi32>
    %add3A_1477 = arith.addi %mul3A_1476, %iota3A : vector<64x128xi32>
    %broadcast_in_dim3A_1478 = vector.shape_cast %reduce_min3A_1473 : vector<64xf32> to vector<64x1xf32>
    %eq3A_1479 = vector.broadcast %broadcast_in_dim3A_1478 : vector<64x1xf32> to vector<64x128xf32>
    %eq3A_1480 = arith.cmpf oeq, %select_n3A_1468, %eq3A_1479 : vector<64x128xf32>
    %jit3A_1481 = arith.constant 8192 : i32
    %broadcast_in_dim3A_1482 = vector.broadcast %jit3A_1481 : i32 to vector<64x128xi32>
    %select_n3A_1483 = arith.select %eq3A_1480, %add3A_1477, %broadcast_in_dim3A_1482 : vector<64x128xi1>, vector<64x128xi32>
    %reduce_min3A_1484 = arith.constant dense<2147483647> : vector<64xi32>
    %reduce_min3A_1485 = vector.multi_reduction <minsi>, %select_n3A_1483, %reduce_min3A_1484 [1] : vector<64x128xi32> to vector<64xi32>
    %convert_element_type3A_1486 = arith.truncf %reduce_min3A_1473 : vector<64xf32> to vector<64xbf16>
    %convert_element_type3A_1487 = arith.extf %convert_element_type3A_1486 : vector<64xbf16> to vector<64xf32>
    %slice3A_1488 = vector.extract_strided_slice %slice3A_1378 {offsets = [0, 3968], sizes = [64, 128], strides = [1, 1]} : vector<64x8192xf32> to vector<64x128xf32>
    %broadcast_in_dim3A_1489 = arith.constant 31 : i32
    %broadcast_in_dim3A_1490 = vector.broadcast %broadcast_in_dim3A_1489 : i32 to vector<64x128xi32>
    %slice3A_1491 = vector.extract_strided_slice %slice3A_1378 {offsets = [0, 3840], sizes = [64, 128], strides = [1, 1]} : vector<64x8192xf32> to vector<64x128xf32>
    %le3A_1492 = arith.cmpf ole, %slice3A_1491, %slice3A_1488 : vector<64x128xf32>
    %select_n3A_1493 = arith.select %le3A_1492, %slice3A_1491, %slice3A_1488 : vector<64x128xi1>, vector<64x128xf32>
    %jit3A_1494 = arith.constant 30 : i32
    %broadcast_in_dim3A_1495 = vector.broadcast %jit3A_1494 : i32 to vector<64x128xi32>
    %select_n3A_1496 = arith.select %le3A_1492, %broadcast_in_dim3A_1495, %broadcast_in_dim3A_1490 : vector<64x128xi1>, vector<64x128xi32>
    %slice3A_1497 = vector.extract_strided_slice %slice3A_1378 {offsets = [0, 3712], sizes = [64, 128], strides = [1, 1]} : vector<64x8192xf32> to vector<64x128xf32>
    %le3A_1498 = arith.cmpf ole, %slice3A_1497, %select_n3A_1493 : vector<64x128xf32>
    %select_n3A_1499 = arith.select %le3A_1498, %slice3A_1497, %select_n3A_1493 : vector<64x128xi1>, vector<64x128xf32>
    %jit3A_1500 = arith.constant 29 : i32
    %broadcast_in_dim3A_1501 = vector.broadcast %jit3A_1500 : i32 to vector<64x128xi32>
    %select_n3A_1502 = arith.select %le3A_1498, %broadcast_in_dim3A_1501, %select_n3A_1496 : vector<64x128xi1>, vector<64x128xi32>
    %slice3A_1503 = vector.extract_strided_slice %slice3A_1378 {offsets = [0, 3584], sizes = [64, 128], strides = [1, 1]} : vector<64x8192xf32> to vector<64x128xf32>
    %le3A_1504 = arith.cmpf ole, %slice3A_1503, %select_n3A_1499 : vector<64x128xf32>
    %select_n3A_1505 = arith.select %le3A_1504, %slice3A_1503, %select_n3A_1499 : vector<64x128xi1>, vector<64x128xf32>
    %jit3A_1506 = arith.constant 28 : i32
    %broadcast_in_dim3A_1507 = vector.broadcast %jit3A_1506 : i32 to vector<64x128xi32>
    %select_n3A_1508 = arith.select %le3A_1504, %broadcast_in_dim3A_1507, %select_n3A_1502 : vector<64x128xi1>, vector<64x128xi32>
    %slice3A_1509 = vector.extract_strided_slice %slice3A_1378 {offsets = [0, 3456], sizes = [64, 128], strides = [1, 1]} : vector<64x8192xf32> to vector<64x128xf32>
    %le3A_1510 = arith.cmpf ole, %slice3A_1509, %select_n3A_1505 : vector<64x128xf32>
    %select_n3A_1511 = arith.select %le3A_1510, %slice3A_1509, %select_n3A_1505 : vector<64x128xi1>, vector<64x128xf32>
    %jit3A_1512 = arith.constant 27 : i32
    %broadcast_in_dim3A_1513 = vector.broadcast %jit3A_1512 : i32 to vector<64x128xi32>
    %select_n3A_1514 = arith.select %le3A_1510, %broadcast_in_dim3A_1513, %select_n3A_1508 : vector<64x128xi1>, vector<64x128xi32>
    %slice3A_1515 = vector.extract_strided_slice %slice3A_1378 {offsets = [0, 3328], sizes = [64, 128], strides = [1, 1]} : vector<64x8192xf32> to vector<64x128xf32>
    %le3A_1516 = arith.cmpf ole, %slice3A_1515, %select_n3A_1511 : vector<64x128xf32>
    %select_n3A_1517 = arith.select %le3A_1516, %slice3A_1515, %select_n3A_1511 : vector<64x128xi1>, vector<64x128xf32>
    %jit3A_1518 = arith.constant 26 : i32
    %broadcast_in_dim3A_1519 = vector.broadcast %jit3A_1518 : i32 to vector<64x128xi32>
    %select_n3A_1520 = arith.select %le3A_1516, %broadcast_in_dim3A_1519, %select_n3A_1514 : vector<64x128xi1>, vector<64x128xi32>
    %slice3A_1521 = vector.extract_strided_slice %slice3A_1378 {offsets = [0, 3200], sizes = [64, 128], strides = [1, 1]} : vector<64x8192xf32> to vector<64x128xf32>
    %le3A_1522 = arith.cmpf ole, %slice3A_1521, %select_n3A_1517 : vector<64x128xf32>
    %select_n3A_1523 = arith.select %le3A_1522, %slice3A_1521, %select_n3A_1517 : vector<64x128xi1>, vector<64x128xf32>
    %jit3A_1524 = arith.constant 25 : i32
    %broadcast_in_dim3A_1525 = vector.broadcast %jit3A_1524 : i32 to vector<64x128xi32>
    %select_n3A_1526 = arith.select %le3A_1522, %broadcast_in_dim3A_1525, %select_n3A_1520 : vector<64x128xi1>, vector<64x128xi32>
    %slice3A_1527 = vector.extract_strided_slice %slice3A_1378 {offsets = [0, 3072], sizes = [64, 128], strides = [1, 1]} : vector<64x8192xf32> to vector<64x128xf32>
    %le3A_1528 = arith.cmpf ole, %slice3A_1527, %select_n3A_1523 : vector<64x128xf32>
    %select_n3A_1529 = arith.select %le3A_1528, %slice3A_1527, %select_n3A_1523 : vector<64x128xi1>, vector<64x128xf32>
    %jit3A_1530 = arith.constant 24 : i32
    %broadcast_in_dim3A_1531 = vector.broadcast %jit3A_1530 : i32 to vector<64x128xi32>
    %select_n3A_1532 = arith.select %le3A_1528, %broadcast_in_dim3A_1531, %select_n3A_1526 : vector<64x128xi1>, vector<64x128xi32>
    %slice3A_1533 = vector.extract_strided_slice %slice3A_1378 {offsets = [0, 2944], sizes = [64, 128], strides = [1, 1]} : vector<64x8192xf32> to vector<64x128xf32>
    %le3A_1534 = arith.cmpf ole, %slice3A_1533, %select_n3A_1529 : vector<64x128xf32>
    %select_n3A_1535 = arith.select %le3A_1534, %slice3A_1533, %select_n3A_1529 : vector<64x128xi1>, vector<64x128xf32>
    %jit3A_1536 = arith.constant 23 : i32
    %broadcast_in_dim3A_1537 = vector.broadcast %jit3A_1536 : i32 to vector<64x128xi32>
    %select_n3A_1538 = arith.select %le3A_1534, %broadcast_in_dim3A_1537, %select_n3A_1532 : vector<64x128xi1>, vector<64x128xi32>
    %slice3A_1539 = vector.extract_strided_slice %slice3A_1378 {offsets = [0, 2816], sizes = [64, 128], strides = [1, 1]} : vector<64x8192xf32> to vector<64x128xf32>
    %le3A_1540 = arith.cmpf ole, %slice3A_1539, %select_n3A_1535 : vector<64x128xf32>
    %select_n3A_1541 = arith.select %le3A_1540, %slice3A_1539, %select_n3A_1535 : vector<64x128xi1>, vector<64x128xf32>
    %jit3A_1542 = arith.constant 22 : i32
    %broadcast_in_dim3A_1543 = vector.broadcast %jit3A_1542 : i32 to vector<64x128xi32>
    %select_n3A_1544 = arith.select %le3A_1540, %broadcast_in_dim3A_1543, %select_n3A_1538 : vector<64x128xi1>, vector<64x128xi32>
    %slice3A_1545 = vector.extract_strided_slice %slice3A_1378 {offsets = [0, 2688], sizes = [64, 128], strides = [1, 1]} : vector<64x8192xf32> to vector<64x128xf32>
    %le3A_1546 = arith.cmpf ole, %slice3A_1545, %select_n3A_1541 : vector<64x128xf32>
    %select_n3A_1547 = arith.select %le3A_1546, %slice3A_1545, %select_n3A_1541 : vector<64x128xi1>, vector<64x128xf32>
    %jit3A_1548 = arith.constant 21 : i32
    %broadcast_in_dim3A_1549 = vector.broadcast %jit3A_1548 : i32 to vector<64x128xi32>
    %select_n3A_1550 = arith.select %le3A_1546, %broadcast_in_dim3A_1549, %select_n3A_1544 : vector<64x128xi1>, vector<64x128xi32>
    %slice3A_1551 = vector.extract_strided_slice %slice3A_1378 {offsets = [0, 2560], sizes = [64, 128], strides = [1, 1]} : vector<64x8192xf32> to vector<64x128xf32>
    %le3A_1552 = arith.cmpf ole, %slice3A_1551, %select_n3A_1547 : vector<64x128xf32>
    %select_n3A_1553 = arith.select %le3A_1552, %slice3A_1551, %select_n3A_1547 : vector<64x128xi1>, vector<64x128xf32>
    %jit3A_1554 = arith.constant 20 : i32
    %broadcast_in_dim3A_1555 = vector.broadcast %jit3A_1554 : i32 to vector<64x128xi32>
    %select_n3A_1556 = arith.select %le3A_1552, %broadcast_in_dim3A_1555, %select_n3A_1550 : vector<64x128xi1>, vector<64x128xi32>
    %slice3A_1557 = vector.extract_strided_slice %slice3A_1378 {offsets = [0, 2432], sizes = [64, 128], strides = [1, 1]} : vector<64x8192xf32> to vector<64x128xf32>
    %le3A_1558 = arith.cmpf ole, %slice3A_1557, %select_n3A_1553 : vector<64x128xf32>
    %select_n3A_1559 = arith.select %le3A_1558, %slice3A_1557, %select_n3A_1553 : vector<64x128xi1>, vector<64x128xf32>
    %jit3A_1560 = arith.constant 19 : i32
    %broadcast_in_dim3A_1561 = vector.broadcast %jit3A_1560 : i32 to vector<64x128xi32>
    %select_n3A_1562 = arith.select %le3A_1558, %broadcast_in_dim3A_1561, %select_n3A_1556 : vector<64x128xi1>, vector<64x128xi32>
    %slice3A_1563 = vector.extract_strided_slice %slice3A_1378 {offsets = [0, 2304], sizes = [64, 128], strides = [1, 1]} : vector<64x8192xf32> to vector<64x128xf32>
    %le3A_1564 = arith.cmpf ole, %slice3A_1563, %select_n3A_1559 : vector<64x128xf32>
    %select_n3A_1565 = arith.select %le3A_1564, %slice3A_1563, %select_n3A_1559 : vector<64x128xi1>, vector<64x128xf32>
    %jit3A_1566 = arith.constant 18 : i32
    %broadcast_in_dim3A_1567 = vector.broadcast %jit3A_1566 : i32 to vector<64x128xi32>
    %select_n3A_1568 = arith.select %le3A_1564, %broadcast_in_dim3A_1567, %select_n3A_1562 : vector<64x128xi1>, vector<64x128xi32>
    %slice3A_1569 = vector.extract_strided_slice %slice3A_1378 {offsets = [0, 2176], sizes = [64, 128], strides = [1, 1]} : vector<64x8192xf32> to vector<64x128xf32>
    %le3A_1570 = arith.cmpf ole, %slice3A_1569, %select_n3A_1565 : vector<64x128xf32>
    %select_n3A_1571 = arith.select %le3A_1570, %slice3A_1569, %select_n3A_1565 : vector<64x128xi1>, vector<64x128xf32>
    %jit3A_1572 = arith.constant 17 : i32
    %broadcast_in_dim3A_1573 = vector.broadcast %jit3A_1572 : i32 to vector<64x128xi32>
    %select_n3A_1574 = arith.select %le3A_1570, %broadcast_in_dim3A_1573, %select_n3A_1568 : vector<64x128xi1>, vector<64x128xi32>
    %slice3A_1575 = vector.extract_strided_slice %slice3A_1378 {offsets = [0, 2048], sizes = [64, 128], strides = [1, 1]} : vector<64x8192xf32> to vector<64x128xf32>
    %le3A_1576 = arith.cmpf ole, %slice3A_1575, %select_n3A_1571 : vector<64x128xf32>
    %select_n3A_1577 = arith.select %le3A_1576, %slice3A_1575, %select_n3A_1571 : vector<64x128xi1>, vector<64x128xf32>
    %jit3A_1578 = arith.constant 16 : i32
    %broadcast_in_dim3A_1579 = vector.broadcast %jit3A_1578 : i32 to vector<64x128xi32>
    %select_n3A_1580 = arith.select %le3A_1576, %broadcast_in_dim3A_1579, %select_n3A_1574 : vector<64x128xi1>, vector<64x128xi32>
    %reduce_min3A_1581 = arith.constant dense<0x7F800000> : vector<64xf32>
    %reduce_min3A_1582 = vector.multi_reduction <minimumf>, %select_n3A_1577, %reduce_min3A_1581 [1] : vector<64x128xf32> to vector<64xf32>
    %mul3A_1583 = arith.constant 128 : i32
    %mul3A_1584 = vector.broadcast %mul3A_1583 : i32 to vector<64x128xi32>
    %mul3A_1585 = arith.muli %select_n3A_1580, %mul3A_1584 : vector<64x128xi32>
    %add3A_1586 = arith.addi %mul3A_1585, %iota3A : vector<64x128xi32>
    %broadcast_in_dim3A_1587 = vector.shape_cast %reduce_min3A_1582 : vector<64xf32> to vector<64x1xf32>
    %eq3A_1588 = vector.broadcast %broadcast_in_dim3A_1587 : vector<64x1xf32> to vector<64x128xf32>
    %eq3A_1589 = arith.cmpf oeq, %select_n3A_1577, %eq3A_1588 : vector<64x128xf32>
    %jit3A_1590 = arith.constant 8192 : i32
    %broadcast_in_dim3A_1591 = vector.broadcast %jit3A_1590 : i32 to vector<64x128xi32>
    %select_n3A_1592 = arith.select %eq3A_1589, %add3A_1586, %broadcast_in_dim3A_1591 : vector<64x128xi1>, vector<64x128xi32>
    %reduce_min3A_1593 = arith.constant dense<2147483647> : vector<64xi32>
    %reduce_min3A_1594 = vector.multi_reduction <minsi>, %select_n3A_1592, %reduce_min3A_1593 [1] : vector<64x128xi32> to vector<64xi32>
    %lt3A_1595 = arith.cmpf olt, %reduce_min3A_1582, %convert_element_type3A_1487 : vector<64xf32>
    %convert_element_type3A_1596 = arith.truncf %reduce_min3A_1582 : vector<64xf32> to vector<64xbf16>
    %convert_element_type3A_1597 = arith.extf %convert_element_type3A_1596 : vector<64xbf16> to vector<64xf32>
    %select_n3A_1598 = arith.select %lt3A_1595, %convert_element_type3A_1597, %convert_element_type3A_1487 : vector<64xi1>, vector<64xf32>
    %select_n3A_1599 = arith.select %lt3A_1595, %reduce_min3A_1594, %reduce_min3A_1485 : vector<64xi1>, vector<64xi32>
    %select_n3A_1600 = arith.select %lt3A_1595, %reduce_min3A_1582, %reduce_min3A_1473 : vector<64xi1>, vector<64xf32>
    %slice3A_1601 = vector.extract_strided_slice %slice3A_1378 {offsets = [0, 6016], sizes = [64, 128], strides = [1, 1]} : vector<64x8192xf32> to vector<64x128xf32>
    %broadcast_in_dim3A_1602 = arith.constant 47 : i32
    %broadcast_in_dim3A_1603 = vector.broadcast %broadcast_in_dim3A_1602 : i32 to vector<64x128xi32>
    %slice3A_1604 = vector.extract_strided_slice %slice3A_1378 {offsets = [0, 5888], sizes = [64, 128], strides = [1, 1]} : vector<64x8192xf32> to vector<64x128xf32>
    %le3A_1605 = arith.cmpf ole, %slice3A_1604, %slice3A_1601 : vector<64x128xf32>
    %select_n3A_1606 = arith.select %le3A_1605, %slice3A_1604, %slice3A_1601 : vector<64x128xi1>, vector<64x128xf32>
    %jit3A_1607 = arith.constant 46 : i32
    %broadcast_in_dim3A_1608 = vector.broadcast %jit3A_1607 : i32 to vector<64x128xi32>
    %select_n3A_1609 = arith.select %le3A_1605, %broadcast_in_dim3A_1608, %broadcast_in_dim3A_1603 : vector<64x128xi1>, vector<64x128xi32>
    %slice3A_1610 = vector.extract_strided_slice %slice3A_1378 {offsets = [0, 5760], sizes = [64, 128], strides = [1, 1]} : vector<64x8192xf32> to vector<64x128xf32>
    %le3A_1611 = arith.cmpf ole, %slice3A_1610, %select_n3A_1606 : vector<64x128xf32>
    %select_n3A_1612 = arith.select %le3A_1611, %slice3A_1610, %select_n3A_1606 : vector<64x128xi1>, vector<64x128xf32>
    %jit3A_1613 = arith.constant 45 : i32
    %broadcast_in_dim3A_1614 = vector.broadcast %jit3A_1613 : i32 to vector<64x128xi32>
    %select_n3A_1615 = arith.select %le3A_1611, %broadcast_in_dim3A_1614, %select_n3A_1609 : vector<64x128xi1>, vector<64x128xi32>
    %slice3A_1616 = vector.extract_strided_slice %slice3A_1378 {offsets = [0, 5632], sizes = [64, 128], strides = [1, 1]} : vector<64x8192xf32> to vector<64x128xf32>
    %le3A_1617 = arith.cmpf ole, %slice3A_1616, %select_n3A_1612 : vector<64x128xf32>
    %select_n3A_1618 = arith.select %le3A_1617, %slice3A_1616, %select_n3A_1612 : vector<64x128xi1>, vector<64x128xf32>
    %jit3A_1619 = arith.constant 44 : i32
    %broadcast_in_dim3A_1620 = vector.broadcast %jit3A_1619 : i32 to vector<64x128xi32>
    %select_n3A_1621 = arith.select %le3A_1617, %broadcast_in_dim3A_1620, %select_n3A_1615 : vector<64x128xi1>, vector<64x128xi32>
    %slice3A_1622 = vector.extract_strided_slice %slice3A_1378 {offsets = [0, 5504], sizes = [64, 128], strides = [1, 1]} : vector<64x8192xf32> to vector<64x128xf32>
    %le3A_1623 = arith.cmpf ole, %slice3A_1622, %select_n3A_1618 : vector<64x128xf32>
    %select_n3A_1624 = arith.select %le3A_1623, %slice3A_1622, %select_n3A_1618 : vector<64x128xi1>, vector<64x128xf32>
    %jit3A_1625 = arith.constant 43 : i32
    %broadcast_in_dim3A_1626 = vector.broadcast %jit3A_1625 : i32 to vector<64x128xi32>
    %select_n3A_1627 = arith.select %le3A_1623, %broadcast_in_dim3A_1626, %select_n3A_1621 : vector<64x128xi1>, vector<64x128xi32>
    %slice3A_1628 = vector.extract_strided_slice %slice3A_1378 {offsets = [0, 5376], sizes = [64, 128], strides = [1, 1]} : vector<64x8192xf32> to vector<64x128xf32>
    %le3A_1629 = arith.cmpf ole, %slice3A_1628, %select_n3A_1624 : vector<64x128xf32>
    %select_n3A_1630 = arith.select %le3A_1629, %slice3A_1628, %select_n3A_1624 : vector<64x128xi1>, vector<64x128xf32>
    %jit3A_1631 = arith.constant 42 : i32
    %broadcast_in_dim3A_1632 = vector.broadcast %jit3A_1631 : i32 to vector<64x128xi32>
    %select_n3A_1633 = arith.select %le3A_1629, %broadcast_in_dim3A_1632, %select_n3A_1627 : vector<64x128xi1>, vector<64x128xi32>
    %slice3A_1634 = vector.extract_strided_slice %slice3A_1378 {offsets = [0, 5248], sizes = [64, 128], strides = [1, 1]} : vector<64x8192xf32> to vector<64x128xf32>
    %le3A_1635 = arith.cmpf ole, %slice3A_1634, %select_n3A_1630 : vector<64x128xf32>
    %select_n3A_1636 = arith.select %le3A_1635, %slice3A_1634, %select_n3A_1630 : vector<64x128xi1>, vector<64x128xf32>
    %jit3A_1637 = arith.constant 41 : i32
    %broadcast_in_dim3A_1638 = vector.broadcast %jit3A_1637 : i32 to vector<64x128xi32>
    %select_n3A_1639 = arith.select %le3A_1635, %broadcast_in_dim3A_1638, %select_n3A_1633 : vector<64x128xi1>, vector<64x128xi32>
    %slice3A_1640 = vector.extract_strided_slice %slice3A_1378 {offsets = [0, 5120], sizes = [64, 128], strides = [1, 1]} : vector<64x8192xf32> to vector<64x128xf32>
    %le3A_1641 = arith.cmpf ole, %slice3A_1640, %select_n3A_1636 : vector<64x128xf32>
    %select_n3A_1642 = arith.select %le3A_1641, %slice3A_1640, %select_n3A_1636 : vector<64x128xi1>, vector<64x128xf32>
    %jit3A_1643 = arith.constant 40 : i32
    %broadcast_in_dim3A_1644 = vector.broadcast %jit3A_1643 : i32 to vector<64x128xi32>
    %select_n3A_1645 = arith.select %le3A_1641, %broadcast_in_dim3A_1644, %select_n3A_1639 : vector<64x128xi1>, vector<64x128xi32>
    %slice3A_1646 = vector.extract_strided_slice %slice3A_1378 {offsets = [0, 4992], sizes = [64, 128], strides = [1, 1]} : vector<64x8192xf32> to vector<64x128xf32>
    %le3A_1647 = arith.cmpf ole, %slice3A_1646, %select_n3A_1642 : vector<64x128xf32>
    %select_n3A_1648 = arith.select %le3A_1647, %slice3A_1646, %select_n3A_1642 : vector<64x128xi1>, vector<64x128xf32>
    %jit3A_1649 = arith.constant 39 : i32
    %broadcast_in_dim3A_1650 = vector.broadcast %jit3A_1649 : i32 to vector<64x128xi32>
    %select_n3A_1651 = arith.select %le3A_1647, %broadcast_in_dim3A_1650, %select_n3A_1645 : vector<64x128xi1>, vector<64x128xi32>
    %slice3A_1652 = vector.extract_strided_slice %slice3A_1378 {offsets = [0, 4864], sizes = [64, 128], strides = [1, 1]} : vector<64x8192xf32> to vector<64x128xf32>
    %le3A_1653 = arith.cmpf ole, %slice3A_1652, %select_n3A_1648 : vector<64x128xf32>
    %select_n3A_1654 = arith.select %le3A_1653, %slice3A_1652, %select_n3A_1648 : vector<64x128xi1>, vector<64x128xf32>
    %jit3A_1655 = arith.constant 38 : i32
    %broadcast_in_dim3A_1656 = vector.broadcast %jit3A_1655 : i32 to vector<64x128xi32>
    %select_n3A_1657 = arith.select %le3A_1653, %broadcast_in_dim3A_1656, %select_n3A_1651 : vector<64x128xi1>, vector<64x128xi32>
    %slice3A_1658 = vector.extract_strided_slice %slice3A_1378 {offsets = [0, 4736], sizes = [64, 128], strides = [1, 1]} : vector<64x8192xf32> to vector<64x128xf32>
    %le3A_1659 = arith.cmpf ole, %slice3A_1658, %select_n3A_1654 : vector<64x128xf32>
    %select_n3A_1660 = arith.select %le3A_1659, %slice3A_1658, %select_n3A_1654 : vector<64x128xi1>, vector<64x128xf32>
    %jit3A_1661 = arith.constant 37 : i32
    %broadcast_in_dim3A_1662 = vector.broadcast %jit3A_1661 : i32 to vector<64x128xi32>
    %select_n3A_1663 = arith.select %le3A_1659, %broadcast_in_dim3A_1662, %select_n3A_1657 : vector<64x128xi1>, vector<64x128xi32>
    %slice3A_1664 = vector.extract_strided_slice %slice3A_1378 {offsets = [0, 4608], sizes = [64, 128], strides = [1, 1]} : vector<64x8192xf32> to vector<64x128xf32>
    %le3A_1665 = arith.cmpf ole, %slice3A_1664, %select_n3A_1660 : vector<64x128xf32>
    %select_n3A_1666 = arith.select %le3A_1665, %slice3A_1664, %select_n3A_1660 : vector<64x128xi1>, vector<64x128xf32>
    %jit3A_1667 = arith.constant 36 : i32
    %broadcast_in_dim3A_1668 = vector.broadcast %jit3A_1667 : i32 to vector<64x128xi32>
    %select_n3A_1669 = arith.select %le3A_1665, %broadcast_in_dim3A_1668, %select_n3A_1663 : vector<64x128xi1>, vector<64x128xi32>
    %slice3A_1670 = vector.extract_strided_slice %slice3A_1378 {offsets = [0, 4480], sizes = [64, 128], strides = [1, 1]} : vector<64x8192xf32> to vector<64x128xf32>
    %le3A_1671 = arith.cmpf ole, %slice3A_1670, %select_n3A_1666 : vector<64x128xf32>
    %select_n3A_1672 = arith.select %le3A_1671, %slice3A_1670, %select_n3A_1666 : vector<64x128xi1>, vector<64x128xf32>
    %jit3A_1673 = arith.constant 35 : i32
    %broadcast_in_dim3A_1674 = vector.broadcast %jit3A_1673 : i32 to vector<64x128xi32>
    %select_n3A_1675 = arith.select %le3A_1671, %broadcast_in_dim3A_1674, %select_n3A_1669 : vector<64x128xi1>, vector<64x128xi32>
    %slice3A_1676 = vector.extract_strided_slice %slice3A_1378 {offsets = [0, 4352], sizes = [64, 128], strides = [1, 1]} : vector<64x8192xf32> to vector<64x128xf32>
    %le3A_1677 = arith.cmpf ole, %slice3A_1676, %select_n3A_1672 : vector<64x128xf32>
    %select_n3A_1678 = arith.select %le3A_1677, %slice3A_1676, %select_n3A_1672 : vector<64x128xi1>, vector<64x128xf32>
    %jit3A_1679 = arith.constant 34 : i32
    %broadcast_in_dim3A_1680 = vector.broadcast %jit3A_1679 : i32 to vector<64x128xi32>
    %select_n3A_1681 = arith.select %le3A_1677, %broadcast_in_dim3A_1680, %select_n3A_1675 : vector<64x128xi1>, vector<64x128xi32>
    %slice3A_1682 = vector.extract_strided_slice %slice3A_1378 {offsets = [0, 4224], sizes = [64, 128], strides = [1, 1]} : vector<64x8192xf32> to vector<64x128xf32>
    %le3A_1683 = arith.cmpf ole, %slice3A_1682, %select_n3A_1678 : vector<64x128xf32>
    %select_n3A_1684 = arith.select %le3A_1683, %slice3A_1682, %select_n3A_1678 : vector<64x128xi1>, vector<64x128xf32>
    %jit3A_1685 = arith.constant 33 : i32
    %broadcast_in_dim3A_1686 = vector.broadcast %jit3A_1685 : i32 to vector<64x128xi32>
    %select_n3A_1687 = arith.select %le3A_1683, %broadcast_in_dim3A_1686, %select_n3A_1681 : vector<64x128xi1>, vector<64x128xi32>
    %slice3A_1688 = vector.extract_strided_slice %slice3A_1378 {offsets = [0, 4096], sizes = [64, 128], strides = [1, 1]} : vector<64x8192xf32> to vector<64x128xf32>
    %le3A_1689 = arith.cmpf ole, %slice3A_1688, %select_n3A_1684 : vector<64x128xf32>
    %select_n3A_1690 = arith.select %le3A_1689, %slice3A_1688, %select_n3A_1684 : vector<64x128xi1>, vector<64x128xf32>
    %jit3A_1691 = arith.constant 32 : i32
    %broadcast_in_dim3A_1692 = vector.broadcast %jit3A_1691 : i32 to vector<64x128xi32>
    %select_n3A_1693 = arith.select %le3A_1689, %broadcast_in_dim3A_1692, %select_n3A_1687 : vector<64x128xi1>, vector<64x128xi32>
    %reduce_min3A_1694 = arith.constant dense<0x7F800000> : vector<64xf32>
    %reduce_min3A_1695 = vector.multi_reduction <minimumf>, %select_n3A_1690, %reduce_min3A_1694 [1] : vector<64x128xf32> to vector<64xf32>
    %mul3A_1696 = arith.constant 128 : i32
    %mul3A_1697 = vector.broadcast %mul3A_1696 : i32 to vector<64x128xi32>
    %mul3A_1698 = arith.muli %select_n3A_1693, %mul3A_1697 : vector<64x128xi32>
    %add3A_1699 = arith.addi %mul3A_1698, %iota3A : vector<64x128xi32>
    %broadcast_in_dim3A_1700 = vector.shape_cast %reduce_min3A_1695 : vector<64xf32> to vector<64x1xf32>
    %eq3A_1701 = vector.broadcast %broadcast_in_dim3A_1700 : vector<64x1xf32> to vector<64x128xf32>
    %eq3A_1702 = arith.cmpf oeq, %select_n3A_1690, %eq3A_1701 : vector<64x128xf32>
    %jit3A_1703 = arith.constant 8192 : i32
    %broadcast_in_dim3A_1704 = vector.broadcast %jit3A_1703 : i32 to vector<64x128xi32>
    %select_n3A_1705 = arith.select %eq3A_1702, %add3A_1699, %broadcast_in_dim3A_1704 : vector<64x128xi1>, vector<64x128xi32>
    %reduce_min3A_1706 = arith.constant dense<2147483647> : vector<64xi32>
    %reduce_min3A_1707 = vector.multi_reduction <minsi>, %select_n3A_1705, %reduce_min3A_1706 [1] : vector<64x128xi32> to vector<64xi32>
    %lt3A_1708 = arith.cmpf olt, %reduce_min3A_1695, %select_n3A_1598 : vector<64xf32>
    %convert_element_type3A_1709 = arith.truncf %reduce_min3A_1695 : vector<64xf32> to vector<64xbf16>
    %convert_element_type3A_1710 = arith.extf %convert_element_type3A_1709 : vector<64xbf16> to vector<64xf32>
    %select_n3A_1711 = arith.select %lt3A_1708, %convert_element_type3A_1710, %select_n3A_1598 : vector<64xi1>, vector<64xf32>
    %select_n3A_1712 = arith.select %lt3A_1708, %reduce_min3A_1707, %select_n3A_1599 : vector<64xi1>, vector<64xi32>
    %select_n3A_1713 = arith.select %lt3A_1708, %reduce_min3A_1695, %select_n3A_1600 : vector<64xi1>, vector<64xf32>
    %slice3A_1714 = vector.extract_strided_slice %slice3A_1378 {offsets = [0, 8064], sizes = [64, 128], strides = [1, 1]} : vector<64x8192xf32> to vector<64x128xf32>
    %broadcast_in_dim3A_1715 = arith.constant 63 : i32
    %broadcast_in_dim3A_1716 = vector.broadcast %broadcast_in_dim3A_1715 : i32 to vector<64x128xi32>
    %slice3A_1717 = vector.extract_strided_slice %slice3A_1378 {offsets = [0, 7936], sizes = [64, 128], strides = [1, 1]} : vector<64x8192xf32> to vector<64x128xf32>
    %le3A_1718 = arith.cmpf ole, %slice3A_1717, %slice3A_1714 : vector<64x128xf32>
    %select_n3A_1719 = arith.select %le3A_1718, %slice3A_1717, %slice3A_1714 : vector<64x128xi1>, vector<64x128xf32>
    %jit3A_1720 = arith.constant 62 : i32
    %broadcast_in_dim3A_1721 = vector.broadcast %jit3A_1720 : i32 to vector<64x128xi32>
    %select_n3A_1722 = arith.select %le3A_1718, %broadcast_in_dim3A_1721, %broadcast_in_dim3A_1716 : vector<64x128xi1>, vector<64x128xi32>
    %slice3A_1723 = vector.extract_strided_slice %slice3A_1378 {offsets = [0, 7808], sizes = [64, 128], strides = [1, 1]} : vector<64x8192xf32> to vector<64x128xf32>
    %le3A_1724 = arith.cmpf ole, %slice3A_1723, %select_n3A_1719 : vector<64x128xf32>
    %select_n3A_1725 = arith.select %le3A_1724, %slice3A_1723, %select_n3A_1719 : vector<64x128xi1>, vector<64x128xf32>
    %jit3A_1726 = arith.constant 61 : i32
    %broadcast_in_dim3A_1727 = vector.broadcast %jit3A_1726 : i32 to vector<64x128xi32>
    %select_n3A_1728 = arith.select %le3A_1724, %broadcast_in_dim3A_1727, %select_n3A_1722 : vector<64x128xi1>, vector<64x128xi32>
    %slice3A_1729 = vector.extract_strided_slice %slice3A_1378 {offsets = [0, 7680], sizes = [64, 128], strides = [1, 1]} : vector<64x8192xf32> to vector<64x128xf32>
    %le3A_1730 = arith.cmpf ole, %slice3A_1729, %select_n3A_1725 : vector<64x128xf32>
    %select_n3A_1731 = arith.select %le3A_1730, %slice3A_1729, %select_n3A_1725 : vector<64x128xi1>, vector<64x128xf32>
    %jit3A_1732 = arith.constant 60 : i32
    %broadcast_in_dim3A_1733 = vector.broadcast %jit3A_1732 : i32 to vector<64x128xi32>
    %select_n3A_1734 = arith.select %le3A_1730, %broadcast_in_dim3A_1733, %select_n3A_1728 : vector<64x128xi1>, vector<64x128xi32>
    %slice3A_1735 = vector.extract_strided_slice %slice3A_1378 {offsets = [0, 7552], sizes = [64, 128], strides = [1, 1]} : vector<64x8192xf32> to vector<64x128xf32>
    %le3A_1736 = arith.cmpf ole, %slice3A_1735, %select_n3A_1731 : vector<64x128xf32>
    %select_n3A_1737 = arith.select %le3A_1736, %slice3A_1735, %select_n3A_1731 : vector<64x128xi1>, vector<64x128xf32>
    %jit3A_1738 = arith.constant 59 : i32
    %broadcast_in_dim3A_1739 = vector.broadcast %jit3A_1738 : i32 to vector<64x128xi32>
    %select_n3A_1740 = arith.select %le3A_1736, %broadcast_in_dim3A_1739, %select_n3A_1734 : vector<64x128xi1>, vector<64x128xi32>
    %slice3A_1741 = vector.extract_strided_slice %slice3A_1378 {offsets = [0, 7424], sizes = [64, 128], strides = [1, 1]} : vector<64x8192xf32> to vector<64x128xf32>
    %le3A_1742 = arith.cmpf ole, %slice3A_1741, %select_n3A_1737 : vector<64x128xf32>
    %select_n3A_1743 = arith.select %le3A_1742, %slice3A_1741, %select_n3A_1737 : vector<64x128xi1>, vector<64x128xf32>
    %jit3A_1744 = arith.constant 58 : i32
    %broadcast_in_dim3A_1745 = vector.broadcast %jit3A_1744 : i32 to vector<64x128xi32>
    %select_n3A_1746 = arith.select %le3A_1742, %broadcast_in_dim3A_1745, %select_n3A_1740 : vector<64x128xi1>, vector<64x128xi32>
    %slice3A_1747 = vector.extract_strided_slice %slice3A_1378 {offsets = [0, 7296], sizes = [64, 128], strides = [1, 1]} : vector<64x8192xf32> to vector<64x128xf32>
    %le3A_1748 = arith.cmpf ole, %slice3A_1747, %select_n3A_1743 : vector<64x128xf32>
    %select_n3A_1749 = arith.select %le3A_1748, %slice3A_1747, %select_n3A_1743 : vector<64x128xi1>, vector<64x128xf32>
    %jit3A_1750 = arith.constant 57 : i32
    %broadcast_in_dim3A_1751 = vector.broadcast %jit3A_1750 : i32 to vector<64x128xi32>
    %select_n3A_1752 = arith.select %le3A_1748, %broadcast_in_dim3A_1751, %select_n3A_1746 : vector<64x128xi1>, vector<64x128xi32>
    %slice3A_1753 = vector.extract_strided_slice %slice3A_1378 {offsets = [0, 7168], sizes = [64, 128], strides = [1, 1]} : vector<64x8192xf32> to vector<64x128xf32>
    %le3A_1754 = arith.cmpf ole, %slice3A_1753, %select_n3A_1749 : vector<64x128xf32>
    %select_n3A_1755 = arith.select %le3A_1754, %slice3A_1753, %select_n3A_1749 : vector<64x128xi1>, vector<64x128xf32>
    %jit3A_1756 = arith.constant 56 : i32
    %broadcast_in_dim3A_1757 = vector.broadcast %jit3A_1756 : i32 to vector<64x128xi32>
    %select_n3A_1758 = arith.select %le3A_1754, %broadcast_in_dim3A_1757, %select_n3A_1752 : vector<64x128xi1>, vector<64x128xi32>
    %slice3A_1759 = vector.extract_strided_slice %slice3A_1378 {offsets = [0, 7040], sizes = [64, 128], strides = [1, 1]} : vector<64x8192xf32> to vector<64x128xf32>
    %le3A_1760 = arith.cmpf ole, %slice3A_1759, %select_n3A_1755 : vector<64x128xf32>
    %select_n3A_1761 = arith.select %le3A_1760, %slice3A_1759, %select_n3A_1755 : vector<64x128xi1>, vector<64x128xf32>
    %jit3A_1762 = arith.constant 55 : i32
    %broadcast_in_dim3A_1763 = vector.broadcast %jit3A_1762 : i32 to vector<64x128xi32>
    %select_n3A_1764 = arith.select %le3A_1760, %broadcast_in_dim3A_1763, %select_n3A_1758 : vector<64x128xi1>, vector<64x128xi32>
    %slice3A_1765 = vector.extract_strided_slice %slice3A_1378 {offsets = [0, 6912], sizes = [64, 128], strides = [1, 1]} : vector<64x8192xf32> to vector<64x128xf32>
    %le3A_1766 = arith.cmpf ole, %slice3A_1765, %select_n3A_1761 : vector<64x128xf32>
    %select_n3A_1767 = arith.select %le3A_1766, %slice3A_1765, %select_n3A_1761 : vector<64x128xi1>, vector<64x128xf32>
    %jit3A_1768 = arith.constant 54 : i32
    %broadcast_in_dim3A_1769 = vector.broadcast %jit3A_1768 : i32 to vector<64x128xi32>
    %select_n3A_1770 = arith.select %le3A_1766, %broadcast_in_dim3A_1769, %select_n3A_1764 : vector<64x128xi1>, vector<64x128xi32>
    %slice3A_1771 = vector.extract_strided_slice %slice3A_1378 {offsets = [0, 6784], sizes = [64, 128], strides = [1, 1]} : vector<64x8192xf32> to vector<64x128xf32>
    %le3A_1772 = arith.cmpf ole, %slice3A_1771, %select_n3A_1767 : vector<64x128xf32>
    %select_n3A_1773 = arith.select %le3A_1772, %slice3A_1771, %select_n3A_1767 : vector<64x128xi1>, vector<64x128xf32>
    %jit3A_1774 = arith.constant 53 : i32
    %broadcast_in_dim3A_1775 = vector.broadcast %jit3A_1774 : i32 to vector<64x128xi32>
    %select_n3A_1776 = arith.select %le3A_1772, %broadcast_in_dim3A_1775, %select_n3A_1770 : vector<64x128xi1>, vector<64x128xi32>
    %slice3A_1777 = vector.extract_strided_slice %slice3A_1378 {offsets = [0, 6656], sizes = [64, 128], strides = [1, 1]} : vector<64x8192xf32> to vector<64x128xf32>
    %le3A_1778 = arith.cmpf ole, %slice3A_1777, %select_n3A_1773 : vector<64x128xf32>
    %select_n3A_1779 = arith.select %le3A_1778, %slice3A_1777, %select_n3A_1773 : vector<64x128xi1>, vector<64x128xf32>
    %jit3A_1780 = arith.constant 52 : i32
    %broadcast_in_dim3A_1781 = vector.broadcast %jit3A_1780 : i32 to vector<64x128xi32>
    %select_n3A_1782 = arith.select %le3A_1778, %broadcast_in_dim3A_1781, %select_n3A_1776 : vector<64x128xi1>, vector<64x128xi32>
    %slice3A_1783 = vector.extract_strided_slice %slice3A_1378 {offsets = [0, 6528], sizes = [64, 128], strides = [1, 1]} : vector<64x8192xf32> to vector<64x128xf32>
    %le3A_1784 = arith.cmpf ole, %slice3A_1783, %select_n3A_1779 : vector<64x128xf32>
    %select_n3A_1785 = arith.select %le3A_1784, %slice3A_1783, %select_n3A_1779 : vector<64x128xi1>, vector<64x128xf32>
    %jit3A_1786 = arith.constant 51 : i32
    %broadcast_in_dim3A_1787 = vector.broadcast %jit3A_1786 : i32 to vector<64x128xi32>
    %select_n3A_1788 = arith.select %le3A_1784, %broadcast_in_dim3A_1787, %select_n3A_1782 : vector<64x128xi1>, vector<64x128xi32>
    %slice3A_1789 = vector.extract_strided_slice %slice3A_1378 {offsets = [0, 6400], sizes = [64, 128], strides = [1, 1]} : vector<64x8192xf32> to vector<64x128xf32>
    %le3A_1790 = arith.cmpf ole, %slice3A_1789, %select_n3A_1785 : vector<64x128xf32>
    %select_n3A_1791 = arith.select %le3A_1790, %slice3A_1789, %select_n3A_1785 : vector<64x128xi1>, vector<64x128xf32>
    %jit3A_1792 = arith.constant 50 : i32
    %broadcast_in_dim3A_1793 = vector.broadcast %jit3A_1792 : i32 to vector<64x128xi32>
    %select_n3A_1794 = arith.select %le3A_1790, %broadcast_in_dim3A_1793, %select_n3A_1788 : vector<64x128xi1>, vector<64x128xi32>
    %slice3A_1795 = vector.extract_strided_slice %slice3A_1378 {offsets = [0, 6272], sizes = [64, 128], strides = [1, 1]} : vector<64x8192xf32> to vector<64x128xf32>
    %le3A_1796 = arith.cmpf ole, %slice3A_1795, %select_n3A_1791 : vector<64x128xf32>
    %select_n3A_1797 = arith.select %le3A_1796, %slice3A_1795, %select_n3A_1791 : vector<64x128xi1>, vector<64x128xf32>
    %jit3A_1798 = arith.constant 49 : i32
    %broadcast_in_dim3A_1799 = vector.broadcast %jit3A_1798 : i32 to vector<64x128xi32>
    %select_n3A_1800 = arith.select %le3A_1796, %broadcast_in_dim3A_1799, %select_n3A_1794 : vector<64x128xi1>, vector<64x128xi32>
    %slice3A_1801 = vector.extract_strided_slice %slice3A_1378 {offsets = [0, 6144], sizes = [64, 128], strides = [1, 1]} : vector<64x8192xf32> to vector<64x128xf32>
    %le3A_1802 = arith.cmpf ole, %slice3A_1801, %select_n3A_1797 : vector<64x128xf32>
    %select_n3A_1803 = arith.select %le3A_1802, %slice3A_1801, %select_n3A_1797 : vector<64x128xi1>, vector<64x128xf32>
    %jit3A_1804 = arith.constant 48 : i32
    %broadcast_in_dim3A_1805 = vector.broadcast %jit3A_1804 : i32 to vector<64x128xi32>
    %select_n3A_1806 = arith.select %le3A_1802, %broadcast_in_dim3A_1805, %select_n3A_1800 : vector<64x128xi1>, vector<64x128xi32>
    %reduce_min3A_1807 = arith.constant dense<0x7F800000> : vector<64xf32>
    %reduce_min3A_1808 = vector.multi_reduction <minimumf>, %select_n3A_1803, %reduce_min3A_1807 [1] : vector<64x128xf32> to vector<64xf32>
    %mul3A_1809 = arith.constant 128 : i32
    %mul3A_1810 = vector.broadcast %mul3A_1809 : i32 to vector<64x128xi32>
    %mul3A_1811 = arith.muli %select_n3A_1806, %mul3A_1810 : vector<64x128xi32>
    %add3A_1812 = arith.addi %mul3A_1811, %iota3A : vector<64x128xi32>
    %broadcast_in_dim3A_1813 = vector.shape_cast %reduce_min3A_1808 : vector<64xf32> to vector<64x1xf32>
    %eq3A_1814 = vector.broadcast %broadcast_in_dim3A_1813 : vector<64x1xf32> to vector<64x128xf32>
    %eq3A_1815 = arith.cmpf oeq, %select_n3A_1803, %eq3A_1814 : vector<64x128xf32>
    %jit3A_1816 = arith.constant 8192 : i32
    %broadcast_in_dim3A_1817 = vector.broadcast %jit3A_1816 : i32 to vector<64x128xi32>
    %select_n3A_1818 = arith.select %eq3A_1815, %add3A_1812, %broadcast_in_dim3A_1817 : vector<64x128xi1>, vector<64x128xi32>
    %reduce_min3A_1819 = arith.constant dense<2147483647> : vector<64xi32>
    %reduce_min3A_1820 = vector.multi_reduction <minsi>, %select_n3A_1818, %reduce_min3A_1819 [1] : vector<64x128xi32> to vector<64xi32>
    %lt3A_1821 = arith.cmpf olt, %reduce_min3A_1808, %select_n3A_1711 : vector<64xf32>
    %select_n3A_1822 = arith.select %lt3A_1821, %reduce_min3A_1820, %select_n3A_1712 : vector<64xi1>, vector<64xi32>
    %select_n3A_1823 = arith.select %lt3A_1821, %reduce_min3A_1808, %select_n3A_1713 : vector<64xi1>, vector<64xf32>
    %swap3A_1824 = arith.constant 0 : index
    %swap3A_1825 = arith.constant 0 : index
    %swap3A_1826 = arith.constant 192 : index
    %swap3A_1827 = vector.load %arg5[%swap3A_1824, %swap3A_1825, %swap3A_1826] : memref<1x1x256xi32, #tpu.memory_space<vmem>>, vector<1x1x64xi32>
    %swap3A_1828 = vector.shape_cast %swap3A_1827 : vector<1x1x64xi32> to vector<64xi32>
    %swap3A_1829 = vector.shape_cast %select_n3A_1822 : vector<64xi32> to vector<1x1x64xi32>
    tpu.vector_store %arg5[%swap3A_1824, %swap3A_1825, %swap3A_1826], %swap3A_1829 {strides = array<i32>} : memref<1x1x256xi32, #tpu.memory_space<vmem>>, vector<1x1x64xi32>,
    %reduce_sum3A_1830 = vector.shape_cast %select_n3A_1823 : vector<64xf32> to vector<1x64xf32>
    %reduce_sum3A_1831 = arith.constant dense<0.000000e+00> : vector<1xf32>
    %reduce_sum3A_1832 = vector.multi_reduction <add>, %reduce_sum3A_1830, %reduce_sum3A_1831 [1] : vector<1x64xf32> to vector<1xf32>
    %reduce_sum3A_1833 = vector.shape_cast %reduce_sum3A_1832 : vector<1xf32> to vector<1x1xf32>
    %reduce_sum3A_1834 = vector.extract %reduce_sum3A_1833[0, 0] : f32 from vector<1x1xf32>
    %add3A_1835 = arith.constant 0.000000e+00 : f32
    %add3A_1836 = arith.addf %add3A_1835, %reduce_sum3A_463 : f32
    %add3A_1837 = arith.addf %add3A_1836, %reduce_sum3A_920 : f32
    %add3A_1838 = arith.addf %add3A_1837, %reduce_sum3A_1377 : f32
    %add3A_1839 = arith.addf %add3A_1838, %reduce_sum3A_1834 : f32
    %eq3A_1840 = arith.constant 0 : i32
    %eq3A_1841 = arith.cmpi eq, %arg0, %eq3A_1840 : i32
    %convert_element_type3A_1842 = arith.extui %eq3A_1841 : i1 to i32
    %cond3A = arith.constant 0 : i32
    %cond3A_1843 = arith.cmpi ne, %convert_element_type3A_1842, %cond3A : i32
    scf.if %cond3A_1843 {
      %swap3A_1853 = arith.constant 0 : index
      %swap3A_1854 = arith.constant 0 : index
      %swap3A_1855 = memref.load %arg6[%swap3A_1853, %swap3A_1854] : memref<1x1xf32, #tpu.memory_space<smem>>
      memref.store %add3A_1839, %arg6[%swap3A_1853, %swap3A_1854] : memref<1x1xf32, #tpu.memory_space<smem>>
    } else {
    }
    %gt3A = arith.constant 0 : i32
    %gt3A_1844 = arith.cmpi sgt, %arg0, %gt3A : i32
    %convert_element_type3A_1845 = arith.extui %gt3A_1844 : i1 to i32
    %cond3A_1846 = arith.constant 0 : i32
    %cond3A_1847 = arith.cmpi ne, %convert_element_type3A_1845, %cond3A_1846 : i32
    scf.if %cond3A_1847 {
      %get3A_1853 = arith.constant 0 : index
      %get3A_1854 = arith.constant 0 : index
      %get3A_1855 = memref.load %arg6[%get3A_1853, %get3A_1854] : memref<1x1xf32, #tpu.memory_space<smem>>
      %add3A_1856 = arith.addf %get3A_1855, %add3A_1839 : f32
      %swap3A_1857 = arith.constant 0 : index
      %swap3A_1858 = arith.constant 0 : index
      %swap3A_1859 = memref.load %arg6[%swap3A_1857, %swap3A_1858] : memref<1x1xf32, #tpu.memory_space<smem>>
      memref.store %add3A_1856, %arg6[%swap3A_1857, %swap3A_1858] : memref<1x1xf32, #tpu.memory_space<smem>>
    } else {
    }
    %eq3A_1848 = arith.constant 31 : i32
    %eq3A_1849 = arith.cmpi eq, %arg0, %eq3A_1848 : i32
    %convert_element_type3A_1850 = arith.extui %eq3A_1849 : i1 to i32
    %cond3A_1851 = arith.constant 0 : i32
    %cond3A_1852 = arith.cmpi ne, %convert_element_type3A_1850, %cond3A_1851 : i32
    scf.if %cond3A_1852 {
      %get3A_1853 = arith.constant 0 : index
      %get3A_1854 = arith.constant 0 : index
      %get3A_1855 = memref.load %arg6[%get3A_1853, %get3A_1854] : memref<1x1xf32, #tpu.memory_space<smem>>
      %mul3A_1856 = arith.constant 1.1920929E-7 : f32
      %mul3A_1857 = arith.mulf %get3A_1855, %mul3A_1856 : f32
      %swap3A_1858 = arith.constant 0 : index
      %swap3A_1859 = arith.constant 0 : index
      %swap3A_1860 = memref.load %arg6[%swap3A_1858, %swap3A_1859] : memref<1x1xf32, #tpu.memory_space<smem>>
      memref.store %mul3A_1857, %arg6[%swap3A_1858, %swap3A_1859] : memref<1x1xf32, #tpu.memory_space<smem>>
    } else {
    }
    return
  }
  func.func @transform_0(%arg0: i32) -> (i32, i32) {
    %c0_i32 = arith.constant 0 : i32
    %c0_i32_0 = arith.constant 0 : i32
    return %arg0, %c0_i32 : i32, i32
  }
  func.func @transform_1(%arg0: i32) -> (i32, i32) {
    %c0_i32 = arith.constant 0 : i32
    %c0_i32_0 = arith.constant 0 : i32
    return %arg0, %c0_i32 : i32, i32
  }
  func.func @transform_2(%arg0: i32) -> (i32, i32) {
    %c0_i32 = arith.constant 0 : i32
    %c0_i32_0 = arith.constant 0 : i32
    %c0_i32_1 = arith.constant 0 : i32
    return %c0_i32, %c0_i32_0 : i32, i32
  }
  func.func @transform_3(%arg0: i32) -> (i32, i32) {
    %c0_i32 = arith.constant 0 : i32
    %c0_i32_0 = arith.constant 0 : i32
    %c0_i32_1 = arith.constant 0 : i32
    return %c0_i32, %c0_i32_0 : i32, i32
  }
  func.func @transform_4(%arg0: i32) -> (i32, i32, i32) {
    %c0_i32 = arith.constant 0 : i32
    %c0_i32_0 = arith.constant 0 : i32
    %c0_i32_1 = arith.constant 0 : i32
    return %arg0, %c0_i32, %c0_i32_0 : i32, i32, i32
  }
  func.func @transform_5(%arg0: i32) -> (i32, i32) {
    %c0_i32 = arith.constant 0 : i32
    %c0_i32_0 = arith.constant 0 : i32
    %c0_i32_1 = arith.constant 0 : i32
    return %c0_i32, %c0_i32_0 : i32, i32
  }
}

module attributes {stable_mosaic.version = 14 : i64} {
  func.func @_st_body(%arg0: i32, %arg1: memref<1024x256xf32, #tpu.memory_space<vmem>>, %arg2: memref<1024x256xf32, #tpu.memory_space<vmem>>, %arg3: memref<1024x256xf32, #tpu.memory_space<vmem>>) attributes {dimension_semantics = [#tpu.dimension_semantics<arbitrary>], iteration_bounds = array<i64: 8>, scalar_prefetch = 0 : i64, scratch_operands = 0 : i64, tpu.core_type = #tpu.core_type<tc>, window_params = [{transform_indices = @transform_0, window_bounds = array<i64: 1024, 256>}, {transform_indices = @transform_1, window_bounds = array<i64: 1024, 256>}, {transform_indices = @transform_2, window_bounds = array<i64: 1024, 256>}]} {
    %get3A = arith.constant 0 : index
    %get3A_0 = arith.constant 0 : index
    %get3A_1 = vector.load %arg1[%get3A, %get3A_0] : memref<1024x256xf32, #tpu.memory_space<vmem>>, vector<1024x256xf32>
    %get3A_2 = arith.constant 0 : index
    %get3A_3 = arith.constant 0 : index
    %get3A_4 = vector.load %arg2[%get3A_2, %get3A_3] : memref<1024x256xf32, #tpu.memory_space<vmem>>, vector<1024x256xf32>
    %sub3A = arith.subf %get3A_4, %get3A_1 : vector<1024x256xf32>
    %add3A = arith.addf %get3A_1, %sub3A : vector<1024x256xf32>
    %swap3A = arith.constant 0 : index
    %swap3A_5 = arith.constant 0 : index
    %swap3A_6 = vector.load %arg3[%swap3A, %swap3A_5] : memref<1024x256xf32, #tpu.memory_space<vmem>>, vector<1024x256xf32>
    tpu.vector_store %arg3[%swap3A, %swap3A_5], %add3A {strides = array<i32>} : memref<1024x256xf32, #tpu.memory_space<vmem>>, vector<1024x256xf32>,
    return
  }
  func.func @transform_0(%arg0: i32) -> (i32, i32) {
    %c0_i32 = arith.constant 0 : i32
    %c0_i32_0 = arith.constant 0 : i32
    return %arg0, %c0_i32 : i32, i32
  }
  func.func @transform_1(%arg0: i32) -> (i32, i32) {
    %c0_i32 = arith.constant 0 : i32
    %c0_i32_0 = arith.constant 0 : i32
    return %arg0, %c0_i32 : i32, i32
  }
  func.func @transform_2(%arg0: i32) -> (i32, i32) {
    %c0_i32 = arith.constant 0 : i32
    %c0_i32_0 = arith.constant 0 : i32
    return %arg0, %c0_i32 : i32, i32
  }
}

</mosaic_0001>

<sc_bundles>
// kernel: kernel.5.cloned.1.call-start
scs
__scs_entry_jumppad:
0x0: {  	(pc) =	sbr.rel $0x88, $3  }
0x1: {  	(tag) =	ssettag $0x0;
	lr =	simm.s32 $0x1  }
0x2: {  	[smem:$0x3F9F] =	sst lr;
	_ =	strace $0xD0000000  }
0x3: {  	_ = 	snop  }
0x4: {  	_ = 	snop  }
0x5: {  	_ = 	snop  }
0x6: {  	_ = 	snop  }
0x7: {  	_ = 	snop  }
__scs_overlays_trampoline_lowered:
0x8: {  	[smem:$0x3FAE] =	sst s0  }
0x9: {  	[smem:$0x3FAF] =	sst s1  }
0xa: {  	[smem:$0x3FB0] =	sst s2  }
0xb: {  	[smem:$0x3FB1] =	sst s3  }
0xc: {  	[smem:$0x3FB2] =	sst s4  }
0xd: {  	[smem:$0x3FB3] =	sst s5  }
0xe: {  	[smem:$0x3FB4] =	sst s6  }
0xf: {  	[smem:$0x3FB5] =	sst s7  }
0x10: {  	[smem:$0x3FB6] =	sst s8  }
0x11: {  	[smem:$0x3FB7] =	sst s9;
	s0 =	simm.s32 @!p0 $0x0  }
0x12: {  	s1 =	sld [smem:$0x3F9D];
	s0 =	simm.s32 @p0 $0x1  }
0x13: {  	[smem:$0x3FB8] =	sst s0;
	s0 =	simm.s32 @!p1 $0x0  }
0x14: {  	s2 =	sld [smem:$0x3F9C];
	s0 =	simm.s32 @p1 $0x1  }
0x15: {  	[smem:$0x3FB9] =	sst s0;
	s0 =	simm.s32 @!p2 $0x0  }
0x16: {  	s3 =	sld [smem:$0x3FDB];
	s0 =	simm.s32 @p2 $0x1  }
0x17: {  	s4 =	simm.s32 $0x1BF5;
	[smem:$0x3FBB] =	sst s0  }
0x18: {  	s0 =	sld [smem:$0x3F9E];
	_ =	swait.ge [sflag:s4], $0x0  }
0x19: {  	s7 =	sld [smem:$0x3F9F]  }
0x1a: {  	s8 =	sadd.s32 $0xFFFFE003, lr  }
0x1b: {  	s9 =	sadd.s32 $0xFFFFFEF7, lr;
	s5 =	simm.s32 $0xFFFFFFFF;
	p2 =	slt.u32 s8, $0xFFFFF086  }
0x1c: {  	p1 =	slt.u32 s9, $0xF7A;
	s5 =	simm.s32 @!p2 $0x0  }
0x1d: {  	s5 =	simm.s32 @p1 $0x1;
	p0 =	seq.s32 s7, s2  }
0x1e: {  	s7 =	smul.u32 @!p0 $0xF7A, s2;
	p2 =	seq.s32 @!p0 s5, $0x0  }
0x1f: {  	s9 =	smul.u32 $0xF7A, s1;
	s8 =	simm.s32 @!p0 $0x1BF5;
	p2 =	por !p2, p0  }
0x20: {  	[sflag:s8] =	ssyncset.s32 @!p0 $0xFFFFF086;
	s6 =	sadd.s32 @!p0 s3, s7;
	s7 =	simm.s32 @!p0 $0x108  }
0x21: {  	s3 =	sadd.s32 s3, s9;
	s6 =	sadd.s32 @!p0 $0x88, s6;
	s7 =	simm.s32 @p2 $0x1082  }
0x22: {  	[simem:s7], [sflag:s8] =	dma.local @!p0 [hbm:s6], $0xF7A  }
0x23: {  	s9 =	sor.u32 $0xD0000000, s2;
	s6 =	simm.s32 $0x108;
	_ =	swait.ge @!p0 [sflag:s8], $0x0  }
0x24: {  	s3 =	sadd.s32 $0x88, s3;
	s6 =	simm.s32 @!p1 $0x1082;
	[sflag:s4] =	ssyncset.s32 $0xFFFFF086  }
0x25: {  	[simem:s6], [sflag:s4] =	dma.local [hbm:s3], $0xF7A  }
0x26: {  	[smem:$0x3F9F] =	sst s1;
	(tag) =	ssettag s2;
	_ =	strace s9  }
0x27: {  	s1 =	sld [smem:$0x3FAF]  }
0x28: {  	s2 =	sld [smem:$0x3FB0]  }
0x29: {  	s4 =	sld [smem:$0x3FB2]  }
0x2a: {  	p0 =	seq.s32 s5, $0x0;
	s5 =	sld [smem:$0x3FB3]  }
0x2b: {  	s6 =	sld [smem:$0x3FB4]  }
0x2c: {  	s7 =	sld [smem:$0x3FB5]  }
0x2d: {  	s3 =	simm.s32 $0x108;
	s8 =	sld [smem:$0x3FB6]  }
0x2e: {  	s3 =	simm.s32 @!p0 $0x1082;
	s9 =	sld [smem:$0x3FB7]  }
0x2f: {  	lr =	sadd.s32 s0, s3;
	s0 =	sld [smem:$0x3FAE]  }
0x30: {  	s3 =	sld [smem:$0x3FB1]  }
0x31: {  	[smem:$0x3FBA] =	sst s10  }
0x32: {  	s10 =	sld [smem:$0x3FB8];
	_ =	sdelay $0x3  }
0x33: {  	p0 =	seq.s32 s10, $0x1;
	s10 =	sld [smem:$0x3FBA];
	_ =	sdelay $0x3  }
0x34: {  	[smem:$0x3FBA] =	sst s10  }
0x35: {  	s10 =	sld [smem:$0x3FB9];
	_ =	sdelay $0x3  }
0x36: {  	p1 =	seq.s32 s10, $0x1;
	s10 =	sld [smem:$0x3FBA];
	_ =	sdelay $0x3  }
0x37: {  	[smem:$0x3FBA] =	sst s10  }
0x38: {  	s10 =	sld [smem:$0x3FBB]  }
0x39: {  	_ = 	snop;
	(pc) =	sbr.ind lr, $3  }
0x3a: {  	_ = 	snop  }
0x3b: {  	_ = 	snop  }
0x3c: {  	p2 =	seq.s32 s10, $0x1;
	s10 =	sld [smem:$0x3FBA]  }
0x3d: {  	_ =	shalt  }
0x3e: {  	_ =	shalt  }
0x3f: {  	_ =	shalt  }
0x40: {  	_ =	shalt  }
0x41: {  	_ =	shalt  }
0x42: {  	_ =	shalt  }
0x43: {  	_ =	shalt  }
0x44: {  	_ =	shalt  }
0x45: {  	_ =	shalt  }
0x46: {  	_ =	shalt  }
0x47: {  	_ =	shalt  }
0x48: {  	_ =	shalt  }
0x49: {  	_ =	shalt  }
0x4a: {  	_ =	shalt  }
0x4b: {  	_ =	shalt  }
0x4c: {  	_ =	shalt  }
0x4d: {  	_ =	shalt  }
0x4e: {  	_ =	shalt  }
0x4f: {  	_ =	shalt  }
0x50: {  	_ =	shalt  }
0x51: {  	_ =	shalt  }
0x52: {  	_ =	shalt  }
0x53: {  	_ =	shalt  }
0x54: {  	_ =	shalt  }
0x55: {  	_ =	shalt  }
0x56: {  	_ =	shalt  }
0x57: {  	_ =	shalt  }
0x58: {  	_ =	shalt  }
0x59: {  	_ =	shalt  }
0x5a: {  	_ =	shalt  }
0x5b: {  	_ =	shalt  }
0x5c: {  	_ =	shalt  }
0x5d: {  	_ =	shalt  }
0x5e: {  	_ =	shalt  }
0x5f: {  	_ =	shalt  }
0x60: {  	_ =	shalt  }
0x61: {  	_ =	shalt  }
0x62: {  	_ =	shalt  }
0x63: {  	_ =	shalt  }
0x64: {  	_ =	shalt  }
0x65: {  	_ =	shalt  }
0x66: {  	_ =	shalt  }
0x67: {  	_ =	shalt  }
0x68: {  	_ =	shalt  }
0x69: {  	_ =	shalt  }
0x6a: {  	_ =	shalt  }
0x6b: {  	_ =	shalt  }
0x6c: {  	_ =	shalt  }
0x6d: {  	_ =	shalt  }
0x6e: {  	_ =	shalt  }
0x6f: {  	_ =	shalt  }
0x70: {  	_ =	shalt  }
0x71: {  	_ =	shalt  }
0x72: {  	_ =	shalt  }
0x73: {  	_ =	shalt  }
0x74: {  	_ =	shalt  }
0x75: {  	_ =	shalt  }
0x76: {  	_ =	shalt  }
0x77: {  	_ =	shalt  }
0x78: {  	_ =	shalt  }
0x79: {  	_ =	shalt  }
0x7a: {  	_ =	shalt  }
0x7b: {  	_ =	shalt  }
0x7c: {  	_ =	shalt  }
0x7d: {  	_ =	shalt  }
0x7e: {  	_ =	shalt  }
0x7f: {  	_ =	shalt  }
0x80: {  	_ =	shalt  }
0x81: {  	_ =	shalt  }
0x82: {  	_ =	shalt  }
0x83: {  	_ =	shalt  }
0x84: {  	_ =	shalt  }
0x85: {  	_ =	shalt  }
0x86: {  	_ =	shalt  }
0x87: {  	_ =	shalt  }
.Lfunc_end0:
.L_simem_size_0:
called_computation_lowered:
.L_overlay_start_0:
0x88: {  	s2 =	sld [smem:$0x3FD9]  }
0x89: {  	s3 =	sld [smem:$0x3FFE];
	_ =	sdelay $0x1  }
0x8a: {  	s1 =	srdreg.scid  }
0x8b: {  	s0 =	sand.u32 $0x1, s1  }
0x8c: {  	s14 =	sshll.u32 s0, $0xA;
	s2 =	sadd.s32 s3, s2  }
0x8d: {  	s2 =	sadd.s32 s2, s14  }
0x8e: {  	[smem:$0x3FC6] =	sst s2  }
0x8f: {  	_ = 	snop  }
0x90: {  	s2 =	sld [smem:$0x3FD0];
	_ =	sdelay $0x2  }
0x91: {  	s4 =	simm.s32 $0xA;
	s5 =	simm.s32 $0x10;
	s15 =	sld [smem:$0x3FC8]  }
0x92: {  	[smem:s5], [sflag:s4] =	dma.local [hbm:s2], $0x1  }
0x93: {  	_ =	swait.eq [sflag:s4], $0x1  }
0x94: {  	[sflag:s4] =	ssyncset.done $0x0  }
0x95: {  	[sflag:s4] =	ssyncadd.s32 $0xFFFFFFFF  }
0x96: {  	s16 =	sld [smem:$0x10];
	(tm) =	ssettm $0x1  }
0x97: {  	s17 =	sld [smem:$0x3FFB];
	_ =	sdelay $0x3  }
0x98: {  	_ =	strace s17  }
0x99: {  	s4 =	sld [smem:$0x3FFC];
	_ =	sdelay $0x3  }
0x9a: {  	_ =	strace s4  }
0x9b: {  	s4 =	sld [smem:$0x3FFD];
	_ =	sdelay $0x3  }
0x9c: {  	_ =	strace s4  }
0x9d: {  	_ =	strace $0x8FFFFFFF  }
0x9e: {  	s18 =	sld [smem:$0x3FDB];
	_ =	sdelay $0x1  }
0x9f: {  	s19 =	simm.s32 $_scs_section_size  }
0xa0: {  	s6 =	simm.s32 $_size__tile_overlayer_lowered;
	s7 =	simm.s32 $_tile_overlayer_lowered  }
0xa1: {  	s22 =	simm.s32 $0x1BFF;
	s21 =	sshll.u32 s7, $0x1;
	s4 =	sadd.s32 s19, s18  }
0xa2: {  	s8 =	simm.s32 $0x0;
	s20 =	sshll.u32 s6, $0x1;
	s6 =	sadd.s32 s21, s4  }
0xa3: {  	[timem:s8], [sflag:s22] =	dma.local [hbm:s6], s20  }
0xa4: {  	_ =	swait.ge [sflag:s22], s20  }
0xa5: {  	s5 =	ssub.s32 $0x0, s20;
	[sflag:s22] =	ssyncset.done $0x0  }
0xa6: {  	[sflag:s22] =	ssyncadd.s32 s5;
	_ =	sdelay $0x1  }
0xa7: {  	s23 =	simm.s32 $0x1B8B  }
0xa8: {  	_ =	swait.ge [sflag:s23], $0x1  }
0xa9: {  	[sflag:s23] =	ssyncset.done $0x0  }
0xaa: {  	s25 =	simm.s32 $0x1B8E;
	s24 =	sld [smem:$0x3FFE];
	[sflag:s23] =	ssyncadd.s32 $0xFFFFFFFF  }
0xab: {  	s26 =	simm.s32 $execute0_lowered;
	[smem:$0x3FD2] =	sst s25  }
0xac: {  	s6 =	sshll.u32 s26, $0x1;
	_ =	strace $0x80000046;
	[dreg:$0x1] =	wrdreg $0xFFFFFFFF  }
0xad: {  	s28 =	simm.s32 $_size_execute0_lowered;
	s4 =	sadd.s32 s4, s6;
	[dreg:$0x0] =	wrdreg $0x0  }
0xae: {  	s6 =	sshll.u32 s28, $0x1;
	[dreg:$0x2] =	wrdreg s4  }
0xaf: {  	[dreg:$0x3] =	wrdreg s6  }
0xb0: {  	[dreg:$0x4] =	wrdreg $0xC0  }
0xb1: {  	_ =	task [dreg:s8], $0x5FFFF  }
0xb2: {  	[dreg:$0x1] =	wrdreg $0xFFFFFFFF  }
0xb3: {  	[dreg:$0x0] =	wrdreg $0x60  }
0xb4: {  	[dreg:$0x2] =	wrdreg s15  }
0xb5: {  	[dreg:$0x3] =	wrdreg s24  }
0xb6: {  	[dreg:$0x4] =	wrdreg s16  }
0xb7: {  	[dreg:$0x5] =	wrdreg $0x9  }
0xb8: {  	_ =	task.clear_ibuf [dreg:s8], $0x6FFFF;
	_ =	strace $0x90000046  }
0xb9: {  	s29 =	simm.s32 $0x9;
	_ =	strace $0x80000048  }
0xba: {  	_ =	swait.ge [sflag:s29], $0x1  }
0xbb: {  	[sflag:s29] =	ssyncadd.s32 $0xFFFFFFFF  }
0xbc: {  	_ =	strace $0x90000048  }
0xbd: {  	_ =	sfence  }
0xbe: {  	s30 =	sld [smem:$0x0];
	_ =	sdelay $0x2  }
0xbf: {  	s31 =	sshll.u32 s1, $0xD;
	s1 =	sshrl.u32 s1, $0x2  }
0xc0: {  	s3 =	sand.u32 $0x4000, s31;
	s1 =	sadd.s32 s1, s30  }
0xc1: {  	s0 =	sor.u32 s3, s0;
	s1 =	sshll.u32 s1, $0x11  }
0xc2: {  	s0 =	sor.u32 s1, s0  }
0xc3: {  	s0 =	sadd.s32 $0x8F2B, s0  }
0xc4: {  	[sflag:s0] =	ssyncadd.remote.s32 $0x1  }
0xc5: {  	_ =	sfence.sel $0xFFFF  }
0xc6: {  	[dreg:$0x0] =	wrdreg $0xFFFFFFFF;
	(pc) =	sbr.abs _section_cstart, $3  }
0xc7: {  	[dreg:$0x1] =	wrdreg $0xFFFFFFFF  }
0xc8: {  	_ =	task.clear_ibuf [dreg:s8], $0x2FFFF;
	_ =	strace $0x9FFFFFFF  }
0xc9: {  	(tm) =	ssettm $0x7FFFFFFF  }
tec
execute0_lowered:
.L_overlay_start_1:
0x0: {  	(tag) =	ssettag $0x1  }
0x1: {  	s1 =	rddreg [dreg:$0x0]  }
0x2: {  	s2 =	srdreg.scid;
	s4 =	rddreg [dreg:$0x1]  }
0x3: {  	s0 =	stileid.u32;
	s6 =	rddreg [dreg:$0x2];
	s19 =	simm.s32 $0x900  }
0x4: {  	s20 =	simm.s32 $0x1100;
	s21 =	simm.s32 $0x1900;
	s23 =	simm.s32 $0x2100  }
0x5: {  	s24 =	simm.s32 $0x2900;
	s25 =	simm.s32 $0x3100;
	s26 =	simm.s32 $0x3900  }
0x6: {  	s8 =	simm.s32 $0x4900;
	s9 =	simm.s32 $0x5100;
	s10 =	simm.s32 $0x5900  }
0x7: {  	s11 =	simm.s32 $0x6100;
	s12 =	simm.s32 $0x6900;
	s13 =	simm.s32 $0x7100  }
0x8: {  	s14 =	simm.s32 $0x7900;
	s15 =	simm.s32 $0x8100;
	s2 =	sand.u32 $0x1, s2  }
0x9: {  	s16 =	simm.s32 $0x8900;
	s3 =	sshll.u32 s0, $0x9;
	s5 =	sshll.u32 s2, $0x8  }
0xa: {  	s17 =	simm.s32 $0x9100;
	s5 =	sor.u32 s5, s3;
	s3 =	simm.s32 $0x0  }
0xb: {  	s28 =	simm.s32 $0xE100;
	s29 =	simm.s32 $0xE900;
	[smem:$0x7FF] =	sst s3  }
0xc: {  	s30 =	simm.s32 $0xF100;
	_ =	strace $0x80000047;
	[dreg:$0x6] =	wrdreg s19  }
0xd: {  	s31 =	simm.s32 $0xF900;
	s2 =	ssub.s32 $0x2, s2;
	[dreg:$0x7] =	wrdreg s20  }
0xe: {  	s22 =	sshrl.u32 s2, $0x1;
	s7 =	sshrl.u32 s5, $0x3;
	[dreg:$0x8] =	wrdreg s21  }
0xf: {  	s5 =	sshll.u32 s5, $0x5;
	s2 =	ssub.s32 s2, s22;
	[dreg:$0x9] =	wrdreg s23  }
0x10: {  	s22 =	simm.s32 $0xB900;
	s4 =	sadd.s32 s7, s4;
	[dreg:$0xa] =	wrdreg s24  }
0x11: {  	s18 =	sadd.s32 s6, s5;
	s5 =	simm.s32 $0x2;
	[dreg:$0xb] =	wrdreg s25  }
0x12: {  	s6 =	simm.s32 $0x100;
	[dreg:$0xc] =	wrdreg s26;
	s19 =	simm.s32 $0xA100  }
0x13: {  	s20 =	simm.s32 $0xA900;
	s21 =	simm.s32 $0xB100;
	s23 =	simm.s32 $0xC100  }
0x14: {  	v2 =	vlaneseq.u32;
	s24 =	simm.s32 $0xC900;
	s25 =	simm.s32 $0xD100;
	s26 =	simm.s32 $0xD900  }
0x15: {  	vm0 =	vmmov $0xffff;
	v1 =	vshrl.u32 v2, $0x3;
	s4 =	sadd.s32 $0x600, s4;
	[dreg:$0x5] =	wrdreg s18;
	s18 =	simm.s32 $0x9900  }
0x16: {  	v0 =	vand.u32 $0x7, v2;
	v2 =	vor.u32 $0x8, v2;
	v1 =	vmul.u32 $0x8, v1;
	[dreg:$0x4] =	wrdreg s4;
	s4 =	smax.u32 s2, $0x1;
	s2 =	simm.s32 $0x1  }
.LBB2_1:
0x17: {  	s0 =	rddreg [dreg:$0x4]  }
0x18: {  	[tilespmem:s3], [sflag:$0x2] =	stream.linear.gather [hbm4b:s0+s3], $0x100, $0x38;
	[tilespmem:$0x10100] =	vst v63  }
0x19: {  	_ =	swait.ge [sflag:s5], $0x100  }
0x1a: {  	[sflag:s5] =	ssyncset.done $0x0  }
0x1b: {  	[sflag:s5] =	ssyncadd.s32 $0xFFFFFF00  }
0x1c: {  	v3 =	vld [tilespmem:$0x0];
	_ =	sdelay $0x4  }
0x1d: {  	v4 =	vshll.u32 v3, $0x1  }
0x1e: {  	v3 =	vand.u32 $0x7, v3;
	v4 =	vand.u32 $0xFFFFFFF0, v4  }
0x1f: {  	v3 =	vor.u32 v3, v4  }
0x20: {  	v4 =	vperm.xlane v3, v0;
	_ =	sdelay $0x1  }
0x21: {  	v3 =	vperm.xlane v3, v2;
	v4 =	vadd.s32 v1, v4;
	_ =	sdelay $0x1  }
0x22: {  	v3 =	vadd.s32 v1, v3;
	_ =	sdelay $0x2  }
0x23: {  	[tilespmem:s6], [sflag:$0x1] =	stream.indirect_vreg.gather [hbm4b:s1+s3], $0x80, v4, vm0, $0xb8;
	[tilespmem:$0x10100] =	vst v63  }
0x24: {  	s7 =	rddreg [dreg:$0x6]  }
0x25: {  	[tilespmem:s7], [sflag:$0x1] =	stream.indirect_vreg.gather [hbm4b:s1+s3], $0x80, v3, vm0, $0xb8;
	[tilespmem:$0x10100] =	vst v63  }
0x26: {  	v3 =	vld [tilespmem:$0x10];
	_ =	sdelay $0x4  }
0x27: {  	v49 =	vshll.u32 v3, $0x1  }
0x28: {  	v3 =	vand.u32 $0x7, v3;
	v4 =	vand.u32 $0xFFFFFFF0, v49  }
0x29: {  	v3 =	vor.u32 v3, v4  }
0x2a: {  	v4 =	vperm.xlane v3, v0;
	_ =	sdelay $0x1  }
0x2b: {  	v3 =	vperm.xlane v3, v2;
	v4 =	vadd.s32 v1, v4;
	_ =	sdelay $0x1  }
0x2c: {  	v3 =	vadd.s32 v1, v3;
	_ =	sdelay $0x1  }
0x2d: {  	s0 =	rddreg [dreg:$0x7]  }
0x2e: {  	[tilespmem:s0], [sflag:$0x1] =	stream.indirect_vreg.gather [hbm4b:s1+s3], $0x80, v4, vm0, $0xb8;
	[tilespmem:$0x10100] =	vst v63  }
0x2f: {  	s7 =	rddreg [dreg:$0x8]  }
0x30: {  	[tilespmem:s7], [sflag:$0x1] =	stream.indirect_vreg.gather [hbm4b:s1+s3], $0x80, v3, vm0, $0xb8;
	[tilespmem:$0x10100] =	vst v63  }
0x31: {  	v3 =	vld [tilespmem:$0x20];
	_ =	sdelay $0x4  }
0x32: {  	v50 =	vshll.u32 v3, $0x1  }
0x33: {  	v3 =	vand.u32 $0x7, v3;
	v4 =	vand.u32 $0xFFFFFFF0, v50  }
0x34: {  	v3 =	vor.u32 v3, v4  }
0x35: {  	v4 =	vperm.xlane v3, v0;
	_ =	sdelay $0x1  }
0x36: {  	v3 =	vperm.xlane v3, v2;
	v4 =	vadd.s32 v1, v4;
	_ =	sdelay $0x1  }
0x37: {  	v3 =	vadd.s32 v1, v3;
	_ =	sdelay $0x1  }
0x38: {  	s0 =	rddreg [dreg:$0x9]  }
0x39: {  	[tilespmem:s0], [sflag:$0x1] =	stream.indirect_vreg.gather [hbm4b:s1+s3], $0x80, v4, vm0, $0xb8;
	[tilespmem:$0x10100] =	vst v63  }
0x3a: {  	s7 =	rddreg [dreg:$0xa]  }
0x3b: {  	[tilespmem:s7], [sflag:$0x1] =	stream.indirect_vreg.gather [hbm4b:s1+s3], $0x80, v3, vm0, $0xb8;
	[tilespmem:$0x10100] =	vst v63  }
0x3c: {  	v3 =	vld [tilespmem:$0x30];
	_ =	sdelay $0x4  }
0x3d: {  	v51 =	vshll.u32 v3, $0x1  }
0x3e: {  	v3 =	vand.u32 $0x7, v3;
	v4 =	vand.u32 $0xFFFFFFF0, v51  }
0x3f: {  	v3 =	vor.u32 v3, v4  }
0x40: {  	v4 =	vperm.xlane v3, v0;
	_ =	sdelay $0x1  }
0x41: {  	v3 =	vperm.xlane v3, v2;
	v4 =	vadd.s32 v1, v4;
	_ =	sdelay $0x1  }
0x42: {  	v3 =	vadd.s32 v1, v3;
	_ =	sdelay $0x1  }
0x43: {  	s0 =	rddreg [dreg:$0xb]  }
0x44: {  	[tilespmem:s0], [sflag:$0x1] =	stream.indirect_vreg.gather [hbm4b:s1+s3], $0x80, v4, vm0, $0xb8;
	[tilespmem:$0x10100] =	vst v63  }
0x45: {  	s7 =	rddreg [dreg:$0xc]  }
0x46: {  	[tilespmem:s7], [sflag:$0x1] =	stream.indirect_vreg.gather [hbm4b:s1+s3], $0x80, v3, vm0, $0xb8;
	[tilespmem:$0x10100] =	vst v63  }
0x47: {  	v3 =	vld [tilespmem:$0x40];
	_ =	sdelay $0x4  }
0x48: {  	v52 =	vshll.u32 v3, $0x1  }
0x49: {  	v3 =	vand.u32 $0x7, v3;
	v4 =	vand.u32 $0xFFFFFFF0, v52  }
0x4a: {  	v3 =	vor.u32 v3, v4  }
0x4b: {  	v4 =	vperm.xlane v3, v0;
	_ =	sdelay $0x1  }
0x4c: {  	v3 =	vperm.xlane v3, v2;
	v4 =	vadd.s32 v1, v4;
	_ =	sdelay $0x1  }
0x4d: {  	v3 =	vadd.s32 v1, v3;
	_ =	sdelay $0x1  }
0x4e: {  	s7 =	simm.s32 $0x4100  }
0x4f: {  	[tilespmem:s7], [sflag:$0x1] =	stream.indirect_vreg.gather [hbm4b:s1+s3], $0x80, v4, vm0, $0xb8;
	[tilespmem:$0x10100] =	vst v63  }
0x50: {  	_ = 	snop  }
0x51: {  	[tilespmem:s8], [sflag:$0x1] =	stream.indirect_vreg.gather [hbm4b:s1+s3], $0x80, v3, vm0, $0xb8;
	[tilespmem:$0x10100] =	vst v63  }
0x52: {  	v3 =	vld [tilespmem:$0x50];
	_ =	sdelay $0x4  }
0x53: {  	v53 =	vshll.u32 v3, $0x1  }
0x54: {  	v3 =	vand.u32 $0x7, v3;
	v4 =	vand.u32 $0xFFFFFFF0, v53  }
0x55: {  	v3 =	vor.u32 v3, v4  }
0x56: {  	v4 =	vperm.xlane v3, v0;
	_ =	sdelay $0x1  }
0x57: {  	v3 =	vperm.xlane v3, v2;
	v4 =	vadd.s32 v1, v4;
	_ =	sdelay $0x1  }
0x58: {  	v3 =	vadd.s32 v1, v3;
	_ =	sdelay $0x2  }
0x59: {  	[tilespmem:s9], [sflag:$0x1] =	stream.indirect_vreg.gather [hbm4b:s1+s3], $0x80, v4, vm0, $0xb8;
	[tilespmem:$0x10100] =	vst v63  }
0x5a: {  	_ = 	snop  }
0x5b: {  	[tilespmem:s10], [sflag:$0x1] =	stream.indirect_vreg.gather [hbm4b:s1+s3], $0x80, v3, vm0, $0xb8;
	[tilespmem:$0x10100] =	vst v63  }
0x5c: {  	v3 =	vld [tilespmem:$0x60];
	_ =	sdelay $0x4  }
0x5d: {  	v54 =	vshll.u32 v3, $0x1  }
0x5e: {  	v3 =	vand.u32 $0x7, v3;
	v4 =	vand.u32 $0xFFFFFFF0, v54  }
0x5f: {  	v3 =	vor.u32 v3, v4  }
0x60: {  	v4 =	vperm.xlane v3, v0;
	_ =	sdelay $0x1  }
0x61: {  	v3 =	vperm.xlane v3, v2;
	v4 =	vadd.s32 v1, v4;
	_ =	sdelay $0x1  }
0x62: {  	v3 =	vadd.s32 v1, v3;
	_ =	sdelay $0x2  }
0x63: {  	[tilespmem:s11], [sflag:$0x1] =	stream.indirect_vreg.gather [hbm4b:s1+s3], $0x80, v4, vm0, $0xb8;
	[tilespmem:$0x10100] =	vst v63  }
0x64: {  	_ = 	snop  }
0x65: {  	[tilespmem:s12], [sflag:$0x1] =	stream.indirect_vreg.gather [hbm4b:s1+s3], $0x80, v3, vm0, $0xb8;
	[tilespmem:$0x10100] =	vst v63  }
0x66: {  	v3 =	vld [tilespmem:$0x70];
	_ =	sdelay $0x4  }
0x67: {  	v55 =	vshll.u32 v3, $0x1  }
0x68: {  	v3 =	vand.u32 $0x7, v3;
	v4 =	vand.u32 $0xFFFFFFF0, v55  }
0x69: {  	v3 =	vor.u32 v3, v4  }
0x6a: {  	v4 =	vperm.xlane v3, v0;
	_ =	sdelay $0x1  }
0x6b: {  	v3 =	vperm.xlane v3, v2;
	v4 =	vadd.s32 v1, v4;
	_ =	sdelay $0x1  }
0x6c: {  	v3 =	vadd.s32 v1, v3;
	_ =	sdelay $0x2  }
0x6d: {  	[tilespmem:s13], [sflag:$0x1] =	stream.indirect_vreg.gather [hbm4b:s1+s3], $0x80, v4, vm0, $0xb8;
	[tilespmem:$0x10100] =	vst v63  }
0x6e: {  	_ = 	snop  }
0x6f: {  	[tilespmem:s14], [sflag:$0x1] =	stream.indirect_vreg.gather [hbm4b:s1+s3], $0x80, v3, vm0, $0xb8;
	[tilespmem:$0x10100] =	vst v63  }
0x70: {  	v3 =	vld [tilespmem:$0x80];
	_ =	sdelay $0x4  }
0x71: {  	v56 =	vshll.u32 v3, $0x1  }
0x72: {  	v3 =	vand.u32 $0x7, v3;
	v4 =	vand.u32 $0xFFFFFFF0, v56  }
0x73: {  	v3 =	vor.u32 v3, v4  }
0x74: {  	v4 =	vperm.xlane v3, v0;
	_ =	sdelay $0x1  }
0x75: {  	v3 =	vperm.xlane v3, v2;
	v4 =	vadd.s32 v1, v4;
	_ =	sdelay $0x1  }
0x76: {  	v3 =	vadd.s32 v1, v3;
	_ =	sdelay $0x2  }
0x77: {  	[tilespmem:s15], [sflag:$0x1] =	stream.indirect_vreg.gather [hbm4b:s1+s3], $0x80, v4, vm0, $0xb8;
	[tilespmem:$0x10100] =	vst v63  }
0x78: {  	_ = 	snop  }
0x79: {  	[tilespmem:s16], [sflag:$0x1] =	stream.indirect_vreg.gather [hbm4b:s1+s3], $0x80, v3, vm0, $0xb8;
	[tilespmem:$0x10100] =	vst v63  }
0x7a: {  	v3 =	vld [tilespmem:$0x90];
	_ =	sdelay $0x4  }
0x7b: {  	v57 =	vshll.u32 v3, $0x1  }
0x7c: {  	v3 =	vand.u32 $0x7, v3;
	v4 =	vand.u32 $0xFFFFFFF0, v57  }
0x7d: {  	v3 =	vor.u32 v3, v4  }
0x7e: {  	v4 =	vperm.xlane v3, v0;
	_ =	sdelay $0x1  }
0x7f: {  	v3 =	vperm.xlane v3, v2;
	v4 =	vadd.s32 v1, v4;
	_ =	sdelay $0x1  }
0x80: {  	v3 =	vadd.s32 v1, v3;
	_ =	sdelay $0x2  }
0x81: {  	[tilespmem:s17], [sflag:$0x1] =	stream.indirect_vreg.gather [hbm4b:s1+s3], $0x80, v4, vm0, $0xb8;
	[tilespmem:$0x10100] =	vst v63  }
0x82: {  	_ = 	snop  }
0x83: {  	[tilespmem:s18], [sflag:$0x1] =	stream.indirect_vreg.gather [hbm4b:s1+s3], $0x80, v3, vm0, $0xb8;
	[tilespmem:$0x10100] =	vst v63  }
0x84: {  	v3 =	vld [tilespmem:$0xA0];
	_ =	sdelay $0x4  }
0x85: {  	v58 =	vshll.u32 v3, $0x1  }
0x86: {  	v3 =	vand.u32 $0x7, v3;
	v4 =	vand.u32 $0xFFFFFFF0, v58  }
0x87: {  	v3 =	vor.u32 v3, v4  }
0x88: {  	v4 =	vperm.xlane v3, v0;
	_ =	sdelay $0x1  }
0x89: {  	v3 =	vperm.xlane v3, v2;
	v4 =	vadd.s32 v1, v4;
	_ =	sdelay $0x1  }
0x8a: {  	v3 =	vadd.s32 v1, v3;
	_ =	sdelay $0x2  }
0x8b: {  	[tilespmem:s19], [sflag:$0x1] =	stream.indirect_vreg.gather [hbm4b:s1+s3], $0x80, v4, vm0, $0xb8;
	[tilespmem:$0x10100] =	vst v63  }
0x8c: {  	_ = 	snop  }
0x8d: {  	[tilespmem:s20], [sflag:$0x1] =	stream.indirect_vreg.gather [hbm4b:s1+s3], $0x80, v3, vm0, $0xb8;
	[tilespmem:$0x10100] =	vst v63  }
0x8e: {  	v3 =	vld [tilespmem:$0xB0];
	_ =	sdelay $0x4  }
0x8f: {  	v59 =	vshll.u32 v3, $0x1  }
0x90: {  	v3 =	vand.u32 $0x7, v3;
	v4 =	vand.u32 $0xFFFFFFF0, v59  }
0x91: {  	v3 =	vor.u32 v3, v4  }
0x92: {  	v4 =	vperm.xlane v3, v0;
	_ =	sdelay $0x1  }
0x93: {  	v3 =	vperm.xlane v3, v2;
	v4 =	vadd.s32 v1, v4;
	_ =	sdelay $0x1  }
0x94: {  	v3 =	vadd.s32 v1, v3;
	_ =	sdelay $0x2  }
0x95: {  	[tilespmem:s21], [sflag:$0x1] =	stream.indirect_vreg.gather [hbm4b:s1+s3], $0x80, v4, vm0, $0xb8;
	[tilespmem:$0x10100] =	vst v63  }
0x96: {  	_ = 	snop  }
0x97: {  	[tilespmem:s22], [sflag:$0x1] =	stream.indirect_vreg.gather [hbm4b:s1+s3], $0x80, v3, vm0, $0xb8;
	[tilespmem:$0x10100] =	vst v63  }
0x98: {  	v3 =	vld [tilespmem:$0xC0];
	_ =	sdelay $0x4  }
0x99: {  	v60 =	vshll.u32 v3, $0x1  }
0x9a: {  	v3 =	vand.u32 $0x7, v3;
	v4 =	vand.u32 $0xFFFFFFF0, v60  }
0x9b: {  	v3 =	vor.u32 v3, v4  }
0x9c: {  	v4 =	vperm.xlane v3, v0;
	_ =	sdelay $0x1  }
0x9d: {  	v3 =	vperm.xlane v3, v2;
	v4 =	vadd.s32 v1, v4;
	_ =	sdelay $0x1  }
0x9e: {  	v3 =	vadd.s32 v1, v3;
	_ =	sdelay $0x2  }
0x9f: {  	[tilespmem:s23], [sflag:$0x1] =	stream.indirect_vreg.gather [hbm4b:s1+s3], $0x80, v4, vm0, $0xb8;
	[tilespmem:$0x10100] =	vst v63  }
0xa0: {  	_ = 	snop  }
0xa1: {  	[tilespmem:s24], [sflag:$0x1] =	stream.indirect_vreg.gather [hbm4b:s1+s3], $0x80, v3, vm0, $0xb8;
	[tilespmem:$0x10100] =	vst v63  }
0xa2: {  	v3 =	vld [tilespmem:$0xD0];
	_ =	sdelay $0x4  }
0xa3: {  	v61 =	vshll.u32 v3, $0x1  }
0xa4: {  	v3 =	vand.u32 $0x7, v3;
	v4 =	vand.u32 $0xFFFFFFF0, v61  }
0xa5: {  	v3 =	vor.u32 v3, v4  }
0xa6: {  	v4 =	vperm.xlane v3, v0;
	_ =	sdelay $0x1  }
0xa7: {  	v3 =	vperm.xlane v3, v2;
	v4 =	vadd.s32 v1, v4;
	_ =	sdelay $0x1  }
0xa8: {  	v3 =	vadd.s32 v1, v3;
	_ =	sdelay $0x2  }
0xa9: {  	[tilespmem:s25], [sflag:$0x1] =	stream.indirect_vreg.gather [hbm4b:s1+s3], $0x80, v4, vm0, $0xb8;
	[tilespmem:$0x10100] =	vst v63  }
0xaa: {  	_ = 	snop  }
0xab: {  	[tilespmem:s26], [sflag:$0x1] =	stream.indirect_vreg.gather [hbm4b:s1+s3], $0x80, v3, vm0, $0xb8;
	[tilespmem:$0x10100] =	vst v63  }
0xac: {  	v3 =	vld [tilespmem:$0xE0];
	_ =	sdelay $0x4  }
0xad: {  	v62 =	vshll.u32 v3, $0x1  }
0xae: {  	v3 =	vand.u32 $0x7, v3;
	v4 =	vand.u32 $0xFFFFFFF0, v62  }
0xaf: {  	v3 =	vor.u32 v3, v4  }
0xb0: {  	v4 =	vperm.xlane v3, v0;
	_ =	sdelay $0x1  }
0xb1: {  	v3 =	vperm.xlane v3, v2;
	v4 =	vadd.s32 v1, v4;
	_ =	sdelay $0x1  }
0xb2: {  	v3 =	vadd.s32 v1, v3;
	_ =	sdelay $0x2  }
0xb3: {  	[tilespmem:s28], [sflag:$0x1] =	stream.indirect_vreg.gather [hbm4b:s1+s3], $0x80, v4, vm0, $0xb8;
	[tilespmem:$0x10100] =	vst v63  }
0xb4: {  	_ = 	snop  }
0xb5: {  	[tilespmem:s29], [sflag:$0x1] =	stream.indirect_vreg.gather [hbm4b:s1+s3], $0x80, v3, vm0, $0xb8;
	[tilespmem:$0x10100] =	vst v63  }
0xb6: {  	v3 =	vld [tilespmem:$0xF0];
	_ =	sdelay $0x4  }
0xb7: {  	v63 =	vshll.u32 v3, $0x1  }
0xb8: {  	v3 =	vand.u32 $0x7, v3;
	v4 =	vand.u32 $0xFFFFFFF0, v63  }
0xb9: {  	v3 =	vor.u32 v3, v4  }
0xba: {  	v4 =	vperm.xlane v3, v0;
	_ =	sdelay $0x1  }
0xbb: {  	v3 =	vperm.xlane v3, v2;
	v4 =	vadd.s32 v1, v4;
	_ =	sdelay $0x1  }
0xbc: {  	v3 =	vadd.s32 v1, v3;
	_ =	sdelay $0x2  }
0xbd: {  	[tilespmem:s30], [sflag:$0x1] =	stream.indirect_vreg.gather [hbm4b:s1+s3], $0x80, v4, vm0, $0xb8;
	[tilespmem:$0x10100] =	vst v63  }
0xbe: {  	_ = 	snop  }
0xbf: {  	[tilespmem:s31], [sflag:$0x1] =	stream.indirect_vreg.gather [hbm4b:s1+s3], $0x80, v3, vm0, $0xb8;
	[tilespmem:$0x10100] =	vst v63  }
0xc0: {  	_ =	swait.ge [sflag:s2], $0x10000  }
0xc1: {  	p0 =	sne.s32 s4, $0x1;
	[sflag:s2] =	ssyncset.done $0x0  }
.Ltmp0:
0xc2: {  	s7 =	rddreg [dreg:$0x5];
	[sflag:s2] =	ssyncadd.s32 $0xFFFF0000;
	(pc) =	sbr.rel @p0 .LBB2_1-.Ltmp0, $4  }
0xc3: {  	[hbm4b:s7+s3] =	stream.linear.scatter [tilespmem:s6], [sflag:$0x2], $0x10000, $0x38;
	[tilespmem:$0x10100] =	vst v63  }
0xc4: {  	_ =	swait.ge [sflag:s5], $0x10000  }
0xc5: {  	[sflag:s5] =	ssyncset.done $0x0  }
0xc6: {  	s4 =	sadd.s32 $0xFFFFFFFF, s4;
	[sflag:s5] =	ssyncadd.s32 $0xFFFF0000  }
0xc7: {  	_ =	sfence.sel $0x180000  }
0xc8: {  	[bflag:$0x0] =	sbarrier.arrive $0xFFFF  }
0xc9: {  	_ =	strace $0x90000047  }
0xca: {  	s0 =	stileid.u32;
	[bflag:$0x2] =	sbarrier.arrive $0xFFFF  }
0xcb: {  	p0 =	sne.s32 s0, $0x0;
	s0 =	rddreg [dreg:$0x3]  }
0xcc: {  	s0 =	sadd.s32 @!p0 $0x100000, s0  }
0xcd: {  	[sflag:s0] =	ssyncadd.tile.s32 @!p0 $0x1;
	_ =	shalt  }
.Lfunc_end2:
_tile_overlayer_lowered:
.L_overlay_start_2:
0xce: {  	(tag) =	ssettag $0x2  }
0xcf: {  	s0 =	rddreg [dreg:$0x0];
	s2 =	stileid.u32  }
0xd0: {  	s1 =	rddreg [dreg:$0x1];
	p0 =	sne.s32 s2, $0x0  }
0xd1: {  	s3 =	rddreg [dreg:$0x2];
	[bflag:$0x3] =	sbarrier.arrive $0xFFFF;
	s2 =	simm.s32 @!p0 $0x1C02  }
0xd2: {  	[timem:s3], [sflag:s2] =	dma.local @!p0 [hbm:s0], s1  }
0xd3: {  	s0 =	simm.s32 @!p0 $0x2  }
0xd4: {  	_ =	swait.ge @!p0 [sflag:s0], s1  }
0xd5: {  	s1 =	ssub.s32 @!p0 $0x0, s1;
	[sflag:s0] =	ssyncset.done @!p0 $0x0  }
0xd6: {  	[sflag:s0] =	ssyncadd.s32 @!p0 s1  }
0xd7: {  	[bflag:$0x3] =	sbarrier.arrive $0xFFFF  }
0xd8: {  	_ =	shalt  }

</sc_bundles>
